<compile_context>
chip_gen: v7x
topology: tpu7x:2x2x1
jax: 0.10.2.dev20260603
libtpu: 0.0.44.dev20260713+nightly
codegen_flags: <defaults>
</compile_context>

<pallas_src>
import functools

import jax
import jax.numpy as jnp
from jax import lax
from jax.experimental import pallas as pl
from jax.experimental.pallas import tpu as pltpu
from jax.experimental.pallas import tpu_sc as plsc

_N = 10000
_E = 320000
_DI = 128
_DH = 256
_DA = 144
_EPS = 1e-5

_CORES = 2
_TILES = 16
_K = 128
_NP = 10112
_RPT = _NP // _TILES


def _make_agg(D, mode):
  per_tile = _E // (_CORES * _TILES) if mode == "edge" else _E // _TILES
  chunks, tail_k = divmod(per_tile, _K)
  assert chunks % 2 == 0 and tail_k % 8 == 0 and tail_k > 0
  pairs = chunks // 2

  mesh = plsc.VectorSubcoreMesh(core_axis_name="c", subcore_axis_name="s")

  @functools.partial(
      pl.kernel,
      mesh=mesh,
      out_type=jax.ShapeDtypeStruct((_CORES, _NP, D), jnp.float32),
      scratch_types=[
          pltpu.VMEM_SHARED((_NP, D), jnp.float32),
          pltpu.VMEM((_K,), jnp.int32),
          pltpu.VMEM((_K,), jnp.int32),
          pltpu.VMEM((_K,), jnp.int32),
          pltpu.VMEM((_K,), jnp.int32),
          pltpu.VMEM((_K, D), jnp.float32),
          pltpu.VMEM((_K, D), jnp.float32),
          pltpu.VMEM((tail_k,), jnp.int32),
          pltpu.VMEM((tail_k,), jnp.int32),
          pltpu.VMEM((tail_k, D), jnp.float32),
          pltpu.SemaphoreType.DMA,
          pltpu.SemaphoreType.DMA,
          pltpu.SemaphoreType.DMA,
          pltpu.SemaphoreType.DMA,
          pltpu.SemaphoreType.DMA,
          pltpu.SemaphoreType.DMA,
          pltpu.SemaphoreType.DMA,
      ],
      compiler_params=pltpu.CompilerParams(use_tc_tiling_on_sc=False),
  )
  def agg(table, src_hbm, dst_hbm, zeros_hbm, out_hbm, acc,
          src_a, src_b, dst_a, dst_b, rows_a, rows_b,
          src_t, dst_t, rows_t,
          isem_a, isem_b, dsem_a, dsem_b, gsem_a, gsem_b, tsem):
    c = lax.axis_index("c")
    s = lax.axis_index("s")
    if mode == "edge":
      base = (c * _TILES + s) * per_tile
      src_off = base
      dst_off = base
    else:
      dst_off = s * per_tile
      src_off = c * _E + dst_off

    def fire_idx(i, sbuf, dbuf, ssem, dsem, width):
      pltpu.async_copy(src_hbm.at[pl.ds(src_off + i * _K, width)], sbuf, ssem)
      pltpu.async_copy(dst_hbm.at[pl.ds(dst_off + i * _K, width)], dbuf, dsem)

    def wait_one(hbm, buf, sem):
      pltpu.make_async_copy(hbm.at[pl.ds(0, buf.shape[0])], buf, sem).wait()

    def fire_gather(buf, rows, sem):
      pltpu.async_copy(table.at[buf], rows, sem)

    def wait_gather(buf, rows, sem):
      pltpu.make_async_copy(table.at[buf], rows, sem).wait()

    def scatter(dbuf, rows):
      pltpu.sync_copy(rows, acc.at[dbuf], add=True)

    fire_idx(0, src_a, dst_a, isem_a, dsem_a, _K)
    fire_idx(1, src_b, dst_b, isem_b, dsem_b, _K)
    pltpu.async_copy(src_hbm.at[pl.ds(src_off + chunks * _K, tail_k)],
                     src_t, tsem)
    pltpu.async_copy(dst_hbm.at[pl.ds(dst_off + chunks * _K, tail_k)],
                     dst_t, tsem)
    for j in range(_RPT // _K):
      pltpu.sync_copy(zeros_hbm, acc.at[pl.ds(s * _RPT + j * _K, _K)])
    rem = _RPT % _K
    if rem:
      pltpu.sync_copy(zeros_hbm.at[pl.ds(0, rem)],
                      acc.at[pl.ds(s * _RPT + (_RPT // _K) * _K, rem)])
    wait_one(src_hbm, src_a, isem_a)
    fire_gather(src_a, rows_a, gsem_a)
    wait_one(src_hbm, src_b, isem_b)
    fire_gather(src_b, rows_b, gsem_b)
    plsc.subcore_barrier()

    def pair(t, carry):
      i0 = 2 * t
      i1 = i0 + 1
      wait_gather(src_a, rows_a, gsem_a)

      @pl.when(i0 + 2 < chunks)
      def _():
        pltpu.async_copy(src_hbm.at[pl.ds(src_off + (i0 + 2) * _K, _K)],
                         src_a, isem_a)
      wait_one(dst_hbm, dst_a, dsem_a)
      scatter(dst_a, rows_a)

      @pl.when(i0 + 2 < chunks)
      def _():
        pltpu.async_copy(dst_hbm.at[pl.ds(dst_off + (i0 + 2) * _K, _K)],
                         dst_a, dsem_a)
        wait_one(src_hbm, src_a, isem_a)
        fire_gather(src_a, rows_a, gsem_a)

      wait_gather(src_b, rows_b, gsem_b)

      @pl.when(i1 + 2 < chunks)
      def _():
        pltpu.async_copy(src_hbm.at[pl.ds(src_off + (i1 + 2) * _K, _K)],
                         src_b, isem_b)
      wait_one(dst_hbm, dst_b, dsem_b)
      scatter(dst_b, rows_b)

      @pl.when(i1 + 2 < chunks)
      def _():
        pltpu.async_copy(dst_hbm.at[pl.ds(dst_off + (i1 + 2) * _K, _K)],
                         dst_b, dsem_b)
        wait_one(src_hbm, src_b, isem_b)
        fire_gather(src_b, rows_b, gsem_b)

      return carry

    lax.fori_loop(0, pairs, pair, 0)

    wait_one(src_hbm, src_t, tsem)
    wait_one(dst_hbm, dst_t, tsem)
    fire_gather(src_t, rows_t, gsem_a)
    wait_gather(src_t, rows_t, gsem_a)
    scatter(dst_t, rows_t)

    plsc.subcore_barrier()
    pltpu.sync_copy(acc.at[pl.ds(s * _RPT, _RPT)],
                    out_hbm.at[c, pl.ds(s * _RPT, _RPT)])

  return agg


_agg0 = _make_agg(_DA, "edge")
_agg1 = _make_agg(_DI, "feat")
_agg2 = _make_agg(_DI, "edge")


def _bn_relu(h, g, be):
  mu = jnp.mean(h, 0, keepdims=True)
  var = jnp.mean((h - mu) ** 2, 0, keepdims=True)
  return jnp.maximum((h - mu) * lax.rsqrt(var + _EPS) * g + be, 0.0)


def _mm_t(a, w):
  return lax.dot_general(a, w, (((1,), (1,)), ((), ())),
                         preferred_element_type=jnp.float32)


def _tc_a_body(a0_ref, x_ref, wl_ref, bl_ref, wr_ref, g_ref, be_ref,
               ht_ref, rinv_ref):
  a = a0_ref[...]
  s = a[0, :_N] + a[1, :_N]
  deg = s[:, _DI:_DI + 1]
  rinv = 1.0 / jnp.maximum(deg, 1.0)
  h = (_mm_t(s[:, :_DI] * rinv, wl_ref[...]) + bl_ref[...]
       + _mm_t(x_ref[...], wr_ref[...]))
  h1 = _bn_relu(h, g_ref[...], be_ref[...])
  ht_ref[...] = jnp.concatenate([h1[:, :_DI], h1[:, _DI:]], 0)
  rinv_ref[...] = rinv


def _tc_b_body(a1_ref, ht_ref, rinv_ref, wl_ref, bl_ref, wr_ref, g_ref,
               be_ref, wl2_ref, bl2_ref, wr2_ref, p_ref, r_ref):
  a = a1_ref[...]
  ht = ht_ref[...]
  rinv = rinv_ref[...]
  agg = jnp.concatenate([a[0, :_N], a[1, :_N]], 1) * rinv
  h1 = jnp.concatenate([ht[:_N], ht[_N:]], 1)
  h = _mm_t(agg, wl_ref[...]) + bl_ref[...] + _mm_t(h1, wr_ref[...])
  h2 = _bn_relu(h, g_ref[...], be_ref[...])
  p_ref[...] = _mm_t(h2, wl2_ref[...])
  r_ref[...] = _mm_t(h2, wr2_ref[...]) + bl2_ref[...]


def _tc_c_body(a2_ref, rinv_ref, r_ref, out_ref):
  a = a2_ref[...]
  h = (a[0, :_N] + a[1, :_N]) * rinv_ref[...] + r_ref[...]
  m = jnp.max(h, -1, keepdims=True)
  lse = jnp.log(jnp.sum(jnp.exp(h - m), -1, keepdims=True)) + m
  out_ref[...] = h - lse


def kernel(x, edge_index, Wl0, bl0, Wr0, Wl1, bl1, Wr1, Wl2, bl2, Wr2,
           g1, be1, g2, be2):
  src = edge_index[0]
  dst = edge_index[1]
  f32 = jnp.float32
  x_aug = jnp.concatenate(
      [x, jnp.ones((_N, 1), f32), jnp.zeros((_N, _DA - _DI - 1), f32)], 1)
  z144 = jnp.zeros((_K, _DA), f32)
  z128 = jnp.zeros((_K, _DI), f32)
  src_f = jnp.concatenate([src, src + _N])

  a0 = _agg0(x_aug, src, dst, z144)
  ht, rinv = pl.pallas_call(
      _tc_a_body,
      out_shape=[jax.ShapeDtypeStruct((2 * _N, _DI), f32),
                 jax.ShapeDtypeStruct((_N, 1), f32)],
  )(a0, x, Wl0, bl0.reshape(1, -1), Wr0, g1.reshape(1, -1),
    be1.reshape(1, -1))

  a1 = _agg1(ht, src_f, dst, z128)
  p, r = pl.pallas_call(
      _tc_b_body,
      out_shape=[jax.ShapeDtypeStruct((_N, _DI), f32),
                 jax.ShapeDtypeStruct((_N, _DI), f32)],
  )(a1, ht, rinv, Wl1, bl1.reshape(1, -1), Wr1, g2.reshape(1, -1),
    be2.reshape(1, -1), Wl2, bl2.reshape(1, -1), Wr2)

  a2 = _agg2(p, src, dst, z128)
  out = pl.pallas_call(
      _tc_c_body,
      out_shape=jax.ShapeDtypeStruct((_N, _DI), f32),
  )(a2, rinv, r)
  return out

# --- scband reference (transcript-rebuilt; emitter-appended) ---
"""Pipeline reference for scband-sage-16295105921339 (READ-ONLY COPY).

The authoritative reference and input builder live on the scoring server;
editing this copy changes nothing except your own understanding.
"""

import jax, jax.numpy as jnp
import numpy as np

N = 10000
E = 320000
D_IN = 128
D_H = 256
D_OUT = 128
EPS = 1e-5


def setup_inputs(seed: int = 0) -> dict:
    key = jax.random.key(seed)
    ks = jax.random.split(key, 16)
    x = jax.random.normal(ks[0], (N, D_IN), dtype=jnp.float32)
    edge_index = jax.random.randint(ks[1], (2, E), 0, N, dtype=jnp.int32)
    def lin(k, fan_out, fan_in):
        return (jax.random.normal(k, (fan_out, fan_in), dtype=jnp.float32)
                * (1.0 / np.sqrt(fan_in)))
    Wl0 = lin(ks[2], D_H, D_IN); bl0 = jnp.zeros((D_H,), jnp.float32); Wr0 = lin(ks[3], D_H, D_IN)
    Wl1 = lin(ks[4], D_H, D_H);  bl1 = jnp.zeros((D_H,), jnp.float32); Wr1 = lin(ks[5], D_H, D_H)
    Wl2 = lin(ks[6], D_OUT, D_H); bl2 = jnp.zeros((D_OUT,), jnp.float32); Wr2 = lin(ks[7], D_OUT, D_H)
    g1 = jnp.ones((D_H,), jnp.float32); be1 = jnp.zeros((D_H,), jnp.float32)
    g2 = jnp.ones((D_H,), jnp.float32); be2 = jnp.zeros((D_H,), jnp.float32)
    return {"x": x, "edge_index": edge_index,
            "Wl0": Wl0, "bl0": bl0, "Wr0": Wr0,
            "Wl1": Wl1, "bl1": bl1, "Wr1": Wr1,
            "Wl2": Wl2, "bl2": bl2, "Wr2": Wr2,
            "g1": g1, "be1": be1, "g2": g2, "be2": be2}


def _sage_conv(x, src, dst, Wl, bl, Wr):
    # mean aggregation of neighbor messages (PyG SAGEConv default)
    msgs = jnp.take(x, src, axis=0)
    agg = jax.ops.segment_sum(msgs, dst, num_segments=N)
    deg = jax.ops.segment_sum(jnp.ones((src.shape[0],), jnp.float32), dst, num_segments=N)
    agg = agg / jnp.clip(deg, 1.0, None)[:, None]
    return agg @ Wl.T + bl + x @ Wr.T


def _batch_norm(h, gamma, beta):
    mu = jnp.mean(h, axis=0)
    var = jnp.mean((h - mu) ** 2, axis=0)
    return (h - mu) / jnp.sqrt(var + EPS) * gamma + beta


def reference(x, edge_index, Wl0, bl0, Wr0, Wl1, bl1, Wr1, Wl2, bl2, Wr2, g1, be1, g2, be2):
    src = edge_index[0]
    dst = edge_index[1]
    h = _sage_conv(x, src, dst, Wl0, bl0, Wr0)
    h = _batch_norm(h, g1, be1)
    h = jax.nn.relu(h)
    # dropout omitted (deterministic eval)
    h = _sage_conv(h, src, dst, Wl1, bl1, Wr1)
    h = _batch_norm(h, g2, be2)
    h = jax.nn.relu(h)
    h = _sage_conv(h, src, dst, Wl2, bl2, Wr2)
    return jax.nn.log_softmax(h, axis=-1)

if __name__ == "__main__":
    import jax
    _d = setup_inputs()
    print(jax.jit(kernel)(*tuple(_d.values())))

</pallas_src>

<mosaic_0001>
#map = affine_map<(d0, d1) -> (0, 0)>
#map1 = affine_map<(d0, d1) -> (0)>
#map2 = affine_map<(d0, d1) -> (0, 0, 0)>
module attributes {stable_mosaic.version = 14 : i64} {
  func.func @agg(%arg0: i32, %arg1: i32, %arg2: memref<10000x144xf32, #tpu.memory_space<hbm>>, %arg3: memref<320000xi32, #tpu.memory_space<hbm>>, %arg4: memref<320000xi32, #tpu.memory_space<hbm>>, %arg5: memref<128x144xf32, #tpu.memory_space<hbm>>, %arg6: memref<2x10112x144xf32, #tpu.memory_space<hbm>>, %arg7: memref<10112x144xf32, #tpu.memory_space<vmem_shared>>, %arg8: memref<128xi32, #tpu.memory_space<vmem>>, %arg9: memref<128xi32, #tpu.memory_space<vmem>>, %arg10: memref<128xi32, #tpu.memory_space<vmem>>, %arg11: memref<128xi32, #tpu.memory_space<vmem>>, %arg12: memref<128x144xf32, #tpu.memory_space<vmem>>, %arg13: memref<128x144xf32, #tpu.memory_space<vmem>>, %arg14: memref<16xi32, #tpu.memory_space<vmem>>, %arg15: memref<16xi32, #tpu.memory_space<vmem>>, %arg16: memref<16x144xf32, #tpu.memory_space<vmem>>, %arg17: memref<!tpu.dma_semaphore, #tpu.memory_space<semaphore_mem>>, %arg18: memref<!tpu.dma_semaphore, #tpu.memory_space<semaphore_mem>>, %arg19: memref<!tpu.dma_semaphore, #tpu.memory_space<semaphore_mem>>, %arg20: memref<!tpu.dma_semaphore, #tpu.memory_space<semaphore_mem>>, %arg21: memref<!tpu.dma_semaphore, #tpu.memory_space<semaphore_mem>>, %arg22: memref<!tpu.dma_semaphore, #tpu.memory_space<semaphore_mem>>, %arg23: memref<!tpu.dma_semaphore, #tpu.memory_space<semaphore_mem>>) attributes {dimension_semantics = [#tpu.dimension_semantics<core_parallel>, #tpu.dimension_semantics<subcore_parallel>], iteration_bounds = array<i64: 2, 16>, scalar_prefetch = 0 : i64, scratch_operands = 17 : i64, tpu.core_type = #tpu.core_type<sc_vector_subcore>, window_params = [{transform_indices = #map}, {transform_indices = #map1}, {transform_indices = #map1}, {transform_indices = #map}, {transform_indices = #map2}]} {
    %mul3A = arith.constant 16 : i32
    %mul3A_0 = arith.muli %arg0, %mul3A : i32
    %add3A = arith.addi %mul3A_0, %arg1 : i32
    %mul3A_1 = arith.constant 10000 : i32
    %mul3A_2 = arith.muli %add3A, %mul3A_1 : i32
    %add3A_3 = arith.constant 0 : i32
    %add3A_4 = arith.addi %mul3A_2, %add3A_3 : i32
    %dma_start3A = tpu.memref_slice %arg3[%add3A_4] : memref<320000xi32, #tpu.memory_space<hbm>> -> memref<128xi32, #tpu.memory_space<hbm>>
    %dma_start3A_5 = tpu.memref_slice %arg3[%add3A_4] : memref<320000xi32, #tpu.memory_space<hbm>> -> memref<128xi32, #tpu.memory_space<hbm>>
    tpu.enqueue_dma source(%dma_start3A_5 : memref<128xi32, #tpu.memory_space<hbm>>) target(%arg8 : memref<128xi32, #tpu.memory_space<vmem>>) target_semaphore(%arg17 : memref<!tpu.dma_semaphore, #tpu.memory_space<semaphore_mem>>)
    %add3A_6 = arith.constant 0 : i32
    %add3A_7 = arith.addi %mul3A_2, %add3A_6 : i32
    %dma_start3A_8 = tpu.memref_slice %arg4[%add3A_7] : memref<320000xi32, #tpu.memory_space<hbm>> -> memref<128xi32, #tpu.memory_space<hbm>>
    %dma_start3A_9 = tpu.memref_slice %arg4[%add3A_7] : memref<320000xi32, #tpu.memory_space<hbm>> -> memref<128xi32, #tpu.memory_space<hbm>>
    tpu.enqueue_dma source(%dma_start3A_9 : memref<128xi32, #tpu.memory_space<hbm>>) target(%arg10 : memref<128xi32, #tpu.memory_space<vmem>>) target_semaphore(%arg19 : memref<!tpu.dma_semaphore, #tpu.memory_space<semaphore_mem>>)
    %add3A_10 = arith.constant 128 : i32
    %add3A_11 = arith.addi %mul3A_2, %add3A_10 : i32
    %dma_start3A_12 = tpu.memref_slice %arg3[%add3A_11] : memref<320000xi32, #tpu.memory_space<hbm>> -> memref<128xi32, #tpu.memory_space<hbm>>
    %dma_start3A_13 = tpu.memref_slice %arg3[%add3A_11] : memref<320000xi32, #tpu.memory_space<hbm>> -> memref<128xi32, #tpu.memory_space<hbm>>
    tpu.enqueue_dma source(%dma_start3A_13 : memref<128xi32, #tpu.memory_space<hbm>>) target(%arg9 : memref<128xi32, #tpu.memory_space<vmem>>) target_semaphore(%arg18 : memref<!tpu.dma_semaphore, #tpu.memory_space<semaphore_mem>>)
    %add3A_14 = arith.constant 128 : i32
    %add3A_15 = arith.addi %mul3A_2, %add3A_14 : i32
    %dma_start3A_16 = tpu.memref_slice %arg4[%add3A_15] : memref<320000xi32, #tpu.memory_space<hbm>> -> memref<128xi32, #tpu.memory_space<hbm>>
    %dma_start3A_17 = tpu.memref_slice %arg4[%add3A_15] : memref<320000xi32, #tpu.memory_space<hbm>> -> memref<128xi32, #tpu.memory_space<hbm>>
    tpu.enqueue_dma source(%dma_start3A_17 : memref<128xi32, #tpu.memory_space<hbm>>) target(%arg11 : memref<128xi32, #tpu.memory_space<vmem>>) target_semaphore(%arg20 : memref<!tpu.dma_semaphore, #tpu.memory_space<semaphore_mem>>)
    %add3A_18 = arith.constant 9984 : i32
    %add3A_19 = arith.addi %mul3A_2, %add3A_18 : i32
    %dma_start3A_20 = tpu.memref_slice %arg3[%add3A_19] : memref<320000xi32, #tpu.memory_space<hbm>> -> memref<16xi32, #tpu.memory_space<hbm>>
    %dma_start3A_21 = tpu.memref_slice %arg3[%add3A_19] : memref<320000xi32, #tpu.memory_space<hbm>> -> memref<16xi32, #tpu.memory_space<hbm>>
    tpu.enqueue_dma source(%dma_start3A_21 : memref<16xi32, #tpu.memory_space<hbm>>) target(%arg14 : memref<16xi32, #tpu.memory_space<vmem>>) target_semaphore(%arg23 : memref<!tpu.dma_semaphore, #tpu.memory_space<semaphore_mem>>)
    %add3A_22 = arith.constant 9984 : i32
    %add3A_23 = arith.addi %mul3A_2, %add3A_22 : i32
    %dma_start3A_24 = tpu.memref_slice %arg4[%add3A_23] : memref<320000xi32, #tpu.memory_space<hbm>> -> memref<16xi32, #tpu.memory_space<hbm>>
    %dma_start3A_25 = tpu.memref_slice %arg4[%add3A_23] : memref<320000xi32, #tpu.memory_space<hbm>> -> memref<16xi32, #tpu.memory_space<hbm>>
    tpu.enqueue_dma source(%dma_start3A_25 : memref<16xi32, #tpu.memory_space<hbm>>) target(%arg15 : memref<16xi32, #tpu.memory_space<vmem>>) target_semaphore(%arg23 : memref<!tpu.dma_semaphore, #tpu.memory_space<semaphore_mem>>)
    %mul3A_26 = arith.constant 632 : i32
    %mul3A_27 = arith.muli %arg1, %mul3A_26 : i32
    %add3A_28 = arith.constant 0 : i32
    %add3A_29 = arith.addi %mul3A_27, %add3A_28 : i32
    "tpu.region"() ({
      %run_scoped3A = tpu.sem_alloc : memref<!tpu.dma_semaphore, #tpu.memory_space<semaphore_mem>>
      %dma_start3A_83 = arith.constant 0 : i32
      %dma_start3A_84 = tpu.memref_slice %arg7[%add3A_29, %dma_start3A_83] : memref<10112x144xf32, #tpu.memory_space<vmem_shared>> -> memref<128x144xf32, #tpu.memory_space<vmem_shared>>
      tpu.enqueue_dma source(%arg5 : memref<128x144xf32, #tpu.memory_space<hbm>>) target(%dma_start3A_84 : memref<128x144xf32, #tpu.memory_space<vmem_shared>>) target_semaphore(%run_scoped3A : memref<!tpu.dma_semaphore, #tpu.memory_space<semaphore_mem>>)
      %dma_wait3A_85 = arith.constant 0 : i32
      %dma_wait3A_86 = tpu.memref_slice %arg7[%add3A_29, %dma_wait3A_85] : memref<10112x144xf32, #tpu.memory_space<vmem_shared>> -> memref<128x144xf32, #tpu.memory_space<vmem_shared>>
      tpu.wait_dma2 semaphore(%run_scoped3A : memref<!tpu.dma_semaphore, #tpu.memory_space<semaphore_mem>>) src(%arg5 : memref<128x144xf32, #tpu.memory_space<hbm>>) dst(%dma_wait3A_86 : memref<128x144xf32, #tpu.memory_space<vmem_shared>>)
      tpu.yield
    }) : () -> ()
    %mul3A_30 = arith.constant 632 : i32
    %mul3A_31 = arith.muli %arg1, %mul3A_30 : i32
    %add3A_32 = arith.constant 128 : i32
    %add3A_33 = arith.addi %mul3A_31, %add3A_32 : i32
    "tpu.region"() ({
      %run_scoped3A = tpu.sem_alloc : memref<!tpu.dma_semaphore, #tpu.memory_space<semaphore_mem>>
      %dma_start3A_83 = arith.constant 0 : i32
      %dma_start3A_84 = tpu.memref_slice %arg7[%add3A_33, %dma_start3A_83] : memref<10112x144xf32, #tpu.memory_space<vmem_shared>> -> memref<128x144xf32, #tpu.memory_space<vmem_shared>>
      tpu.enqueue_dma source(%arg5 : memref<128x144xf32, #tpu.memory_space<hbm>>) target(%dma_start3A_84 : memref<128x144xf32, #tpu.memory_space<vmem_shared>>) target_semaphore(%run_scoped3A : memref<!tpu.dma_semaphore, #tpu.memory_space<semaphore_mem>>)
      %dma_wait3A_85 = arith.constant 0 : i32
      %dma_wait3A_86 = tpu.memref_slice %arg7[%add3A_33, %dma_wait3A_85] : memref<10112x144xf32, #tpu.memory_space<vmem_shared>> -> memref<128x144xf32, #tpu.memory_space<vmem_shared>>
      tpu.wait_dma2 semaphore(%run_scoped3A : memref<!tpu.dma_semaphore, #tpu.memory_space<semaphore_mem>>) src(%arg5 : memref<128x144xf32, #tpu.memory_space<hbm>>) dst(%dma_wait3A_86 : memref<128x144xf32, #tpu.memory_space<vmem_shared>>)
      tpu.yield
    }) : () -> ()
    %mul3A_34 = arith.constant 632 : i32
    %mul3A_35 = arith.muli %arg1, %mul3A_34 : i32
    %add3A_36 = arith.constant 256 : i32
    %add3A_37 = arith.addi %mul3A_35, %add3A_36 : i32
    "tpu.region"() ({
      %run_scoped3A = tpu.sem_alloc : memref<!tpu.dma_semaphore, #tpu.memory_space<semaphore_mem>>
      %dma_start3A_83 = arith.constant 0 : i32
      %dma_start3A_84 = tpu.memref_slice %arg7[%add3A_37, %dma_start3A_83] : memref<10112x144xf32, #tpu.memory_space<vmem_shared>> -> memref<128x144xf32, #tpu.memory_space<vmem_shared>>
      tpu.enqueue_dma source(%arg5 : memref<128x144xf32, #tpu.memory_space<hbm>>) target(%dma_start3A_84 : memref<128x144xf32, #tpu.memory_space<vmem_shared>>) target_semaphore(%run_scoped3A : memref<!tpu.dma_semaphore, #tpu.memory_space<semaphore_mem>>)
      %dma_wait3A_85 = arith.constant 0 : i32
      %dma_wait3A_86 = tpu.memref_slice %arg7[%add3A_37, %dma_wait3A_85] : memref<10112x144xf32, #tpu.memory_space<vmem_shared>> -> memref<128x144xf32, #tpu.memory_space<vmem_shared>>
      tpu.wait_dma2 semaphore(%run_scoped3A : memref<!tpu.dma_semaphore, #tpu.memory_space<semaphore_mem>>) src(%arg5 : memref<128x144xf32, #tpu.memory_space<hbm>>) dst(%dma_wait3A_86 : memref<128x144xf32, #tpu.memory_space<vmem_shared>>)
      tpu.yield
    }) : () -> ()
    %mul3A_38 = arith.constant 632 : i32
    %mul3A_39 = arith.muli %arg1, %mul3A_38 : i32
    %add3A_40 = arith.constant 384 : i32
    %add3A_41 = arith.addi %mul3A_39, %add3A_40 : i32
    "tpu.region"() ({
      %run_scoped3A = tpu.sem_alloc : memref<!tpu.dma_semaphore, #tpu.memory_space<semaphore_mem>>
      %dma_start3A_83 = arith.constant 0 : i32
      %dma_start3A_84 = tpu.memref_slice %arg7[%add3A_41, %dma_start3A_83] : memref<10112x144xf32, #tpu.memory_space<vmem_shared>> -> memref<128x144xf32, #tpu.memory_space<vmem_shared>>
      tpu.enqueue_dma source(%arg5 : memref<128x144xf32, #tpu.memory_space<hbm>>) target(%dma_start3A_84 : memref<128x144xf32, #tpu.memory_space<vmem_shared>>) target_semaphore(%run_scoped3A : memref<!tpu.dma_semaphore, #tpu.memory_space<semaphore_mem>>)
      %dma_wait3A_85 = arith.constant 0 : i32
      %dma_wait3A_86 = tpu.memref_slice %arg7[%add3A_41, %dma_wait3A_85] : memref<10112x144xf32, #tpu.memory_space<vmem_shared>> -> memref<128x144xf32, #tpu.memory_space<vmem_shared>>
      tpu.wait_dma2 semaphore(%run_scoped3A : memref<!tpu.dma_semaphore, #tpu.memory_space<semaphore_mem>>) src(%arg5 : memref<128x144xf32, #tpu.memory_space<hbm>>) dst(%dma_wait3A_86 : memref<128x144xf32, #tpu.memory_space<vmem_shared>>)
      tpu.yield
    }) : () -> ()
    %mul3A_42 = arith.constant 632 : i32
    %mul3A_43 = arith.muli %arg1, %mul3A_42 : i32
    %add3A_44 = arith.constant 512 : i32
    %add3A_45 = arith.addi %mul3A_43, %add3A_44 : i32
    "tpu.region"() ({
      %run_scoped3A = tpu.sem_alloc : memref<!tpu.dma_semaphore, #tpu.memory_space<semaphore_mem>>
      %dma_start3A_83 = arith.constant 0 : i32
      %dma_start3A_84 = tpu.memref_slice %arg7[%add3A_45, %dma_start3A_83] : memref<10112x144xf32, #tpu.memory_space<vmem_shared>> -> memref<120x144xf32, #tpu.memory_space<vmem_shared>>
      %dma_start3A_85 = arith.constant 0 : i32
      %dma_start3A_86 = arith.constant 0 : i32
      %dma_start3A_87 = tpu.memref_slice %arg5[%dma_start3A_85, %dma_start3A_86] : memref<128x144xf32, #tpu.memory_space<hbm>> -> memref<120x144xf32, #tpu.memory_space<hbm>>
      tpu.enqueue_dma source(%dma_start3A_87 : memref<120x144xf32, #tpu.memory_space<hbm>>) target(%dma_start3A_84 : memref<120x144xf32, #tpu.memory_space<vmem_shared>>) target_semaphore(%run_scoped3A : memref<!tpu.dma_semaphore, #tpu.memory_space<semaphore_mem>>)
      %dma_wait3A_88 = arith.constant 0 : i32
      %dma_wait3A_89 = tpu.memref_slice %arg7[%add3A_45, %dma_wait3A_88] : memref<10112x144xf32, #tpu.memory_space<vmem_shared>> -> memref<120x144xf32, #tpu.memory_space<vmem_shared>>
      %dma_wait3A_90 = arith.constant 0 : i32
      %dma_wait3A_91 = arith.constant 0 : i32
      %dma_wait3A_92 = tpu.memref_slice %arg5[%dma_wait3A_90, %dma_wait3A_91] : memref<128x144xf32, #tpu.memory_space<hbm>> -> memref<120x144xf32, #tpu.memory_space<hbm>>
      tpu.wait_dma2 semaphore(%run_scoped3A : memref<!tpu.dma_semaphore, #tpu.memory_space<semaphore_mem>>) src(%dma_wait3A_92 : memref<120x144xf32, #tpu.memory_space<hbm>>) dst(%dma_wait3A_89 : memref<120x144xf32, #tpu.memory_space<vmem_shared>>)
      tpu.yield
    }) : () -> ()
    %dma_wait3A = arith.constant 0 : i32
    %dma_wait3A_46 = tpu.memref_slice %arg3[%dma_wait3A] : memref<320000xi32, #tpu.memory_space<hbm>> -> memref<128xi32, #tpu.memory_space<hbm>>
    %dma_wait3A_47 = arith.constant 0 : i32
    %dma_wait3A_48 = tpu.memref_slice %arg3[%dma_wait3A_47] : memref<320000xi32, #tpu.memory_space<hbm>> -> memref<128xi32, #tpu.memory_space<hbm>>
    tpu.wait_dma2 semaphore(%arg17 : memref<!tpu.dma_semaphore, #tpu.memory_space<semaphore_mem>>) src(%dma_wait3A_48 : memref<128xi32, #tpu.memory_space<hbm>>) dst(%arg8 : memref<128xi32, #tpu.memory_space<vmem>>)
    %dma_start3A_49 = arith.constant 0 : i32
    %dma_start3A_50 = arith.constant 0 : i32
    %dma_start3A_51 = tpu.memref_slice %arg2[%dma_start3A_49, %dma_start3A_50] : memref<10000x144xf32, #tpu.memory_space<hbm>> -> memref<10000x144xf32, #tpu.memory_space<hbm>>
    tpu.enqueue_indirect_dma source(%dma_start3A_51 : memref<10000x144xf32, #tpu.memory_space<hbm>>) target(%arg12 : memref<128x144xf32, #tpu.memory_space<vmem>>) offsets(%arg8 : memref<128xi32, #tpu.memory_space<vmem>>) semaphore(%arg21 : memref<!tpu.dma_semaphore, #tpu.memory_space<semaphore_mem>>)
    %dma_wait3A_52 = arith.constant 0 : i32
    %dma_wait3A_53 = tpu.memref_slice %arg3[%dma_wait3A_52] : memref<320000xi32, #tpu.memory_space<hbm>> -> memref<128xi32, #tpu.memory_space<hbm>>
    %dma_wait3A_54 = arith.constant 0 : i32
    %dma_wait3A_55 = tpu.memref_slice %arg3[%dma_wait3A_54] : memref<320000xi32, #tpu.memory_space<hbm>> -> memref<128xi32, #tpu.memory_space<hbm>>
    tpu.wait_dma2 semaphore(%arg18 : memref<!tpu.dma_semaphore, #tpu.memory_space<semaphore_mem>>) src(%dma_wait3A_55 : memref<128xi32, #tpu.memory_space<hbm>>) dst(%arg9 : memref<128xi32, #tpu.memory_space<vmem>>)
    %dma_start3A_56 = arith.constant 0 : i32
    %dma_start3A_57 = arith.constant 0 : i32
    %dma_start3A_58 = tpu.memref_slice %arg2[%dma_start3A_56, %dma_start3A_57] : memref<10000x144xf32, #tpu.memory_space<hbm>> -> memref<10000x144xf32, #tpu.memory_space<hbm>>
    tpu.enqueue_indirect_dma source(%dma_start3A_58 : memref<10000x144xf32, #tpu.memory_space<hbm>>) target(%arg13 : memref<128x144xf32, #tpu.memory_space<vmem>>) offsets(%arg9 : memref<128xi32, #tpu.memory_space<vmem>>) semaphore(%arg22 : memref<!tpu.dma_semaphore, #tpu.memory_space<semaphore_mem>>)
    %barrier3A = arith.constant 0 : index
    tpu.barrier barrier_id(%barrier3A)
    %scan3A = arith.constant 0 : i32
    %scan3A_59 = arith.constant 0 : i32
    %scan3A_60 = arith.constant 39 : i32
    %scan3A_61 = arith.addi %scan3A_59, %scan3A_60 : i32
    %scan3A_62 = arith.constant 1 : i32
    scf.for %scan3A_83 = %scan3A_59 to %scan3A_61 step %scan3A_62  : i32 {
      %mul3A_84 = arith.constant 2 : i32
      %mul3A_85 = arith.muli %mul3A_84, %scan3A_83 : i32
      %add3A_86 = arith.constant 1 : i32
      %add3A_87 = arith.addi %mul3A_85, %add3A_86 : i32
      %dma_wait3A_88 = arith.constant 0 : i32
      %dma_wait3A_89 = arith.constant 0 : i32
      %dma_wait3A_90 = tpu.memref_slice %arg2[%dma_wait3A_88, %dma_wait3A_89] : memref<10000x144xf32, #tpu.memory_space<hbm>> -> memref<10000x144xf32, #tpu.memory_space<hbm>>
      tpu.wait_indirect_dma semaphore(%arg21 : memref<!tpu.dma_semaphore, #tpu.memory_space<semaphore_mem>>) src(%dma_wait3A_90 : memref<10000x144xf32, #tpu.memory_space<hbm>>) dst(%arg12 : memref<128x144xf32, #tpu.memory_space<vmem>>)
      %add3A_91 = arith.constant 2 : i32
      %add3A_92 = arith.addi %mul3A_85, %add3A_91 : i32
      %lt3A = arith.constant 78 : i32
      %lt3A_93 = arith.cmpi slt, %add3A_92, %lt3A : i32
      %convert_element_type3A = arith.extui %lt3A_93 : i1 to i32
      %cond3A = arith.constant 0 : i32
      %cond3A_94 = arith.cmpi ne, %convert_element_type3A, %cond3A : i32
      scf.if %cond3A_94 {
        %add3A_127 = arith.constant 2 : i32
        %add3A_128 = arith.addi %mul3A_85, %add3A_127 : i32
        %mul3A_129 = arith.constant 128 : i32
        %mul3A_130 = arith.muli %add3A_128, %mul3A_129 : i32
        %add3A_131 = arith.addi %mul3A_2, %mul3A_130 : i32
        %dma_start3A_132 = tpu.memref_slice %arg3[%add3A_131] : memref<320000xi32, #tpu.memory_space<hbm>> -> memref<128xi32, #tpu.memory_space<hbm>>
        %dma_start3A_133 = tpu.memref_slice %arg3[%add3A_131] : memref<320000xi32, #tpu.memory_space<hbm>> -> memref<128xi32, #tpu.memory_space<hbm>>
        tpu.enqueue_dma source(%dma_start3A_133 : memref<128xi32, #tpu.memory_space<hbm>>) target(%arg8 : memref<128xi32, #tpu.memory_space<vmem>>) target_semaphore(%arg17 : memref<!tpu.dma_semaphore, #tpu.memory_space<semaphore_mem>>)
      } else {
      }
      %dma_wait3A_95 = arith.constant 0 : i32
      %dma_wait3A_96 = tpu.memref_slice %arg4[%dma_wait3A_95] : memref<320000xi32, #tpu.memory_space<hbm>> -> memref<128xi32, #tpu.memory_space<hbm>>
      %dma_wait3A_97 = arith.constant 0 : i32
      %dma_wait3A_98 = tpu.memref_slice %arg4[%dma_wait3A_97] : memref<320000xi32, #tpu.memory_space<hbm>> -> memref<128xi32, #tpu.memory_space<hbm>>
      tpu.wait_dma2 semaphore(%arg19 : memref<!tpu.dma_semaphore, #tpu.memory_space<semaphore_mem>>) src(%dma_wait3A_98 : memref<128xi32, #tpu.memory_space<hbm>>) dst(%arg10 : memref<128xi32, #tpu.memory_space<vmem>>)
      "tpu.region"() ({
        %run_scoped3A = tpu.sem_alloc : memref<!tpu.dma_semaphore, #tpu.memory_space<semaphore_mem>>
        %dma_start3A_127 = arith.constant 0 : i32
        %dma_start3A_128 = arith.constant 0 : i32
        %dma_start3A_129 = tpu.memref_slice %arg7[%dma_start3A_127, %dma_start3A_128] : memref<10112x144xf32, #tpu.memory_space<vmem_shared>> -> memref<10112x144xf32, #tpu.memory_space<vmem_shared>>
        tpu.enqueue_indirect_dma source(%arg12 : memref<128x144xf32, #tpu.memory_space<vmem>>) target(%dma_start3A_129 : memref<10112x144xf32, #tpu.memory_space<vmem_shared>>) offsets(%arg10 : memref<128xi32, #tpu.memory_space<vmem>>) semaphore(%run_scoped3A : memref<!tpu.dma_semaphore, #tpu.memory_space<semaphore_mem>>) {add = true}
        %dma_wait3A_130 = arith.constant 0 : i32
        %dma_wait3A_131 = arith.constant 0 : i32
        %dma_wait3A_132 = tpu.memref_slice %arg7[%dma_wait3A_130, %dma_wait3A_131] : memref<10112x144xf32, #tpu.memory_space<vmem_shared>> -> memref<10112x144xf32, #tpu.memory_space<vmem_shared>>
        tpu.wait_indirect_dma semaphore(%run_scoped3A : memref<!tpu.dma_semaphore, #tpu.memory_space<semaphore_mem>>) src(%arg12 : memref<128x144xf32, #tpu.memory_space<vmem>>) dst(%dma_wait3A_132 : memref<10112x144xf32, #tpu.memory_space<vmem_shared>>)
        tpu.yield
      }) : () -> ()
      %add3A_99 = arith.constant 2 : i32
      %add3A_100 = arith.addi %mul3A_85, %add3A_99 : i32
      %lt3A_101 = arith.constant 78 : i32
      %lt3A_102 = arith.cmpi slt, %add3A_100, %lt3A_101 : i32
      %convert_element_type3A_103 = arith.extui %lt3A_102 : i1 to i32
      %cond3A_104 = arith.constant 0 : i32
      %cond3A_105 = arith.cmpi ne, %convert_element_type3A_103, %cond3A_104 : i32
      scf.if %cond3A_105 {
        %add3A_127 = arith.constant 2 : i32
        %add3A_128 = arith.addi %mul3A_85, %add3A_127 : i32
        %mul3A_129 = arith.constant 128 : i32
        %mul3A_130 = arith.muli %add3A_128, %mul3A_129 : i32
        %add3A_131 = arith.addi %mul3A_2, %mul3A_130 : i32
        %dma_start3A_132 = tpu.memref_slice %arg4[%add3A_131] : memref<320000xi32, #tpu.memory_space<hbm>> -> memref<128xi32, #tpu.memory_space<hbm>>
        %dma_start3A_133 = tpu.memref_slice %arg4[%add3A_131] : memref<320000xi32, #tpu.memory_space<hbm>> -> memref<128xi32, #tpu.memory_space<hbm>>
        tpu.enqueue_dma source(%dma_start3A_133 : memref<128xi32, #tpu.memory_space<hbm>>) target(%arg10 : memref<128xi32, #tpu.memory_space<vmem>>) target_semaphore(%arg19 : memref<!tpu.dma_semaphore, #tpu.memory_space<semaphore_mem>>)
        %dma_wait3A_134 = arith.constant 0 : i32
        %dma_wait3A_135 = tpu.memref_slice %arg3[%dma_wait3A_134] : memref<320000xi32, #tpu.memory_space<hbm>> -> memref<128xi32, #tpu.memory_space<hbm>>
        %dma_wait3A_136 = arith.constant 0 : i32
        %dma_wait3A_137 = tpu.memref_slice %arg3[%dma_wait3A_136] : memref<320000xi32, #tpu.memory_space<hbm>> -> memref<128xi32, #tpu.memory_space<hbm>>
        tpu.wait_dma2 semaphore(%arg17 : memref<!tpu.dma_semaphore, #tpu.memory_space<semaphore_mem>>) src(%dma_wait3A_137 : memref<128xi32, #tpu.memory_space<hbm>>) dst(%arg8 : memref<128xi32, #tpu.memory_space<vmem>>)
        %dma_start3A_138 = arith.constant 0 : i32
        %dma_start3A_139 = arith.constant 0 : i32
        %dma_start3A_140 = tpu.memref_slice %arg2[%dma_start3A_138, %dma_start3A_139] : memref<10000x144xf32, #tpu.memory_space<hbm>> -> memref<10000x144xf32, #tpu.memory_space<hbm>>
        tpu.enqueue_indirect_dma source(%dma_start3A_140 : memref<10000x144xf32, #tpu.memory_space<hbm>>) target(%arg12 : memref<128x144xf32, #tpu.memory_space<vmem>>) offsets(%arg8 : memref<128xi32, #tpu.memory_space<vmem>>) semaphore(%arg21 : memref<!tpu.dma_semaphore, #tpu.memory_space<semaphore_mem>>)
      } else {
      }
      %dma_wait3A_106 = arith.constant 0 : i32
      %dma_wait3A_107 = arith.constant 0 : i32
      %dma_wait3A_108 = tpu.memref_slice %arg2[%dma_wait3A_106, %dma_wait3A_107] : memref<10000x144xf32, #tpu.memory_space<hbm>> -> memref<10000x144xf32, #tpu.memory_space<hbm>>
      tpu.wait_indirect_dma semaphore(%arg22 : memref<!tpu.dma_semaphore, #tpu.memory_space<semaphore_mem>>) src(%dma_wait3A_108 : memref<10000x144xf32, #tpu.memory_space<hbm>>) dst(%arg13 : memref<128x144xf32, #tpu.memory_space<vmem>>)
      %add3A_109 = arith.constant 2 : i32
      %add3A_110 = arith.addi %add3A_87, %add3A_109 : i32
      %lt3A_111 = arith.constant 78 : i32
      %lt3A_112 = arith.cmpi slt, %add3A_110, %lt3A_111 : i32
      %convert_element_type3A_113 = arith.extui %lt3A_112 : i1 to i32
      %cond3A_114 = arith.constant 0 : i32
      %cond3A_115 = arith.cmpi ne, %convert_element_type3A_113, %cond3A_114 : i32
      scf.if %cond3A_115 {
        %add3A_127 = arith.constant 2 : i32
        %add3A_128 = arith.addi %add3A_87, %add3A_127 : i32
        %mul3A_129 = arith.constant 128 : i32
        %mul3A_130 = arith.muli %add3A_128, %mul3A_129 : i32
        %add3A_131 = arith.addi %mul3A_2, %mul3A_130 : i32
        %dma_start3A_132 = tpu.memref_slice %arg3[%add3A_131] : memref<320000xi32, #tpu.memory_space<hbm>> -> memref<128xi32, #tpu.memory_space<hbm>>
        %dma_start3A_133 = tpu.memref_slice %arg3[%add3A_131] : memref<320000xi32, #tpu.memory_space<hbm>> -> memref<128xi32, #tpu.memory_space<hbm>>
        tpu.enqueue_dma source(%dma_start3A_133 : memref<128xi32, #tpu.memory_space<hbm>>) target(%arg9 : memref<128xi32, #tpu.memory_space<vmem>>) target_semaphore(%arg18 : memref<!tpu.dma_semaphore, #tpu.memory_space<semaphore_mem>>)
      } else {
      }
      %dma_wait3A_116 = arith.constant 0 : i32
      %dma_wait3A_117 = tpu.memref_slice %arg4[%dma_wait3A_116] : memref<320000xi32, #tpu.memory_space<hbm>> -> memref<128xi32, #tpu.memory_space<hbm>>
      %dma_wait3A_118 = arith.constant 0 : i32
      %dma_wait3A_119 = tpu.memref_slice %arg4[%dma_wait3A_118] : memref<320000xi32, #tpu.memory_space<hbm>> -> memref<128xi32, #tpu.memory_space<hbm>>
      tpu.wait_dma2 semaphore(%arg20 : memref<!tpu.dma_semaphore, #tpu.memory_space<semaphore_mem>>) src(%dma_wait3A_119 : memref<128xi32, #tpu.memory_space<hbm>>) dst(%arg11 : memref<128xi32, #tpu.memory_space<vmem>>)
      "tpu.region"() ({
        %run_scoped3A = tpu.sem_alloc : memref<!tpu.dma_semaphore, #tpu.memory_space<semaphore_mem>>
        %dma_start3A_127 = arith.constant 0 : i32
        %dma_start3A_128 = arith.constant 0 : i32
        %dma_start3A_129 = tpu.memref_slice %arg7[%dma_start3A_127, %dma_start3A_128] : memref<10112x144xf32, #tpu.memory_space<vmem_shared>> -> memref<10112x144xf32, #tpu.memory_space<vmem_shared>>
        tpu.enqueue_indirect_dma source(%arg13 : memref<128x144xf32, #tpu.memory_space<vmem>>) target(%dma_start3A_129 : memref<10112x144xf32, #tpu.memory_space<vmem_shared>>) offsets(%arg11 : memref<128xi32, #tpu.memory_space<vmem>>) semaphore(%run_scoped3A : memref<!tpu.dma_semaphore, #tpu.memory_space<semaphore_mem>>) {add = true}
        %dma_wait3A_130 = arith.constant 0 : i32
        %dma_wait3A_131 = arith.constant 0 : i32
        %dma_wait3A_132 = tpu.memref_slice %arg7[%dma_wait3A_130, %dma_wait3A_131] : memref<10112x144xf32, #tpu.memory_space<vmem_shared>> -> memref<10112x144xf32, #tpu.memory_space<vmem_shared>>
        tpu.wait_indirect_dma semaphore(%run_scoped3A : memref<!tpu.dma_semaphore, #tpu.memory_space<semaphore_mem>>) src(%arg13 : memref<128x144xf32, #tpu.memory_space<vmem>>) dst(%dma_wait3A_132 : memref<10112x144xf32, #tpu.memory_space<vmem_shared>>)
        tpu.yield
      }) : () -> ()
      %add3A_120 = arith.constant 2 : i32
      %add3A_121 = arith.addi %add3A_87, %add3A_120 : i32
      %lt3A_122 = arith.constant 78 : i32
      %lt3A_123 = arith.cmpi slt, %add3A_121, %lt3A_122 : i32
      %convert_element_type3A_124 = arith.extui %lt3A_123 : i1 to i32
      %cond3A_125 = arith.constant 0 : i32
      %cond3A_126 = arith.cmpi ne, %convert_element_type3A_124, %cond3A_125 : i32
      scf.if %cond3A_126 {
        %add3A_127 = arith.constant 2 : i32
        %add3A_128 = arith.addi %add3A_87, %add3A_127 : i32
        %mul3A_129 = arith.constant 128 : i32
        %mul3A_130 = arith.muli %add3A_128, %mul3A_129 : i32
        %add3A_131 = arith.addi %mul3A_2, %mul3A_130 : i32
        %dma_start3A_132 = tpu.memref_slice %arg4[%add3A_131] : memref<320000xi32, #tpu.memory_space<hbm>> -> memref<128xi32, #tpu.memory_space<hbm>>
        %dma_start3A_133 = tpu.memref_slice %arg4[%add3A_131] : memref<320000xi32, #tpu.memory_space<hbm>> -> memref<128xi32, #tpu.memory_space<hbm>>
        tpu.enqueue_dma source(%dma_start3A_133 : memref<128xi32, #tpu.memory_space<hbm>>) target(%arg11 : memref<128xi32, #tpu.memory_space<vmem>>) target_semaphore(%arg20 : memref<!tpu.dma_semaphore, #tpu.memory_space<semaphore_mem>>)
        %dma_wait3A_134 = arith.constant 0 : i32
        %dma_wait3A_135 = tpu.memref_slice %arg3[%dma_wait3A_134] : memref<320000xi32, #tpu.memory_space<hbm>> -> memref<128xi32, #tpu.memory_space<hbm>>
        %dma_wait3A_136 = arith.constant 0 : i32
        %dma_wait3A_137 = tpu.memref_slice %arg3[%dma_wait3A_136] : memref<320000xi32, #tpu.memory_space<hbm>> -> memref<128xi32, #tpu.memory_space<hbm>>
        tpu.wait_dma2 semaphore(%arg18 : memref<!tpu.dma_semaphore, #tpu.memory_space<semaphore_mem>>) src(%dma_wait3A_137 : memref<128xi32, #tpu.memory_space<hbm>>) dst(%arg9 : memref<128xi32, #tpu.memory_space<vmem>>)
        %dma_start3A_138 = arith.constant 0 : i32
        %dma_start3A_139 = arith.constant 0 : i32
        %dma_start3A_140 = tpu.memref_slice %arg2[%dma_start3A_138, %dma_start3A_139] : memref<10000x144xf32, #tpu.memory_space<hbm>> -> memref<10000x144xf32, #tpu.memory_space<hbm>>
        tpu.enqueue_indirect_dma source(%dma_start3A_140 : memref<10000x144xf32, #tpu.memory_space<hbm>>) target(%arg13 : memref<128x144xf32, #tpu.memory_space<vmem>>) offsets(%arg9 : memref<128xi32, #tpu.memory_space<vmem>>) semaphore(%arg22 : memref<!tpu.dma_semaphore, #tpu.memory_space<semaphore_mem>>)
      } else {
      }
    }
    %scan3A_63 = arith.constant 39 : i32
    %dma_wait3A_64 = arith.constant 0 : i32
    %dma_wait3A_65 = tpu.memref_slice %arg3[%dma_wait3A_64] : memref<320000xi32, #tpu.memory_space<hbm>> -> memref<16xi32, #tpu.memory_space<hbm>>
    %dma_wait3A_66 = arith.constant 0 : i32
    %dma_wait3A_67 = tpu.memref_slice %arg3[%dma_wait3A_66] : memref<320000xi32, #tpu.memory_space<hbm>> -> memref<16xi32, #tpu.memory_space<hbm>>
    tpu.wait_dma2 semaphore(%arg23 : memref<!tpu.dma_semaphore, #tpu.memory_space<semaphore_mem>>) src(%dma_wait3A_67 : memref<16xi32, #tpu.memory_space<hbm>>) dst(%arg14 : memref<16xi32, #tpu.memory_space<vmem>>)
    %dma_wait3A_68 = arith.constant 0 : i32
    %dma_wait3A_69 = tpu.memref_slice %arg4[%dma_wait3A_68] : memref<320000xi32, #tpu.memory_space<hbm>> -> memref<16xi32, #tpu.memory_space<hbm>>
    %dma_wait3A_70 = arith.constant 0 : i32
    %dma_wait3A_71 = tpu.memref_slice %arg4[%dma_wait3A_70] : memref<320000xi32, #tpu.memory_space<hbm>> -> memref<16xi32, #tpu.memory_space<hbm>>
    tpu.wait_dma2 semaphore(%arg23 : memref<!tpu.dma_semaphore, #tpu.memory_space<semaphore_mem>>) src(%dma_wait3A_71 : memref<16xi32, #tpu.memory_space<hbm>>) dst(%arg15 : memref<16xi32, #tpu.memory_space<vmem>>)
    %dma_start3A_72 = arith.constant 0 : i32
    %dma_start3A_73 = arith.constant 0 : i32
    %dma_start3A_74 = tpu.memref_slice %arg2[%dma_start3A_72, %dma_start3A_73] : memref<10000x144xf32, #tpu.memory_space<hbm>> -> memref<10000x144xf32, #tpu.memory_space<hbm>>
    tpu.enqueue_indirect_dma source(%dma_start3A_74 : memref<10000x144xf32, #tpu.memory_space<hbm>>) target(%arg16 : memref<16x144xf32, #tpu.memory_space<vmem>>) offsets(%arg14 : memref<16xi32, #tpu.memory_space<vmem>>) semaphore(%arg21 : memref<!tpu.dma_semaphore, #tpu.memory_space<semaphore_mem>>)
    %dma_wait3A_75 = arith.constant 0 : i32
    %dma_wait3A_76 = arith.constant 0 : i32
    %dma_wait3A_77 = tpu.memref_slice %arg2[%dma_wait3A_75, %dma_wait3A_76] : memref<10000x144xf32, #tpu.memory_space<hbm>> -> memref<10000x144xf32, #tpu.memory_space<hbm>>
    tpu.wait_indirect_dma semaphore(%arg21 : memref<!tpu.dma_semaphore, #tpu.memory_space<semaphore_mem>>) src(%dma_wait3A_77 : memref<10000x144xf32, #tpu.memory_space<hbm>>) dst(%arg16 : memref<16x144xf32, #tpu.memory_space<vmem>>)
    "tpu.region"() ({
      %run_scoped3A = tpu.sem_alloc : memref<!tpu.dma_semaphore, #tpu.memory_space<semaphore_mem>>
      %dma_start3A_83 = arith.constant 0 : i32
      %dma_start3A_84 = arith.constant 0 : i32
      %dma_start3A_85 = tpu.memref_slice %arg7[%dma_start3A_83, %dma_start3A_84] : memref<10112x144xf32, #tpu.memory_space<vmem_shared>> -> memref<10112x144xf32, #tpu.memory_space<vmem_shared>>
      tpu.enqueue_indirect_dma source(%arg16 : memref<16x144xf32, #tpu.memory_space<vmem>>) target(%dma_start3A_85 : memref<10112x144xf32, #tpu.memory_space<vmem_shared>>) offsets(%arg15 : memref<16xi32, #tpu.memory_space<vmem>>) semaphore(%run_scoped3A : memref<!tpu.dma_semaphore, #tpu.memory_space<semaphore_mem>>) {add = true}
      %dma_wait3A_86 = arith.constant 0 : i32
      %dma_wait3A_87 = arith.constant 0 : i32
      %dma_wait3A_88 = tpu.memref_slice %arg7[%dma_wait3A_86, %dma_wait3A_87] : memref<10112x144xf32, #tpu.memory_space<vmem_shared>> -> memref<10112x144xf32, #tpu.memory_space<vmem_shared>>
      tpu.wait_indirect_dma semaphore(%run_scoped3A : memref<!tpu.dma_semaphore, #tpu.memory_space<semaphore_mem>>) src(%arg16 : memref<16x144xf32, #tpu.memory_space<vmem>>) dst(%dma_wait3A_88 : memref<10112x144xf32, #tpu.memory_space<vmem_shared>>)
      tpu.yield
    }) : () -> ()
    %barrier3A_78 = arith.constant 0 : index
    tpu.barrier barrier_id(%barrier3A_78)
    %mul3A_79 = arith.constant 632 : i32
    %mul3A_80 = arith.muli %arg1, %mul3A_79 : i32
    %mul3A_81 = arith.constant 632 : i32
    %mul3A_82 = arith.muli %arg1, %mul3A_81 : i32
    "tpu.region"() ({
      %run_scoped3A = tpu.sem_alloc : memref<!tpu.dma_semaphore, #tpu.memory_space<semaphore_mem>>
      %dma_start3A_83 = arith.constant 0 : i32
      %dma_start3A_84 = tpu.memref_slice %arg6[%arg0, %mul3A_82, %dma_start3A_83] : memref<2x10112x144xf32, #tpu.memory_space<hbm>> -> memref<1x632x144xf32, #tpu.memory_space<hbm>>
      %dma_start3A_85 = tpu.memref_squeeze %dma_start3A_84 : memref<1x632x144xf32, #tpu.memory_space<hbm>> -> memref<632x144xf32, #tpu.memory_space<hbm>>
      %dma_start3A_86 = arith.constant 0 : i32
      %dma_start3A_87 = tpu.memref_slice %arg7[%mul3A_80, %dma_start3A_86] : memref<10112x144xf32, #tpu.memory_space<vmem_shared>> -> memref<632x144xf32, #tpu.memory_space<vmem_shared>>
      tpu.enqueue_dma source(%dma_start3A_87 : memref<632x144xf32, #tpu.memory_space<vmem_shared>>) target(%dma_start3A_85 : memref<632x144xf32, #tpu.memory_space<hbm>>) target_semaphore(%run_scoped3A : memref<!tpu.dma_semaphore, #tpu.memory_space<semaphore_mem>>)
      %dma_wait3A_88 = arith.constant 0 : i32
      %dma_wait3A_89 = tpu.memref_slice %arg6[%arg0, %mul3A_82, %dma_wait3A_88] : memref<2x10112x144xf32, #tpu.memory_space<hbm>> -> memref<1x632x144xf32, #tpu.memory_space<hbm>>
      %dma_wait3A_90 = tpu.memref_squeeze %dma_wait3A_89 : memref<1x632x144xf32, #tpu.memory_space<hbm>> -> memref<632x144xf32, #tpu.memory_space<hbm>>
      %dma_wait3A_91 = arith.constant 0 : i32
      %dma_wait3A_92 = tpu.memref_slice %arg7[%mul3A_80, %dma_wait3A_91] : memref<10112x144xf32, #tpu.memory_space<vmem_shared>> -> memref<632x144xf32, #tpu.memory_space<vmem_shared>>
      tpu.wait_dma2 semaphore(%run_scoped3A : memref<!tpu.dma_semaphore, #tpu.memory_space<semaphore_mem>>) src(%dma_wait3A_92 : memref<632x144xf32, #tpu.memory_space<vmem_shared>>) dst(%dma_wait3A_90 : memref<632x144xf32, #tpu.memory_space<hbm>>)
      tpu.yield
    }) : () -> ()
    return
  }
}

#map = affine_map<(d0, d1) -> (0, 0)>
#map1 = affine_map<(d0, d1) -> (0)>
#map2 = affine_map<(d0, d1) -> (0, 0, 0)>
module attributes {stable_mosaic.version = 14 : i64} {
  func.func @agg(%arg0: i32, %arg1: i32, %arg2: memref<20000x128xf32, #tpu.memory_space<hbm>>, %arg3: memref<640000xi32, #tpu.memory_space<hbm>>, %arg4: memref<320000xi32, #tpu.memory_space<hbm>>, %arg5: memref<128x128xf32, #tpu.memory_space<hbm>>, %arg6: memref<2x10112x128xf32, #tpu.memory_space<hbm>>, %arg7: memref<10112x128xf32, #tpu.memory_space<vmem_shared>>, %arg8: memref<128xi32, #tpu.memory_space<vmem>>, %arg9: memref<128xi32, #tpu.memory_space<vmem>>, %arg10: memref<128xi32, #tpu.memory_space<vmem>>, %arg11: memref<128xi32, #tpu.memory_space<vmem>>, %arg12: memref<128x128xf32, #tpu.memory_space<vmem>>, %arg13: memref<128x128xf32, #tpu.memory_space<vmem>>, %arg14: memref<32xi32, #tpu.memory_space<vmem>>, %arg15: memref<32xi32, #tpu.memory_space<vmem>>, %arg16: memref<32x128xf32, #tpu.memory_space<vmem>>, %arg17: memref<!tpu.dma_semaphore, #tpu.memory_space<semaphore_mem>>, %arg18: memref<!tpu.dma_semaphore, #tpu.memory_space<semaphore_mem>>, %arg19: memref<!tpu.dma_semaphore, #tpu.memory_space<semaphore_mem>>, %arg20: memref<!tpu.dma_semaphore, #tpu.memory_space<semaphore_mem>>, %arg21: memref<!tpu.dma_semaphore, #tpu.memory_space<semaphore_mem>>, %arg22: memref<!tpu.dma_semaphore, #tpu.memory_space<semaphore_mem>>, %arg23: memref<!tpu.dma_semaphore, #tpu.memory_space<semaphore_mem>>) attributes {dimension_semantics = [#tpu.dimension_semantics<core_parallel>, #tpu.dimension_semantics<subcore_parallel>], iteration_bounds = array<i64: 2, 16>, scalar_prefetch = 0 : i64, scratch_operands = 17 : i64, tpu.core_type = #tpu.core_type<sc_vector_subcore>, window_params = [{transform_indices = #map}, {transform_indices = #map1}, {transform_indices = #map1}, {transform_indices = #map}, {transform_indices = #map2}]} {
    %mul3A = arith.constant 20000 : i32
    %mul3A_0 = arith.muli %arg1, %mul3A : i32
    %mul3A_1 = arith.constant 320000 : i32
    %mul3A_2 = arith.muli %arg0, %mul3A_1 : i32
    %add3A = arith.addi %mul3A_2, %mul3A_0 : i32
    %add3A_3 = arith.constant 0 : i32
    %add3A_4 = arith.addi %add3A, %add3A_3 : i32
    %dma_start3A = tpu.memref_slice %arg3[%add3A_4] : memref<640000xi32, #tpu.memory_space<hbm>> -> memref<128xi32, #tpu.memory_space<hbm>>
    %dma_start3A_5 = tpu.memref_slice %arg3[%add3A_4] : memref<640000xi32, #tpu.memory_space<hbm>> -> memref<128xi32, #tpu.memory_space<hbm>>
    tpu.enqueue_dma source(%dma_start3A_5 : memref<128xi32, #tpu.memory_space<hbm>>) target(%arg8 : memref<128xi32, #tpu.memory_space<vmem>>) target_semaphore(%arg17 : memref<!tpu.dma_semaphore, #tpu.memory_space<semaphore_mem>>)
    %add3A_6 = arith.constant 0 : i32
    %add3A_7 = arith.addi %mul3A_0, %add3A_6 : i32
    %dma_start3A_8 = tpu.memref_slice %arg4[%add3A_7] : memref<320000xi32, #tpu.memory_space<hbm>> -> memref<128xi32, #tpu.memory_space<hbm>>
    %dma_start3A_9 = tpu.memref_slice %arg4[%add3A_7] : memref<320000xi32, #tpu.memory_space<hbm>> -> memref<128xi32, #tpu.memory_space<hbm>>
    tpu.enqueue_dma source(%dma_start3A_9 : memref<128xi32, #tpu.memory_space<hbm>>) target(%arg10 : memref<128xi32, #tpu.memory_space<vmem>>) target_semaphore(%arg19 : memref<!tpu.dma_semaphore, #tpu.memory_space<semaphore_mem>>)
    %add3A_10 = arith.constant 128 : i32
    %add3A_11 = arith.addi %add3A, %add3A_10 : i32
    %dma_start3A_12 = tpu.memref_slice %arg3[%add3A_11] : memref<640000xi32, #tpu.memory_space<hbm>> -> memref<128xi32, #tpu.memory_space<hbm>>
    %dma_start3A_13 = tpu.memref_slice %arg3[%add3A_11] : memref<640000xi32, #tpu.memory_space<hbm>> -> memref<128xi32, #tpu.memory_space<hbm>>
    tpu.enqueue_dma source(%dma_start3A_13 : memref<128xi32, #tpu.memory_space<hbm>>) target(%arg9 : memref<128xi32, #tpu.memory_space<vmem>>) target_semaphore(%arg18 : memref<!tpu.dma_semaphore, #tpu.memory_space<semaphore_mem>>)
    %add3A_14 = arith.constant 128 : i32
    %add3A_15 = arith.addi %mul3A_0, %add3A_14 : i32
    %dma_start3A_16 = tpu.memref_slice %arg4[%add3A_15] : memref<320000xi32, #tpu.memory_space<hbm>> -> memref<128xi32, #tpu.memory_space<hbm>>
    %dma_start3A_17 = tpu.memref_slice %arg4[%add3A_15] : memref<320000xi32, #tpu.memory_space<hbm>> -> memref<128xi32, #tpu.memory_space<hbm>>
    tpu.enqueue_dma source(%dma_start3A_17 : memref<128xi32, #tpu.memory_space<hbm>>) target(%arg11 : memref<128xi32, #tpu.memory_space<vmem>>) target_semaphore(%arg20 : memref<!tpu.dma_semaphore, #tpu.memory_space<semaphore_mem>>)
    %add3A_18 = arith.constant 19968 : i32
    %add3A_19 = arith.addi %add3A, %add3A_18 : i32
    %dma_start3A_20 = tpu.memref_slice %arg3[%add3A_19] : memref<640000xi32, #tpu.memory_space<hbm>> -> memref<32xi32, #tpu.memory_space<hbm>>
    %dma_start3A_21 = tpu.memref_slice %arg3[%add3A_19] : memref<640000xi32, #tpu.memory_space<hbm>> -> memref<32xi32, #tpu.memory_space<hbm>>
    tpu.enqueue_dma source(%dma_start3A_21 : memref<32xi32, #tpu.memory_space<hbm>>) target(%arg14 : memref<32xi32, #tpu.memory_space<vmem>>) target_semaphore(%arg23 : memref<!tpu.dma_semaphore, #tpu.memory_space<semaphore_mem>>)
    %add3A_22 = arith.constant 19968 : i32
    %add3A_23 = arith.addi %mul3A_0, %add3A_22 : i32
    %dma_start3A_24 = tpu.memref_slice %arg4[%add3A_23] : memref<320000xi32, #tpu.memory_space<hbm>> -> memref<32xi32, #tpu.memory_space<hbm>>
    %dma_start3A_25 = tpu.memref_slice %arg4[%add3A_23] : memref<320000xi32, #tpu.memory_space<hbm>> -> memref<32xi32, #tpu.memory_space<hbm>>
    tpu.enqueue_dma source(%dma_start3A_25 : memref<32xi32, #tpu.memory_space<hbm>>) target(%arg15 : memref<32xi32, #tpu.memory_space<vmem>>) target_semaphore(%arg23 : memref<!tpu.dma_semaphore, #tpu.memory_space<semaphore_mem>>)
    %mul3A_26 = arith.constant 632 : i32
    %mul3A_27 = arith.muli %arg1, %mul3A_26 : i32
    %add3A_28 = arith.constant 0 : i32
    %add3A_29 = arith.addi %mul3A_27, %add3A_28 : i32
    "tpu.region"() ({
      %run_scoped3A = tpu.sem_alloc : memref<!tpu.dma_semaphore, #tpu.memory_space<semaphore_mem>>
      %dma_start3A_83 = arith.constant 0 : i32
      %dma_start3A_84 = tpu.memref_slice %arg7[%add3A_29, %dma_start3A_83] : memref<10112x128xf32, #tpu.memory_space<vmem_shared>> -> memref<128x128xf32, #tpu.memory_space<vmem_shared>>
      tpu.enqueue_dma source(%arg5 : memref<128x128xf32, #tpu.memory_space<hbm>>) target(%dma_start3A_84 : memref<128x128xf32, #tpu.memory_space<vmem_shared>>) target_semaphore(%run_scoped3A : memref<!tpu.dma_semaphore, #tpu.memory_space<semaphore_mem>>)
      %dma_wait3A_85 = arith.constant 0 : i32
      %dma_wait3A_86 = tpu.memref_slice %arg7[%add3A_29, %dma_wait3A_85] : memref<10112x128xf32, #tpu.memory_space<vmem_shared>> -> memref<128x128xf32, #tpu.memory_space<vmem_shared>>
      tpu.wait_dma2 semaphore(%run_scoped3A : memref<!tpu.dma_semaphore, #tpu.memory_space<semaphore_mem>>) src(%arg5 : memref<128x128xf32, #tpu.memory_space<hbm>>) dst(%dma_wait3A_86 : memref<128x128xf32, #tpu.memory_space<vmem_shared>>)
      tpu.yield
    }) : () -> ()
    %mul3A_30 = arith.constant 632 : i32
    %mul3A_31 = arith.muli %arg1, %mul3A_30 : i32
    %add3A_32 = arith.constant 128 : i32
    %add3A_33 = arith.addi %mul3A_31, %add3A_32 : i32
    "tpu.region"() ({
      %run_scoped3A = tpu.sem_alloc : memref<!tpu.dma_semaphore, #tpu.memory_space<semaphore_mem>>
      %dma_start3A_83 = arith.constant 0 : i32
      %dma_start3A_84 = tpu.memref_slice %arg7[%add3A_33, %dma_start3A_83] : memref<10112x128xf32, #tpu.memory_space<vmem_shared>> -> memref<128x128xf32, #tpu.memory_space<vmem_shared>>
      tpu.enqueue_dma source(%arg5 : memref<128x128xf32, #tpu.memory_space<hbm>>) target(%dma_start3A_84 : memref<128x128xf32, #tpu.memory_space<vmem_shared>>) target_semaphore(%run_scoped3A : memref<!tpu.dma_semaphore, #tpu.memory_space<semaphore_mem>>)
      %dma_wait3A_85 = arith.constant 0 : i32
      %dma_wait3A_86 = tpu.memref_slice %arg7[%add3A_33, %dma_wait3A_85] : memref<10112x128xf32, #tpu.memory_space<vmem_shared>> -> memref<128x128xf32, #tpu.memory_space<vmem_shared>>
      tpu.wait_dma2 semaphore(%run_scoped3A : memref<!tpu.dma_semaphore, #tpu.memory_space<semaphore_mem>>) src(%arg5 : memref<128x128xf32, #tpu.memory_space<hbm>>) dst(%dma_wait3A_86 : memref<128x128xf32, #tpu.memory_space<vmem_shared>>)
      tpu.yield
    }) : () -> ()
    %mul3A_34 = arith.constant 632 : i32
    %mul3A_35 = arith.muli %arg1, %mul3A_34 : i32
    %add3A_36 = arith.constant 256 : i32
    %add3A_37 = arith.addi %mul3A_35, %add3A_36 : i32
    "tpu.region"() ({
      %run_scoped3A = tpu.sem_alloc : memref<!tpu.dma_semaphore, #tpu.memory_space<semaphore_mem>>
      %dma_start3A_83 = arith.constant 0 : i32
      %dma_start3A_84 = tpu.memref_slice %arg7[%add3A_37, %dma_start3A_83] : memref<10112x128xf32, #tpu.memory_space<vmem_shared>> -> memref<128x128xf32, #tpu.memory_space<vmem_shared>>
      tpu.enqueue_dma source(%arg5 : memref<128x128xf32, #tpu.memory_space<hbm>>) target(%dma_start3A_84 : memref<128x128xf32, #tpu.memory_space<vmem_shared>>) target_semaphore(%run_scoped3A : memref<!tpu.dma_semaphore, #tpu.memory_space<semaphore_mem>>)
      %dma_wait3A_85 = arith.constant 0 : i32
      %dma_wait3A_86 = tpu.memref_slice %arg7[%add3A_37, %dma_wait3A_85] : memref<10112x128xf32, #tpu.memory_space<vmem_shared>> -> memref<128x128xf32, #tpu.memory_space<vmem_shared>>
      tpu.wait_dma2 semaphore(%run_scoped3A : memref<!tpu.dma_semaphore, #tpu.memory_space<semaphore_mem>>) src(%arg5 : memref<128x128xf32, #tpu.memory_space<hbm>>) dst(%dma_wait3A_86 : memref<128x128xf32, #tpu.memory_space<vmem_shared>>)
      tpu.yield
    }) : () -> ()
    %mul3A_38 = arith.constant 632 : i32
    %mul3A_39 = arith.muli %arg1, %mul3A_38 : i32
    %add3A_40 = arith.constant 384 : i32
    %add3A_41 = arith.addi %mul3A_39, %add3A_40 : i32
    "tpu.region"() ({
      %run_scoped3A = tpu.sem_alloc : memref<!tpu.dma_semaphore, #tpu.memory_space<semaphore_mem>>
      %dma_start3A_83 = arith.constant 0 : i32
      %dma_start3A_84 = tpu.memref_slice %arg7[%add3A_41, %dma_start3A_83] : memref<10112x128xf32, #tpu.memory_space<vmem_shared>> -> memref<128x128xf32, #tpu.memory_space<vmem_shared>>
      tpu.enqueue_dma source(%arg5 : memref<128x128xf32, #tpu.memory_space<hbm>>) target(%dma_start3A_84 : memref<128x128xf32, #tpu.memory_space<vmem_shared>>) target_semaphore(%run_scoped3A : memref<!tpu.dma_semaphore, #tpu.memory_space<semaphore_mem>>)
      %dma_wait3A_85 = arith.constant 0 : i32
      %dma_wait3A_86 = tpu.memref_slice %arg7[%add3A_41, %dma_wait3A_85] : memref<10112x128xf32, #tpu.memory_space<vmem_shared>> -> memref<128x128xf32, #tpu.memory_space<vmem_shared>>
      tpu.wait_dma2 semaphore(%run_scoped3A : memref<!tpu.dma_semaphore, #tpu.memory_space<semaphore_mem>>) src(%arg5 : memref<128x128xf32, #tpu.memory_space<hbm>>) dst(%dma_wait3A_86 : memref<128x128xf32, #tpu.memory_space<vmem_shared>>)
      tpu.yield
    }) : () -> ()
    %mul3A_42 = arith.constant 632 : i32
    %mul3A_43 = arith.muli %arg1, %mul3A_42 : i32
    %add3A_44 = arith.constant 512 : i32
    %add3A_45 = arith.addi %mul3A_43, %add3A_44 : i32
    "tpu.region"() ({
      %run_scoped3A = tpu.sem_alloc : memref<!tpu.dma_semaphore, #tpu.memory_space<semaphore_mem>>
      %dma_start3A_83 = arith.constant 0 : i32
      %dma_start3A_84 = tpu.memref_slice %arg7[%add3A_45, %dma_start3A_83] : memref<10112x128xf32, #tpu.memory_space<vmem_shared>> -> memref<120x128xf32, #tpu.memory_space<vmem_shared>>
      %dma_start3A_85 = arith.constant 0 : i32
      %dma_start3A_86 = arith.constant 0 : i32
      %dma_start3A_87 = tpu.memref_slice %arg5[%dma_start3A_85, %dma_start3A_86] : memref<128x128xf32, #tpu.memory_space<hbm>> -> memref<120x128xf32, #tpu.memory_space<hbm>>
      tpu.enqueue_dma source(%dma_start3A_87 : memref<120x128xf32, #tpu.memory_space<hbm>>) target(%dma_start3A_84 : memref<120x128xf32, #tpu.memory_space<vmem_shared>>) target_semaphore(%run_scoped3A : memref<!tpu.dma_semaphore, #tpu.memory_space<semaphore_mem>>)
      %dma_wait3A_88 = arith.constant 0 : i32
      %dma_wait3A_89 = tpu.memref_slice %arg7[%add3A_45, %dma_wait3A_88] : memref<10112x128xf32, #tpu.memory_space<vmem_shared>> -> memref<120x128xf32, #tpu.memory_space<vmem_shared>>
      %dma_wait3A_90 = arith.constant 0 : i32
      %dma_wait3A_91 = arith.constant 0 : i32
      %dma_wait3A_92 = tpu.memref_slice %arg5[%dma_wait3A_90, %dma_wait3A_91] : memref<128x128xf32, #tpu.memory_space<hbm>> -> memref<120x128xf32, #tpu.memory_space<hbm>>
      tpu.wait_dma2 semaphore(%run_scoped3A : memref<!tpu.dma_semaphore, #tpu.memory_space<semaphore_mem>>) src(%dma_wait3A_92 : memref<120x128xf32, #tpu.memory_space<hbm>>) dst(%dma_wait3A_89 : memref<120x128xf32, #tpu.memory_space<vmem_shared>>)
      tpu.yield
    }) : () -> ()
    %dma_wait3A = arith.constant 0 : i32
    %dma_wait3A_46 = tpu.memref_slice %arg3[%dma_wait3A] : memref<640000xi32, #tpu.memory_space<hbm>> -> memref<128xi32, #tpu.memory_space<hbm>>
    %dma_wait3A_47 = arith.constant 0 : i32
    %dma_wait3A_48 = tpu.memref_slice %arg3[%dma_wait3A_47] : memref<640000xi32, #tpu.memory_space<hbm>> -> memref<128xi32, #tpu.memory_space<hbm>>
    tpu.wait_dma2 semaphore(%arg17 : memref<!tpu.dma_semaphore, #tpu.memory_space<semaphore_mem>>) src(%dma_wait3A_48 : memref<128xi32, #tpu.memory_space<hbm>>) dst(%arg8 : memref<128xi32, #tpu.memory_space<vmem>>)
    %dma_start3A_49 = arith.constant 0 : i32
    %dma_start3A_50 = arith.constant 0 : i32
    %dma_start3A_51 = tpu.memref_slice %arg2[%dma_start3A_49, %dma_start3A_50] : memref<20000x128xf32, #tpu.memory_space<hbm>> -> memref<20000x128xf32, #tpu.memory_space<hbm>>
    tpu.enqueue_indirect_dma source(%dma_start3A_51 : memref<20000x128xf32, #tpu.memory_space<hbm>>) target(%arg12 : memref<128x128xf32, #tpu.memory_space<vmem>>) offsets(%arg8 : memref<128xi32, #tpu.memory_space<vmem>>) semaphore(%arg21 : memref<!tpu.dma_semaphore, #tpu.memory_space<semaphore_mem>>)
    %dma_wait3A_52 = arith.constant 0 : i32
    %dma_wait3A_53 = tpu.memref_slice %arg3[%dma_wait3A_52] : memref<640000xi32, #tpu.memory_space<hbm>> -> memref<128xi32, #tpu.memory_space<hbm>>
    %dma_wait3A_54 = arith.constant 0 : i32
    %dma_wait3A_55 = tpu.memref_slice %arg3[%dma_wait3A_54] : memref<640000xi32, #tpu.memory_space<hbm>> -> memref<128xi32, #tpu.memory_space<hbm>>
    tpu.wait_dma2 semaphore(%arg18 : memref<!tpu.dma_semaphore, #tpu.memory_space<semaphore_mem>>) src(%dma_wait3A_55 : memref<128xi32, #tpu.memory_space<hbm>>) dst(%arg9 : memref<128xi32, #tpu.memory_space<vmem>>)
    %dma_start3A_56 = arith.constant 0 : i32
    %dma_start3A_57 = arith.constant 0 : i32
    %dma_start3A_58 = tpu.memref_slice %arg2[%dma_start3A_56, %dma_start3A_57] : memref<20000x128xf32, #tpu.memory_space<hbm>> -> memref<20000x128xf32, #tpu.memory_space<hbm>>
    tpu.enqueue_indirect_dma source(%dma_start3A_58 : memref<20000x128xf32, #tpu.memory_space<hbm>>) target(%arg13 : memref<128x128xf32, #tpu.memory_space<vmem>>) offsets(%arg9 : memref<128xi32, #tpu.memory_space<vmem>>) semaphore(%arg22 : memref<!tpu.dma_semaphore, #tpu.memory_space<semaphore_mem>>)
    %barrier3A = arith.constant 0 : index
    tpu.barrier barrier_id(%barrier3A)
    %scan3A = arith.constant 0 : i32
    %scan3A_59 = arith.constant 0 : i32
    %scan3A_60 = arith.constant 78 : i32
    %scan3A_61 = arith.addi %scan3A_59, %scan3A_60 : i32
    %scan3A_62 = arith.constant 1 : i32
    scf.for %scan3A_83 = %scan3A_59 to %scan3A_61 step %scan3A_62  : i32 {
      %mul3A_84 = arith.constant 2 : i32
      %mul3A_85 = arith.muli %mul3A_84, %scan3A_83 : i32
      %add3A_86 = arith.constant 1 : i32
      %add3A_87 = arith.addi %mul3A_85, %add3A_86 : i32
      %dma_wait3A_88 = arith.constant 0 : i32
      %dma_wait3A_89 = arith.constant 0 : i32
      %dma_wait3A_90 = tpu.memref_slice %arg2[%dma_wait3A_88, %dma_wait3A_89] : memref<20000x128xf32, #tpu.memory_space<hbm>> -> memref<20000x128xf32, #tpu.memory_space<hbm>>
      tpu.wait_indirect_dma semaphore(%arg21 : memref<!tpu.dma_semaphore, #tpu.memory_space<semaphore_mem>>) src(%dma_wait3A_90 : memref<20000x128xf32, #tpu.memory_space<hbm>>) dst(%arg12 : memref<128x128xf32, #tpu.memory_space<vmem>>)
      %add3A_91 = arith.constant 2 : i32
      %add3A_92 = arith.addi %mul3A_85, %add3A_91 : i32
      %lt3A = arith.constant 156 : i32
      %lt3A_93 = arith.cmpi slt, %add3A_92, %lt3A : i32
      %convert_element_type3A = arith.extui %lt3A_93 : i1 to i32
      %cond3A = arith.constant 0 : i32
      %cond3A_94 = arith.cmpi ne, %convert_element_type3A, %cond3A : i32
      scf.if %cond3A_94 {
        %add3A_127 = arith.constant 2 : i32
        %add3A_128 = arith.addi %mul3A_85, %add3A_127 : i32
        %mul3A_129 = arith.constant 128 : i32
        %mul3A_130 = arith.muli %add3A_128, %mul3A_129 : i32
        %add3A_131 = arith.addi %add3A, %mul3A_130 : i32
        %dma_start3A_132 = tpu.memref_slice %arg3[%add3A_131] : memref<640000xi32, #tpu.memory_space<hbm>> -> memref<128xi32, #tpu.memory_space<hbm>>
        %dma_start3A_133 = tpu.memref_slice %arg3[%add3A_131] : memref<640000xi32, #tpu.memory_space<hbm>> -> memref<128xi32, #tpu.memory_space<hbm>>
        tpu.enqueue_dma source(%dma_start3A_133 : memref<128xi32, #tpu.memory_space<hbm>>) target(%arg8 : memref<128xi32, #tpu.memory_space<vmem>>) target_semaphore(%arg17 : memref<!tpu.dma_semaphore, #tpu.memory_space<semaphore_mem>>)
      } else {
      }
      %dma_wait3A_95 = arith.constant 0 : i32
      %dma_wait3A_96 = tpu.memref_slice %arg4[%dma_wait3A_95] : memref<320000xi32, #tpu.memory_space<hbm>> -> memref<128xi32, #tpu.memory_space<hbm>>
      %dma_wait3A_97 = arith.constant 0 : i32
      %dma_wait3A_98 = tpu.memref_slice %arg4[%dma_wait3A_97] : memref<320000xi32, #tpu.memory_space<hbm>> -> memref<128xi32, #tpu.memory_space<hbm>>
      tpu.wait_dma2 semaphore(%arg19 : memref<!tpu.dma_semaphore, #tpu.memory_space<semaphore_mem>>) src(%dma_wait3A_98 : memref<128xi32, #tpu.memory_space<hbm>>) dst(%arg10 : memref<128xi32, #tpu.memory_space<vmem>>)
      "tpu.region"() ({
        %run_scoped3A = tpu.sem_alloc : memref<!tpu.dma_semaphore, #tpu.memory_space<semaphore_mem>>
        %dma_start3A_127 = arith.constant 0 : i32
        %dma_start3A_128 = arith.constant 0 : i32
        %dma_start3A_129 = tpu.memref_slice %arg7[%dma_start3A_127, %dma_start3A_128] : memref<10112x128xf32, #tpu.memory_space<vmem_shared>> -> memref<10112x128xf32, #tpu.memory_space<vmem_shared>>
        tpu.enqueue_indirect_dma source(%arg12 : memref<128x128xf32, #tpu.memory_space<vmem>>) target(%dma_start3A_129 : memref<10112x128xf32, #tpu.memory_space<vmem_shared>>) offsets(%arg10 : memref<128xi32, #tpu.memory_space<vmem>>) semaphore(%run_scoped3A : memref<!tpu.dma_semaphore, #tpu.memory_space<semaphore_mem>>) {add = true}
        %dma_wait3A_130 = arith.constant 0 : i32
        %dma_wait3A_131 = arith.constant 0 : i32
        %dma_wait3A_132 = tpu.memref_slice %arg7[%dma_wait3A_130, %dma_wait3A_131] : memref<10112x128xf32, #tpu.memory_space<vmem_shared>> -> memref<10112x128xf32, #tpu.memory_space<vmem_shared>>
        tpu.wait_indirect_dma semaphore(%run_scoped3A : memref<!tpu.dma_semaphore, #tpu.memory_space<semaphore_mem>>) src(%arg12 : memref<128x128xf32, #tpu.memory_space<vmem>>) dst(%dma_wait3A_132 : memref<10112x128xf32, #tpu.memory_space<vmem_shared>>)
        tpu.yield
      }) : () -> ()
      %add3A_99 = arith.constant 2 : i32
      %add3A_100 = arith.addi %mul3A_85, %add3A_99 : i32
      %lt3A_101 = arith.constant 156 : i32
      %lt3A_102 = arith.cmpi slt, %add3A_100, %lt3A_101 : i32
      %convert_element_type3A_103 = arith.extui %lt3A_102 : i1 to i32
      %cond3A_104 = arith.constant 0 : i32
      %cond3A_105 = arith.cmpi ne, %convert_element_type3A_103, %cond3A_104 : i32
      scf.if %cond3A_105 {
        %add3A_127 = arith.constant 2 : i32
        %add3A_128 = arith.addi %mul3A_85, %add3A_127 : i32
        %mul3A_129 = arith.constant 128 : i32
        %mul3A_130 = arith.muli %add3A_128, %mul3A_129 : i32
        %add3A_131 = arith.addi %mul3A_0, %mul3A_130 : i32
        %dma_start3A_132 = tpu.memref_slice %arg4[%add3A_131] : memref<320000xi32, #tpu.memory_space<hbm>> -> memref<128xi32, #tpu.memory_space<hbm>>
        %dma_start3A_133 = tpu.memref_slice %arg4[%add3A_131] : memref<320000xi32, #tpu.memory_space<hbm>> -> memref<128xi32, #tpu.memory_space<hbm>>
        tpu.enqueue_dma source(%dma_start3A_133 : memref<128xi32, #tpu.memory_space<hbm>>) target(%arg10 : memref<128xi32, #tpu.memory_space<vmem>>) target_semaphore(%arg19 : memref<!tpu.dma_semaphore, #tpu.memory_space<semaphore_mem>>)
        %dma_wait3A_134 = arith.constant 0 : i32
        %dma_wait3A_135 = tpu.memref_slice %arg3[%dma_wait3A_134] : memref<640000xi32, #tpu.memory_space<hbm>> -> memref<128xi32, #tpu.memory_space<hbm>>
        %dma_wait3A_136 = arith.constant 0 : i32
        %dma_wait3A_137 = tpu.memref_slice %arg3[%dma_wait3A_136] : memref<640000xi32, #tpu.memory_space<hbm>> -> memref<128xi32, #tpu.memory_space<hbm>>
        tpu.wait_dma2 semaphore(%arg17 : memref<!tpu.dma_semaphore, #tpu.memory_space<semaphore_mem>>) src(%dma_wait3A_137 : memref<128xi32, #tpu.memory_space<hbm>>) dst(%arg8 : memref<128xi32, #tpu.memory_space<vmem>>)
        %dma_start3A_138 = arith.constant 0 : i32
        %dma_start3A_139 = arith.constant 0 : i32
        %dma_start3A_140 = tpu.memref_slice %arg2[%dma_start3A_138, %dma_start3A_139] : memref<20000x128xf32, #tpu.memory_space<hbm>> -> memref<20000x128xf32, #tpu.memory_space<hbm>>
        tpu.enqueue_indirect_dma source(%dma_start3A_140 : memref<20000x128xf32, #tpu.memory_space<hbm>>) target(%arg12 : memref<128x128xf32, #tpu.memory_space<vmem>>) offsets(%arg8 : memref<128xi32, #tpu.memory_space<vmem>>) semaphore(%arg21 : memref<!tpu.dma_semaphore, #tpu.memory_space<semaphore_mem>>)
      } else {
      }
      %dma_wait3A_106 = arith.constant 0 : i32
      %dma_wait3A_107 = arith.constant 0 : i32
      %dma_wait3A_108 = tpu.memref_slice %arg2[%dma_wait3A_106, %dma_wait3A_107] : memref<20000x128xf32, #tpu.memory_space<hbm>> -> memref<20000x128xf32, #tpu.memory_space<hbm>>
      tpu.wait_indirect_dma semaphore(%arg22 : memref<!tpu.dma_semaphore, #tpu.memory_space<semaphore_mem>>) src(%dma_wait3A_108 : memref<20000x128xf32, #tpu.memory_space<hbm>>) dst(%arg13 : memref<128x128xf32, #tpu.memory_space<vmem>>)
      %add3A_109 = arith.constant 2 : i32
      %add3A_110 = arith.addi %add3A_87, %add3A_109 : i32
      %lt3A_111 = arith.constant 156 : i32
      %lt3A_112 = arith.cmpi slt, %add3A_110, %lt3A_111 : i32
      %convert_element_type3A_113 = arith.extui %lt3A_112 : i1 to i32
      %cond3A_114 = arith.constant 0 : i32
      %cond3A_115 = arith.cmpi ne, %convert_element_type3A_113, %cond3A_114 : i32
      scf.if %cond3A_115 {
        %add3A_127 = arith.constant 2 : i32
        %add3A_128 = arith.addi %add3A_87, %add3A_127 : i32
        %mul3A_129 = arith.constant 128 : i32
        %mul3A_130 = arith.muli %add3A_128, %mul3A_129 : i32
        %add3A_131 = arith.addi %add3A, %mul3A_130 : i32
        %dma_start3A_132 = tpu.memref_slice %arg3[%add3A_131] : memref<640000xi32, #tpu.memory_space<hbm>> -> memref<128xi32, #tpu.memory_space<hbm>>
        %dma_start3A_133 = tpu.memref_slice %arg3[%add3A_131] : memref<640000xi32, #tpu.memory_space<hbm>> -> memref<128xi32, #tpu.memory_space<hbm>>
        tpu.enqueue_dma source(%dma_start3A_133 : memref<128xi32, #tpu.memory_space<hbm>>) target(%arg9 : memref<128xi32, #tpu.memory_space<vmem>>) target_semaphore(%arg18 : memref<!tpu.dma_semaphore, #tpu.memory_space<semaphore_mem>>)
      } else {
      }
      %dma_wait3A_116 = arith.constant 0 : i32
      %dma_wait3A_117 = tpu.memref_slice %arg4[%dma_wait3A_116] : memref<320000xi32, #tpu.memory_space<hbm>> -> memref<128xi32, #tpu.memory_space<hbm>>
      %dma_wait3A_118 = arith.constant 0 : i32
      %dma_wait3A_119 = tpu.memref_slice %arg4[%dma_wait3A_118] : memref<320000xi32, #tpu.memory_space<hbm>> -> memref<128xi32, #tpu.memory_space<hbm>>
      tpu.wait_dma2 semaphore(%arg20 : memref<!tpu.dma_semaphore, #tpu.memory_space<semaphore_mem>>) src(%dma_wait3A_119 : memref<128xi32, #tpu.memory_space<hbm>>) dst(%arg11 : memref<128xi32, #tpu.memory_space<vmem>>)
      "tpu.region"() ({
        %run_scoped3A = tpu.sem_alloc : memref<!tpu.dma_semaphore, #tpu.memory_space<semaphore_mem>>
        %dma_start3A_127 = arith.constant 0 : i32
        %dma_start3A_128 = arith.constant 0 : i32
        %dma_start3A_129 = tpu.memref_slice %arg7[%dma_start3A_127, %dma_start3A_128] : memref<10112x128xf32, #tpu.memory_space<vmem_shared>> -> memref<10112x128xf32, #tpu.memory_space<vmem_shared>>
        tpu.enqueue_indirect_dma source(%arg13 : memref<128x128xf32, #tpu.memory_space<vmem>>) target(%dma_start3A_129 : memref<10112x128xf32, #tpu.memory_space<vmem_shared>>) offsets(%arg11 : memref<128xi32, #tpu.memory_space<vmem>>) semaphore(%run_scoped3A : memref<!tpu.dma_semaphore, #tpu.memory_space<semaphore_mem>>) {add = true}
        %dma_wait3A_130 = arith.constant 0 : i32
        %dma_wait3A_131 = arith.constant 0 : i32
        %dma_wait3A_132 = tpu.memref_slice %arg7[%dma_wait3A_130, %dma_wait3A_131] : memref<10112x128xf32, #tpu.memory_space<vmem_shared>> -> memref<10112x128xf32, #tpu.memory_space<vmem_shared>>
        tpu.wait_indirect_dma semaphore(%run_scoped3A : memref<!tpu.dma_semaphore, #tpu.memory_space<semaphore_mem>>) src(%arg13 : memref<128x128xf32, #tpu.memory_space<vmem>>) dst(%dma_wait3A_132 : memref<10112x128xf32, #tpu.memory_space<vmem_shared>>)
        tpu.yield
      }) : () -> ()
      %add3A_120 = arith.constant 2 : i32
      %add3A_121 = arith.addi %add3A_87, %add3A_120 : i32
      %lt3A_122 = arith.constant 156 : i32
      %lt3A_123 = arith.cmpi slt, %add3A_121, %lt3A_122 : i32
      %convert_element_type3A_124 = arith.extui %lt3A_123 : i1 to i32
      %cond3A_125 = arith.constant 0 : i32
      %cond3A_126 = arith.cmpi ne, %convert_element_type3A_124, %cond3A_125 : i32
      scf.if %cond3A_126 {
        %add3A_127 = arith.constant 2 : i32
        %add3A_128 = arith.addi %add3A_87, %add3A_127 : i32
        %mul3A_129 = arith.constant 128 : i32
        %mul3A_130 = arith.muli %add3A_128, %mul3A_129 : i32
        %add3A_131 = arith.addi %mul3A_0, %mul3A_130 : i32
        %dma_start3A_132 = tpu.memref_slice %arg4[%add3A_131] : memref<320000xi32, #tpu.memory_space<hbm>> -> memref<128xi32, #tpu.memory_space<hbm>>
        %dma_start3A_133 = tpu.memref_slice %arg4[%add3A_131] : memref<320000xi32, #tpu.memory_space<hbm>> -> memref<128xi32, #tpu.memory_space<hbm>>
        tpu.enqueue_dma source(%dma_start3A_133 : memref<128xi32, #tpu.memory_space<hbm>>) target(%arg11 : memref<128xi32, #tpu.memory_space<vmem>>) target_semaphore(%arg20 : memref<!tpu.dma_semaphore, #tpu.memory_space<semaphore_mem>>)
        %dma_wait3A_134 = arith.constant 0 : i32
        %dma_wait3A_135 = tpu.memref_slice %arg3[%dma_wait3A_134] : memref<640000xi32, #tpu.memory_space<hbm>> -> memref<128xi32, #tpu.memory_space<hbm>>
        %dma_wait3A_136 = arith.constant 0 : i32
        %dma_wait3A_137 = tpu.memref_slice %arg3[%dma_wait3A_136] : memref<640000xi32, #tpu.memory_space<hbm>> -> memref<128xi32, #tpu.memory_space<hbm>>
        tpu.wait_dma2 semaphore(%arg18 : memref<!tpu.dma_semaphore, #tpu.memory_space<semaphore_mem>>) src(%dma_wait3A_137 : memref<128xi32, #tpu.memory_space<hbm>>) dst(%arg9 : memref<128xi32, #tpu.memory_space<vmem>>)
        %dma_start3A_138 = arith.constant 0 : i32
        %dma_start3A_139 = arith.constant 0 : i32
        %dma_start3A_140 = tpu.memref_slice %arg2[%dma_start3A_138, %dma_start3A_139] : memref<20000x128xf32, #tpu.memory_space<hbm>> -> memref<20000x128xf32, #tpu.memory_space<hbm>>
        tpu.enqueue_indirect_dma source(%dma_start3A_140 : memref<20000x128xf32, #tpu.memory_space<hbm>>) target(%arg13 : memref<128x128xf32, #tpu.memory_space<vmem>>) offsets(%arg9 : memref<128xi32, #tpu.memory_space<vmem>>) semaphore(%arg22 : memref<!tpu.dma_semaphore, #tpu.memory_space<semaphore_mem>>)
      } else {
      }
    }
    %scan3A_63 = arith.constant 78 : i32
    %dma_wait3A_64 = arith.constant 0 : i32
    %dma_wait3A_65 = tpu.memref_slice %arg3[%dma_wait3A_64] : memref<640000xi32, #tpu.memory_space<hbm>> -> memref<32xi32, #tpu.memory_space<hbm>>
    %dma_wait3A_66 = arith.constant 0 : i32
    %dma_wait3A_67 = tpu.memref_slice %arg3[%dma_wait3A_66] : memref<640000xi32, #tpu.memory_space<hbm>> -> memref<32xi32, #tpu.memory_space<hbm>>
    tpu.wait_dma2 semaphore(%arg23 : memref<!tpu.dma_semaphore, #tpu.memory_space<semaphore_mem>>) src(%dma_wait3A_67 : memref<32xi32, #tpu.memory_space<hbm>>) dst(%arg14 : memref<32xi32, #tpu.memory_space<vmem>>)
    %dma_wait3A_68 = arith.constant 0 : i32
    %dma_wait3A_69 = tpu.memref_slice %arg4[%dma_wait3A_68] : memref<320000xi32, #tpu.memory_space<hbm>> -> memref<32xi32, #tpu.memory_space<hbm>>
    %dma_wait3A_70 = arith.constant 0 : i32
    %dma_wait3A_71 = tpu.memref_slice %arg4[%dma_wait3A_70] : memref<320000xi32, #tpu.memory_space<hbm>> -> memref<32xi32, #tpu.memory_space<hbm>>
    tpu.wait_dma2 semaphore(%arg23 : memref<!tpu.dma_semaphore, #tpu.memory_space<semaphore_mem>>) src(%dma_wait3A_71 : memref<32xi32, #tpu.memory_space<hbm>>) dst(%arg15 : memref<32xi32, #tpu.memory_space<vmem>>)
    %dma_start3A_72 = arith.constant 0 : i32
    %dma_start3A_73 = arith.constant 0 : i32
    %dma_start3A_74 = tpu.memref_slice %arg2[%dma_start3A_72, %dma_start3A_73] : memref<20000x128xf32, #tpu.memory_space<hbm>> -> memref<20000x128xf32, #tpu.memory_space<hbm>>
    tpu.enqueue_indirect_dma source(%dma_start3A_74 : memref<20000x128xf32, #tpu.memory_space<hbm>>) target(%arg16 : memref<32x128xf32, #tpu.memory_space<vmem>>) offsets(%arg14 : memref<32xi32, #tpu.memory_space<vmem>>) semaphore(%arg21 : memref<!tpu.dma_semaphore, #tpu.memory_space<semaphore_mem>>)
    %dma_wait3A_75 = arith.constant 0 : i32
    %dma_wait3A_76 = arith.constant 0 : i32
    %dma_wait3A_77 = tpu.memref_slice %arg2[%dma_wait3A_75, %dma_wait3A_76] : memref<20000x128xf32, #tpu.memory_space<hbm>> -> memref<20000x128xf32, #tpu.memory_space<hbm>>
    tpu.wait_indirect_dma semaphore(%arg21 : memref<!tpu.dma_semaphore, #tpu.memory_space<semaphore_mem>>) src(%dma_wait3A_77 : memref<20000x128xf32, #tpu.memory_space<hbm>>) dst(%arg16 : memref<32x128xf32, #tpu.memory_space<vmem>>)
    "tpu.region"() ({
      %run_scoped3A = tpu.sem_alloc : memref<!tpu.dma_semaphore, #tpu.memory_space<semaphore_mem>>
      %dma_start3A_83 = arith.constant 0 : i32
      %dma_start3A_84 = arith.constant 0 : i32
      %dma_start3A_85 = tpu.memref_slice %arg7[%dma_start3A_83, %dma_start3A_84] : memref<10112x128xf32, #tpu.memory_space<vmem_shared>> -> memref<10112x128xf32, #tpu.memory_space<vmem_shared>>
      tpu.enqueue_indirect_dma source(%arg16 : memref<32x128xf32, #tpu.memory_space<vmem>>) target(%dma_start3A_85 : memref<10112x128xf32, #tpu.memory_space<vmem_shared>>) offsets(%arg15 : memref<32xi32, #tpu.memory_space<vmem>>) semaphore(%run_scoped3A : memref<!tpu.dma_semaphore, #tpu.memory_space<semaphore_mem>>) {add = true}
      %dma_wait3A_86 = arith.constant 0 : i32
      %dma_wait3A_87 = arith.constant 0 : i32
      %dma_wait3A_88 = tpu.memref_slice %arg7[%dma_wait3A_86, %dma_wait3A_87] : memref<10112x128xf32, #tpu.memory_space<vmem_shared>> -> memref<10112x128xf32, #tpu.memory_space<vmem_shared>>
      tpu.wait_indirect_dma semaphore(%run_scoped3A : memref<!tpu.dma_semaphore, #tpu.memory_space<semaphore_mem>>) src(%arg16 : memref<32x128xf32, #tpu.memory_space<vmem>>) dst(%dma_wait3A_88 : memref<10112x128xf32, #tpu.memory_space<vmem_shared>>)
      tpu.yield
    }) : () -> ()
    %barrier3A_78 = arith.constant 0 : index
    tpu.barrier barrier_id(%barrier3A_78)
    %mul3A_79 = arith.constant 632 : i32
    %mul3A_80 = arith.muli %arg1, %mul3A_79 : i32
    %mul3A_81 = arith.constant 632 : i32
    %mul3A_82 = arith.muli %arg1, %mul3A_81 : i32
    "tpu.region"() ({
      %run_scoped3A = tpu.sem_alloc : memref<!tpu.dma_semaphore, #tpu.memory_space<semaphore_mem>>
      %dma_start3A_83 = arith.constant 0 : i32
      %dma_start3A_84 = tpu.memref_slice %arg6[%arg0, %mul3A_82, %dma_start3A_83] : memref<2x10112x128xf32, #tpu.memory_space<hbm>> -> memref<1x632x128xf32, #tpu.memory_space<hbm>>
      %dma_start3A_85 = tpu.memref_squeeze %dma_start3A_84 : memref<1x632x128xf32, #tpu.memory_space<hbm>> -> memref<632x128xf32, #tpu.memory_space<hbm>>
      %dma_start3A_86 = arith.constant 0 : i32
      %dma_start3A_87 = tpu.memref_slice %arg7[%mul3A_80, %dma_start3A_86] : memref<10112x128xf32, #tpu.memory_space<vmem_shared>> -> memref<632x128xf32, #tpu.memory_space<vmem_shared>>
      tpu.enqueue_dma source(%dma_start3A_87 : memref<632x128xf32, #tpu.memory_space<vmem_shared>>) target(%dma_start3A_85 : memref<632x128xf32, #tpu.memory_space<hbm>>) target_semaphore(%run_scoped3A : memref<!tpu.dma_semaphore, #tpu.memory_space<semaphore_mem>>)
      %dma_wait3A_88 = arith.constant 0 : i32
      %dma_wait3A_89 = tpu.memref_slice %arg6[%arg0, %mul3A_82, %dma_wait3A_88] : memref<2x10112x128xf32, #tpu.memory_space<hbm>> -> memref<1x632x128xf32, #tpu.memory_space<hbm>>
      %dma_wait3A_90 = tpu.memref_squeeze %dma_wait3A_89 : memref<1x632x128xf32, #tpu.memory_space<hbm>> -> memref<632x128xf32, #tpu.memory_space<hbm>>
      %dma_wait3A_91 = arith.constant 0 : i32
      %dma_wait3A_92 = tpu.memref_slice %arg7[%mul3A_80, %dma_wait3A_91] : memref<10112x128xf32, #tpu.memory_space<vmem_shared>> -> memref<632x128xf32, #tpu.memory_space<vmem_shared>>
      tpu.wait_dma2 semaphore(%run_scoped3A : memref<!tpu.dma_semaphore, #tpu.memory_space<semaphore_mem>>) src(%dma_wait3A_92 : memref<632x128xf32, #tpu.memory_space<vmem_shared>>) dst(%dma_wait3A_90 : memref<632x128xf32, #tpu.memory_space<hbm>>)
      tpu.yield
    }) : () -> ()
    return
  }
}

#map = affine_map<(d0, d1) -> (0, 0)>
#map1 = affine_map<(d0, d1) -> (0)>
#map2 = affine_map<(d0, d1) -> (0, 0, 0)>
module attributes {stable_mosaic.version = 14 : i64} {
  func.func @agg(%arg0: i32, %arg1: i32, %arg2: memref<10000x128xf32, #tpu.memory_space<hbm>>, %arg3: memref<320000xi32, #tpu.memory_space<hbm>>, %arg4: memref<320000xi32, #tpu.memory_space<hbm>>, %arg5: memref<128x128xf32, #tpu.memory_space<hbm>>, %arg6: memref<2x10112x128xf32, #tpu.memory_space<hbm>>, %arg7: memref<10112x128xf32, #tpu.memory_space<vmem_shared>>, %arg8: memref<128xi32, #tpu.memory_space<vmem>>, %arg9: memref<128xi32, #tpu.memory_space<vmem>>, %arg10: memref<128xi32, #tpu.memory_space<vmem>>, %arg11: memref<128xi32, #tpu.memory_space<vmem>>, %arg12: memref<128x128xf32, #tpu.memory_space<vmem>>, %arg13: memref<128x128xf32, #tpu.memory_space<vmem>>, %arg14: memref<16xi32, #tpu.memory_space<vmem>>, %arg15: memref<16xi32, #tpu.memory_space<vmem>>, %arg16: memref<16x128xf32, #tpu.memory_space<vmem>>, %arg17: memref<!tpu.dma_semaphore, #tpu.memory_space<semaphore_mem>>, %arg18: memref<!tpu.dma_semaphore, #tpu.memory_space<semaphore_mem>>, %arg19: memref<!tpu.dma_semaphore, #tpu.memory_space<semaphore_mem>>, %arg20: memref<!tpu.dma_semaphore, #tpu.memory_space<semaphore_mem>>, %arg21: memref<!tpu.dma_semaphore, #tpu.memory_space<semaphore_mem>>, %arg22: memref<!tpu.dma_semaphore, #tpu.memory_space<semaphore_mem>>, %arg23: memref<!tpu.dma_semaphore, #tpu.memory_space<semaphore_mem>>) attributes {dimension_semantics = [#tpu.dimension_semantics<core_parallel>, #tpu.dimension_semantics<subcore_parallel>], iteration_bounds = array<i64: 2, 16>, scalar_prefetch = 0 : i64, scratch_operands = 17 : i64, tpu.core_type = #tpu.core_type<sc_vector_subcore>, window_params = [{transform_indices = #map}, {transform_indices = #map1}, {transform_indices = #map1}, {transform_indices = #map}, {transform_indices = #map2}]} {
    %mul3A = arith.constant 16 : i32
    %mul3A_0 = arith.muli %arg0, %mul3A : i32
    %add3A = arith.addi %mul3A_0, %arg1 : i32
    %mul3A_1 = arith.constant 10000 : i32
    %mul3A_2 = arith.muli %add3A, %mul3A_1 : i32
    %add3A_3 = arith.constant 0 : i32
    %add3A_4 = arith.addi %mul3A_2, %add3A_3 : i32
    %dma_start3A = tpu.memref_slice %arg3[%add3A_4] : memref<320000xi32, #tpu.memory_space<hbm>> -> memref<128xi32, #tpu.memory_space<hbm>>
    %dma_start3A_5 = tpu.memref_slice %arg3[%add3A_4] : memref<320000xi32, #tpu.memory_space<hbm>> -> memref<128xi32, #tpu.memory_space<hbm>>
    tpu.enqueue_dma source(%dma_start3A_5 : memref<128xi32, #tpu.memory_space<hbm>>) target(%arg8 : memref<128xi32, #tpu.memory_space<vmem>>) target_semaphore(%arg17 : memref<!tpu.dma_semaphore, #tpu.memory_space<semaphore_mem>>)
    %add3A_6 = arith.constant 0 : i32
    %add3A_7 = arith.addi %mul3A_2, %add3A_6 : i32
    %dma_start3A_8 = tpu.memref_slice %arg4[%add3A_7] : memref<320000xi32, #tpu.memory_space<hbm>> -> memref<128xi32, #tpu.memory_space<hbm>>
    %dma_start3A_9 = tpu.memref_slice %arg4[%add3A_7] : memref<320000xi32, #tpu.memory_space<hbm>> -> memref<128xi32, #tpu.memory_space<hbm>>
    tpu.enqueue_dma source(%dma_start3A_9 : memref<128xi32, #tpu.memory_space<hbm>>) target(%arg10 : memref<128xi32, #tpu.memory_space<vmem>>) target_semaphore(%arg19 : memref<!tpu.dma_semaphore, #tpu.memory_space<semaphore_mem>>)
    %add3A_10 = arith.constant 128 : i32
    %add3A_11 = arith.addi %mul3A_2, %add3A_10 : i32
    %dma_start3A_12 = tpu.memref_slice %arg3[%add3A_11] : memref<320000xi32, #tpu.memory_space<hbm>> -> memref<128xi32, #tpu.memory_space<hbm>>
    %dma_start3A_13 = tpu.memref_slice %arg3[%add3A_11] : memref<320000xi32, #tpu.memory_space<hbm>> -> memref<128xi32, #tpu.memory_space<hbm>>
    tpu.enqueue_dma source(%dma_start3A_13 : memref<128xi32, #tpu.memory_space<hbm>>) target(%arg9 : memref<128xi32, #tpu.memory_space<vmem>>) target_semaphore(%arg18 : memref<!tpu.dma_semaphore, #tpu.memory_space<semaphore_mem>>)
    %add3A_14 = arith.constant 128 : i32
    %add3A_15 = arith.addi %mul3A_2, %add3A_14 : i32
    %dma_start3A_16 = tpu.memref_slice %arg4[%add3A_15] : memref<320000xi32, #tpu.memory_space<hbm>> -> memref<128xi32, #tpu.memory_space<hbm>>
    %dma_start3A_17 = tpu.memref_slice %arg4[%add3A_15] : memref<320000xi32, #tpu.memory_space<hbm>> -> memref<128xi32, #tpu.memory_space<hbm>>
    tpu.enqueue_dma source(%dma_start3A_17 : memref<128xi32, #tpu.memory_space<hbm>>) target(%arg11 : memref<128xi32, #tpu.memory_space<vmem>>) target_semaphore(%arg20 : memref<!tpu.dma_semaphore, #tpu.memory_space<semaphore_mem>>)
    %add3A_18 = arith.constant 9984 : i32
    %add3A_19 = arith.addi %mul3A_2, %add3A_18 : i32
    %dma_start3A_20 = tpu.memref_slice %arg3[%add3A_19] : memref<320000xi32, #tpu.memory_space<hbm>> -> memref<16xi32, #tpu.memory_space<hbm>>
    %dma_start3A_21 = tpu.memref_slice %arg3[%add3A_19] : memref<320000xi32, #tpu.memory_space<hbm>> -> memref<16xi32, #tpu.memory_space<hbm>>
    tpu.enqueue_dma source(%dma_start3A_21 : memref<16xi32, #tpu.memory_space<hbm>>) target(%arg14 : memref<16xi32, #tpu.memory_space<vmem>>) target_semaphore(%arg23 : memref<!tpu.dma_semaphore, #tpu.memory_space<semaphore_mem>>)
    %add3A_22 = arith.constant 9984 : i32
    %add3A_23 = arith.addi %mul3A_2, %add3A_22 : i32
    %dma_start3A_24 = tpu.memref_slice %arg4[%add3A_23] : memref<320000xi32, #tpu.memory_space<hbm>> -> memref<16xi32, #tpu.memory_space<hbm>>
    %dma_start3A_25 = tpu.memref_slice %arg4[%add3A_23] : memref<320000xi32, #tpu.memory_space<hbm>> -> memref<16xi32, #tpu.memory_space<hbm>>
    tpu.enqueue_dma source(%dma_start3A_25 : memref<16xi32, #tpu.memory_space<hbm>>) target(%arg15 : memref<16xi32, #tpu.memory_space<vmem>>) target_semaphore(%arg23 : memref<!tpu.dma_semaphore, #tpu.memory_space<semaphore_mem>>)
    %mul3A_26 = arith.constant 632 : i32
    %mul3A_27 = arith.muli %arg1, %mul3A_26 : i32
    %add3A_28 = arith.constant 0 : i32
    %add3A_29 = arith.addi %mul3A_27, %add3A_28 : i32
    "tpu.region"() ({
      %run_scoped3A = tpu.sem_alloc : memref<!tpu.dma_semaphore, #tpu.memory_space<semaphore_mem>>
      %dma_start3A_83 = arith.constant 0 : i32
      %dma_start3A_84 = tpu.memref_slice %arg7[%add3A_29, %dma_start3A_83] : memref<10112x128xf32, #tpu.memory_space<vmem_shared>> -> memref<128x128xf32, #tpu.memory_space<vmem_shared>>
      tpu.enqueue_dma source(%arg5 : memref<128x128xf32, #tpu.memory_space<hbm>>) target(%dma_start3A_84 : memref<128x128xf32, #tpu.memory_space<vmem_shared>>) target_semaphore(%run_scoped3A : memref<!tpu.dma_semaphore, #tpu.memory_space<semaphore_mem>>)
      %dma_wait3A_85 = arith.constant 0 : i32
      %dma_wait3A_86 = tpu.memref_slice %arg7[%add3A_29, %dma_wait3A_85] : memref<10112x128xf32, #tpu.memory_space<vmem_shared>> -> memref<128x128xf32, #tpu.memory_space<vmem_shared>>
      tpu.wait_dma2 semaphore(%run_scoped3A : memref<!tpu.dma_semaphore, #tpu.memory_space<semaphore_mem>>) src(%arg5 : memref<128x128xf32, #tpu.memory_space<hbm>>) dst(%dma_wait3A_86 : memref<128x128xf32, #tpu.memory_space<vmem_shared>>)
      tpu.yield
    }) : () -> ()
    %mul3A_30 = arith.constant 632 : i32
    %mul3A_31 = arith.muli %arg1, %mul3A_30 : i32
    %add3A_32 = arith.constant 128 : i32
    %add3A_33 = arith.addi %mul3A_31, %add3A_32 : i32
    "tpu.region"() ({
      %run_scoped3A = tpu.sem_alloc : memref<!tpu.dma_semaphore, #tpu.memory_space<semaphore_mem>>
      %dma_start3A_83 = arith.constant 0 : i32
      %dma_start3A_84 = tpu.memref_slice %arg7[%add3A_33, %dma_start3A_83] : memref<10112x128xf32, #tpu.memory_space<vmem_shared>> -> memref<128x128xf32, #tpu.memory_space<vmem_shared>>
      tpu.enqueue_dma source(%arg5 : memref<128x128xf32, #tpu.memory_space<hbm>>) target(%dma_start3A_84 : memref<128x128xf32, #tpu.memory_space<vmem_shared>>) target_semaphore(%run_scoped3A : memref<!tpu.dma_semaphore, #tpu.memory_space<semaphore_mem>>)
      %dma_wait3A_85 = arith.constant 0 : i32
      %dma_wait3A_86 = tpu.memref_slice %arg7[%add3A_33, %dma_wait3A_85] : memref<10112x128xf32, #tpu.memory_space<vmem_shared>> -> memref<128x128xf32, #tpu.memory_space<vmem_shared>>
      tpu.wait_dma2 semaphore(%run_scoped3A : memref<!tpu.dma_semaphore, #tpu.memory_space<semaphore_mem>>) src(%arg5 : memref<128x128xf32, #tpu.memory_space<hbm>>) dst(%dma_wait3A_86 : memref<128x128xf32, #tpu.memory_space<vmem_shared>>)
      tpu.yield
    }) : () -> ()
    %mul3A_34 = arith.constant 632 : i32
    %mul3A_35 = arith.muli %arg1, %mul3A_34 : i32
    %add3A_36 = arith.constant 256 : i32
    %add3A_37 = arith.addi %mul3A_35, %add3A_36 : i32
    "tpu.region"() ({
      %run_scoped3A = tpu.sem_alloc : memref<!tpu.dma_semaphore, #tpu.memory_space<semaphore_mem>>
      %dma_start3A_83 = arith.constant 0 : i32
      %dma_start3A_84 = tpu.memref_slice %arg7[%add3A_37, %dma_start3A_83] : memref<10112x128xf32, #tpu.memory_space<vmem_shared>> -> memref<128x128xf32, #tpu.memory_space<vmem_shared>>
      tpu.enqueue_dma source(%arg5 : memref<128x128xf32, #tpu.memory_space<hbm>>) target(%dma_start3A_84 : memref<128x128xf32, #tpu.memory_space<vmem_shared>>) target_semaphore(%run_scoped3A : memref<!tpu.dma_semaphore, #tpu.memory_space<semaphore_mem>>)
      %dma_wait3A_85 = arith.constant 0 : i32
      %dma_wait3A_86 = tpu.memref_slice %arg7[%add3A_37, %dma_wait3A_85] : memref<10112x128xf32, #tpu.memory_space<vmem_shared>> -> memref<128x128xf32, #tpu.memory_space<vmem_shared>>
      tpu.wait_dma2 semaphore(%run_scoped3A : memref<!tpu.dma_semaphore, #tpu.memory_space<semaphore_mem>>) src(%arg5 : memref<128x128xf32, #tpu.memory_space<hbm>>) dst(%dma_wait3A_86 : memref<128x128xf32, #tpu.memory_space<vmem_shared>>)
      tpu.yield
    }) : () -> ()
    %mul3A_38 = arith.constant 632 : i32
    %mul3A_39 = arith.muli %arg1, %mul3A_38 : i32
    %add3A_40 = arith.constant 384 : i32
    %add3A_41 = arith.addi %mul3A_39, %add3A_40 : i32
    "tpu.region"() ({
      %run_scoped3A = tpu.sem_alloc : memref<!tpu.dma_semaphore, #tpu.memory_space<semaphore_mem>>
      %dma_start3A_83 = arith.constant 0 : i32
      %dma_start3A_84 = tpu.memref_slice %arg7[%add3A_41, %dma_start3A_83] : memref<10112x128xf32, #tpu.memory_space<vmem_shared>> -> memref<128x128xf32, #tpu.memory_space<vmem_shared>>
      tpu.enqueue_dma source(%arg5 : memref<128x128xf32, #tpu.memory_space<hbm>>) target(%dma_start3A_84 : memref<128x128xf32, #tpu.memory_space<vmem_shared>>) target_semaphore(%run_scoped3A : memref<!tpu.dma_semaphore, #tpu.memory_space<semaphore_mem>>)
      %dma_wait3A_85 = arith.constant 0 : i32
      %dma_wait3A_86 = tpu.memref_slice %arg7[%add3A_41, %dma_wait3A_85] : memref<10112x128xf32, #tpu.memory_space<vmem_shared>> -> memref<128x128xf32, #tpu.memory_space<vmem_shared>>
      tpu.wait_dma2 semaphore(%run_scoped3A : memref<!tpu.dma_semaphore, #tpu.memory_space<semaphore_mem>>) src(%arg5 : memref<128x128xf32, #tpu.memory_space<hbm>>) dst(%dma_wait3A_86 : memref<128x128xf32, #tpu.memory_space<vmem_shared>>)
      tpu.yield
    }) : () -> ()
    %mul3A_42 = arith.constant 632 : i32
    %mul3A_43 = arith.muli %arg1, %mul3A_42 : i32
    %add3A_44 = arith.constant 512 : i32
    %add3A_45 = arith.addi %mul3A_43, %add3A_44 : i32
    "tpu.region"() ({
      %run_scoped3A = tpu.sem_alloc : memref<!tpu.dma_semaphore, #tpu.memory_space<semaphore_mem>>
      %dma_start3A_83 = arith.constant 0 : i32
      %dma_start3A_84 = tpu.memref_slice %arg7[%add3A_45, %dma_start3A_83] : memref<10112x128xf32, #tpu.memory_space<vmem_shared>> -> memref<120x128xf32, #tpu.memory_space<vmem_shared>>
      %dma_start3A_85 = arith.constant 0 : i32
      %dma_start3A_86 = arith.constant 0 : i32
      %dma_start3A_87 = tpu.memref_slice %arg5[%dma_start3A_85, %dma_start3A_86] : memref<128x128xf32, #tpu.memory_space<hbm>> -> memref<120x128xf32, #tpu.memory_space<hbm>>
      tpu.enqueue_dma source(%dma_start3A_87 : memref<120x128xf32, #tpu.memory_space<hbm>>) target(%dma_start3A_84 : memref<120x128xf32, #tpu.memory_space<vmem_shared>>) target_semaphore(%run_scoped3A : memref<!tpu.dma_semaphore, #tpu.memory_space<semaphore_mem>>)
      %dma_wait3A_88 = arith.constant 0 : i32
      %dma_wait3A_89 = tpu.memref_slice %arg7[%add3A_45, %dma_wait3A_88] : memref<10112x128xf32, #tpu.memory_space<vmem_shared>> -> memref<120x128xf32, #tpu.memory_space<vmem_shared>>
      %dma_wait3A_90 = arith.constant 0 : i32
      %dma_wait3A_91 = arith.constant 0 : i32
      %dma_wait3A_92 = tpu.memref_slice %arg5[%dma_wait3A_90, %dma_wait3A_91] : memref<128x128xf32, #tpu.memory_space<hbm>> -> memref<120x128xf32, #tpu.memory_space<hbm>>
      tpu.wait_dma2 semaphore(%run_scoped3A : memref<!tpu.dma_semaphore, #tpu.memory_space<semaphore_mem>>) src(%dma_wait3A_92 : memref<120x128xf32, #tpu.memory_space<hbm>>) dst(%dma_wait3A_89 : memref<120x128xf32, #tpu.memory_space<vmem_shared>>)
      tpu.yield
    }) : () -> ()
    %dma_wait3A = arith.constant 0 : i32
    %dma_wait3A_46 = tpu.memref_slice %arg3[%dma_wait3A] : memref<320000xi32, #tpu.memory_space<hbm>> -> memref<128xi32, #tpu.memory_space<hbm>>
    %dma_wait3A_47 = arith.constant 0 : i32
    %dma_wait3A_48 = tpu.memref_slice %arg3[%dma_wait3A_47] : memref<320000xi32, #tpu.memory_space<hbm>> -> memref<128xi32, #tpu.memory_space<hbm>>
    tpu.wait_dma2 semaphore(%arg17 : memref<!tpu.dma_semaphore, #tpu.memory_space<semaphore_mem>>) src(%dma_wait3A_48 : memref<128xi32, #tpu.memory_space<hbm>>) dst(%arg8 : memref<128xi32, #tpu.memory_space<vmem>>)
    %dma_start3A_49 = arith.constant 0 : i32
    %dma_start3A_50 = arith.constant 0 : i32
    %dma_start3A_51 = tpu.memref_slice %arg2[%dma_start3A_49, %dma_start3A_50] : memref<10000x128xf32, #tpu.memory_space<hbm>> -> memref<10000x128xf32, #tpu.memory_space<hbm>>
    tpu.enqueue_indirect_dma source(%dma_start3A_51 : memref<10000x128xf32, #tpu.memory_space<hbm>>) target(%arg12 : memref<128x128xf32, #tpu.memory_space<vmem>>) offsets(%arg8 : memref<128xi32, #tpu.memory_space<vmem>>) semaphore(%arg21 : memref<!tpu.dma_semaphore, #tpu.memory_space<semaphore_mem>>)
    %dma_wait3A_52 = arith.constant 0 : i32
    %dma_wait3A_53 = tpu.memref_slice %arg3[%dma_wait3A_52] : memref<320000xi32, #tpu.memory_space<hbm>> -> memref<128xi32, #tpu.memory_space<hbm>>
    %dma_wait3A_54 = arith.constant 0 : i32
    %dma_wait3A_55 = tpu.memref_slice %arg3[%dma_wait3A_54] : memref<320000xi32, #tpu.memory_space<hbm>> -> memref<128xi32, #tpu.memory_space<hbm>>
    tpu.wait_dma2 semaphore(%arg18 : memref<!tpu.dma_semaphore, #tpu.memory_space<semaphore_mem>>) src(%dma_wait3A_55 : memref<128xi32, #tpu.memory_space<hbm>>) dst(%arg9 : memref<128xi32, #tpu.memory_space<vmem>>)
    %dma_start3A_56 = arith.constant 0 : i32
    %dma_start3A_57 = arith.constant 0 : i32
    %dma_start3A_58 = tpu.memref_slice %arg2[%dma_start3A_56, %dma_start3A_57] : memref<10000x128xf32, #tpu.memory_space<hbm>> -> memref<10000x128xf32, #tpu.memory_space<hbm>>
    tpu.enqueue_indirect_dma source(%dma_start3A_58 : memref<10000x128xf32, #tpu.memory_space<hbm>>) target(%arg13 : memref<128x128xf32, #tpu.memory_space<vmem>>) offsets(%arg9 : memref<128xi32, #tpu.memory_space<vmem>>) semaphore(%arg22 : memref<!tpu.dma_semaphore, #tpu.memory_space<semaphore_mem>>)
    %barrier3A = arith.constant 0 : index
    tpu.barrier barrier_id(%barrier3A)
    %scan3A = arith.constant 0 : i32
    %scan3A_59 = arith.constant 0 : i32
    %scan3A_60 = arith.constant 39 : i32
    %scan3A_61 = arith.addi %scan3A_59, %scan3A_60 : i32
    %scan3A_62 = arith.constant 1 : i32
    scf.for %scan3A_83 = %scan3A_59 to %scan3A_61 step %scan3A_62  : i32 {
      %mul3A_84 = arith.constant 2 : i32
      %mul3A_85 = arith.muli %mul3A_84, %scan3A_83 : i32
      %add3A_86 = arith.constant 1 : i32
      %add3A_87 = arith.addi %mul3A_85, %add3A_86 : i32
      %dma_wait3A_88 = arith.constant 0 : i32
      %dma_wait3A_89 = arith.constant 0 : i32
      %dma_wait3A_90 = tpu.memref_slice %arg2[%dma_wait3A_88, %dma_wait3A_89] : memref<10000x128xf32, #tpu.memory_space<hbm>> -> memref<10000x128xf32, #tpu.memory_space<hbm>>
      tpu.wait_indirect_dma semaphore(%arg21 : memref<!tpu.dma_semaphore, #tpu.memory_space<semaphore_mem>>) src(%dma_wait3A_90 : memref<10000x128xf32, #tpu.memory_space<hbm>>) dst(%arg12 : memref<128x128xf32, #tpu.memory_space<vmem>>)
      %add3A_91 = arith.constant 2 : i32
      %add3A_92 = arith.addi %mul3A_85, %add3A_91 : i32
      %lt3A = arith.constant 78 : i32
      %lt3A_93 = arith.cmpi slt, %add3A_92, %lt3A : i32
      %convert_element_type3A = arith.extui %lt3A_93 : i1 to i32
      %cond3A = arith.constant 0 : i32
      %cond3A_94 = arith.cmpi ne, %convert_element_type3A, %cond3A : i32
      scf.if %cond3A_94 {
        %add3A_127 = arith.constant 2 : i32
        %add3A_128 = arith.addi %mul3A_85, %add3A_127 : i32
        %mul3A_129 = arith.constant 128 : i32
        %mul3A_130 = arith.muli %add3A_128, %mul3A_129 : i32
        %add3A_131 = arith.addi %mul3A_2, %mul3A_130 : i32
        %dma_start3A_132 = tpu.memref_slice %arg3[%add3A_131] : memref<320000xi32, #tpu.memory_space<hbm>> -> memref<128xi32, #tpu.memory_space<hbm>>
        %dma_start3A_133 = tpu.memref_slice %arg3[%add3A_131] : memref<320000xi32, #tpu.memory_space<hbm>> -> memref<128xi32, #tpu.memory_space<hbm>>
        tpu.enqueue_dma source(%dma_start3A_133 : memref<128xi32, #tpu.memory_space<hbm>>) target(%arg8 : memref<128xi32, #tpu.memory_space<vmem>>) target_semaphore(%arg17 : memref<!tpu.dma_semaphore, #tpu.memory_space<semaphore_mem>>)
      } else {
      }
      %dma_wait3A_95 = arith.constant 0 : i32
      %dma_wait3A_96 = tpu.memref_slice %arg4[%dma_wait3A_95] : memref<320000xi32, #tpu.memory_space<hbm>> -> memref<128xi32, #tpu.memory_space<hbm>>
      %dma_wait3A_97 = arith.constant 0 : i32
      %dma_wait3A_98 = tpu.memref_slice %arg4[%dma_wait3A_97] : memref<320000xi32, #tpu.memory_space<hbm>> -> memref<128xi32, #tpu.memory_space<hbm>>
      tpu.wait_dma2 semaphore(%arg19 : memref<!tpu.dma_semaphore, #tpu.memory_space<semaphore_mem>>) src(%dma_wait3A_98 : memref<128xi32, #tpu.memory_space<hbm>>) dst(%arg10 : memref<128xi32, #tpu.memory_space<vmem>>)
      "tpu.region"() ({
        %run_scoped3A = tpu.sem_alloc : memref<!tpu.dma_semaphore, #tpu.memory_space<semaphore_mem>>
        %dma_start3A_127 = arith.constant 0 : i32
        %dma_start3A_128 = arith.constant 0 : i32
        %dma_start3A_129 = tpu.memref_slice %arg7[%dma_start3A_127, %dma_start3A_128] : memref<10112x128xf32, #tpu.memory_space<vmem_shared>> -> memref<10112x128xf32, #tpu.memory_space<vmem_shared>>
        tpu.enqueue_indirect_dma source(%arg12 : memref<128x128xf32, #tpu.memory_space<vmem>>) target(%dma_start3A_129 : memref<10112x128xf32, #tpu.memory_space<vmem_shared>>) offsets(%arg10 : memref<128xi32, #tpu.memory_space<vmem>>) semaphore(%run_scoped3A : memref<!tpu.dma_semaphore, #tpu.memory_space<semaphore_mem>>) {add = true}
        %dma_wait3A_130 = arith.constant 0 : i32
        %dma_wait3A_131 = arith.constant 0 : i32
        %dma_wait3A_132 = tpu.memref_slice %arg7[%dma_wait3A_130, %dma_wait3A_131] : memref<10112x128xf32, #tpu.memory_space<vmem_shared>> -> memref<10112x128xf32, #tpu.memory_space<vmem_shared>>
        tpu.wait_indirect_dma semaphore(%run_scoped3A : memref<!tpu.dma_semaphore, #tpu.memory_space<semaphore_mem>>) src(%arg12 : memref<128x128xf32, #tpu.memory_space<vmem>>) dst(%dma_wait3A_132 : memref<10112x128xf32, #tpu.memory_space<vmem_shared>>)
        tpu.yield
      }) : () -> ()
      %add3A_99 = arith.constant 2 : i32
      %add3A_100 = arith.addi %mul3A_85, %add3A_99 : i32
      %lt3A_101 = arith.constant 78 : i32
      %lt3A_102 = arith.cmpi slt, %add3A_100, %lt3A_101 : i32
      %convert_element_type3A_103 = arith.extui %lt3A_102 : i1 to i32
      %cond3A_104 = arith.constant 0 : i32
      %cond3A_105 = arith.cmpi ne, %convert_element_type3A_103, %cond3A_104 : i32
      scf.if %cond3A_105 {
        %add3A_127 = arith.constant 2 : i32
        %add3A_128 = arith.addi %mul3A_85, %add3A_127 : i32
        %mul3A_129 = arith.constant 128 : i32
        %mul3A_130 = arith.muli %add3A_128, %mul3A_129 : i32
        %add3A_131 = arith.addi %mul3A_2, %mul3A_130 : i32
        %dma_start3A_132 = tpu.memref_slice %arg4[%add3A_131] : memref<320000xi32, #tpu.memory_space<hbm>> -> memref<128xi32, #tpu.memory_space<hbm>>
        %dma_start3A_133 = tpu.memref_slice %arg4[%add3A_131] : memref<320000xi32, #tpu.memory_space<hbm>> -> memref<128xi32, #tpu.memory_space<hbm>>
        tpu.enqueue_dma source(%dma_start3A_133 : memref<128xi32, #tpu.memory_space<hbm>>) target(%arg10 : memref<128xi32, #tpu.memory_space<vmem>>) target_semaphore(%arg19 : memref<!tpu.dma_semaphore, #tpu.memory_space<semaphore_mem>>)
        %dma_wait3A_134 = arith.constant 0 : i32
        %dma_wait3A_135 = tpu.memref_slice %arg3[%dma_wait3A_134] : memref<320000xi32, #tpu.memory_space<hbm>> -> memref<128xi32, #tpu.memory_space<hbm>>
        %dma_wait3A_136 = arith.constant 0 : i32
        %dma_wait3A_137 = tpu.memref_slice %arg3[%dma_wait3A_136] : memref<320000xi32, #tpu.memory_space<hbm>> -> memref<128xi32, #tpu.memory_space<hbm>>
        tpu.wait_dma2 semaphore(%arg17 : memref<!tpu.dma_semaphore, #tpu.memory_space<semaphore_mem>>) src(%dma_wait3A_137 : memref<128xi32, #tpu.memory_space<hbm>>) dst(%arg8 : memref<128xi32, #tpu.memory_space<vmem>>)
        %dma_start3A_138 = arith.constant 0 : i32
        %dma_start3A_139 = arith.constant 0 : i32
        %dma_start3A_140 = tpu.memref_slice %arg2[%dma_start3A_138, %dma_start3A_139] : memref<10000x128xf32, #tpu.memory_space<hbm>> -> memref<10000x128xf32, #tpu.memory_space<hbm>>
        tpu.enqueue_indirect_dma source(%dma_start3A_140 : memref<10000x128xf32, #tpu.memory_space<hbm>>) target(%arg12 : memref<128x128xf32, #tpu.memory_space<vmem>>) offsets(%arg8 : memref<128xi32, #tpu.memory_space<vmem>>) semaphore(%arg21 : memref<!tpu.dma_semaphore, #tpu.memory_space<semaphore_mem>>)
      } else {
      }
      %dma_wait3A_106 = arith.constant 0 : i32
      %dma_wait3A_107 = arith.constant 0 : i32
      %dma_wait3A_108 = tpu.memref_slice %arg2[%dma_wait3A_106, %dma_wait3A_107] : memref<10000x128xf32, #tpu.memory_space<hbm>> -> memref<10000x128xf32, #tpu.memory_space<hbm>>
      tpu.wait_indirect_dma semaphore(%arg22 : memref<!tpu.dma_semaphore, #tpu.memory_space<semaphore_mem>>) src(%dma_wait3A_108 : memref<10000x128xf32, #tpu.memory_space<hbm>>) dst(%arg13 : memref<128x128xf32, #tpu.memory_space<vmem>>)
      %add3A_109 = arith.constant 2 : i32
      %add3A_110 = arith.addi %add3A_87, %add3A_109 : i32
      %lt3A_111 = arith.constant 78 : i32
      %lt3A_112 = arith.cmpi slt, %add3A_110, %lt3A_111 : i32
      %convert_element_type3A_113 = arith.extui %lt3A_112 : i1 to i32
      %cond3A_114 = arith.constant 0 : i32
      %cond3A_115 = arith.cmpi ne, %convert_element_type3A_113, %cond3A_114 : i32
      scf.if %cond3A_115 {
        %add3A_127 = arith.constant 2 : i32
        %add3A_128 = arith.addi %add3A_87, %add3A_127 : i32
        %mul3A_129 = arith.constant 128 : i32
        %mul3A_130 = arith.muli %add3A_128, %mul3A_129 : i32
        %add3A_131 = arith.addi %mul3A_2, %mul3A_130 : i32
        %dma_start3A_132 = tpu.memref_slice %arg3[%add3A_131] : memref<320000xi32, #tpu.memory_space<hbm>> -> memref<128xi32, #tpu.memory_space<hbm>>
        %dma_start3A_133 = tpu.memref_slice %arg3[%add3A_131] : memref<320000xi32, #tpu.memory_space<hbm>> -> memref<128xi32, #tpu.memory_space<hbm>>
        tpu.enqueue_dma source(%dma_start3A_133 : memref<128xi32, #tpu.memory_space<hbm>>) target(%arg9 : memref<128xi32, #tpu.memory_space<vmem>>) target_semaphore(%arg18 : memref<!tpu.dma_semaphore, #tpu.memory_space<semaphore_mem>>)
      } else {
      }
      %dma_wait3A_116 = arith.constant 0 : i32
      %dma_wait3A_117 = tpu.memref_slice %arg4[%dma_wait3A_116] : memref<320000xi32, #tpu.memory_space<hbm>> -> memref<128xi32, #tpu.memory_space<hbm>>
      %dma_wait3A_118 = arith.constant 0 : i32
      %dma_wait3A_119 = tpu.memref_slice %arg4[%dma_wait3A_118] : memref<320000xi32, #tpu.memory_space<hbm>> -> memref<128xi32, #tpu.memory_space<hbm>>
      tpu.wait_dma2 semaphore(%arg20 : memref<!tpu.dma_semaphore, #tpu.memory_space<semaphore_mem>>) src(%dma_wait3A_119 : memref<128xi32, #tpu.memory_space<hbm>>) dst(%arg11 : memref<128xi32, #tpu.memory_space<vmem>>)
      "tpu.region"() ({
        %run_scoped3A = tpu.sem_alloc : memref<!tpu.dma_semaphore, #tpu.memory_space<semaphore_mem>>
        %dma_start3A_127 = arith.constant 0 : i32
        %dma_start3A_128 = arith.constant 0 : i32
        %dma_start3A_129 = tpu.memref_slice %arg7[%dma_start3A_127, %dma_start3A_128] : memref<10112x128xf32, #tpu.memory_space<vmem_shared>> -> memref<10112x128xf32, #tpu.memory_space<vmem_shared>>
        tpu.enqueue_indirect_dma source(%arg13 : memref<128x128xf32, #tpu.memory_space<vmem>>) target(%dma_start3A_129 : memref<10112x128xf32, #tpu.memory_space<vmem_shared>>) offsets(%arg11 : memref<128xi32, #tpu.memory_space<vmem>>) semaphore(%run_scoped3A : memref<!tpu.dma_semaphore, #tpu.memory_space<semaphore_mem>>) {add = true}
        %dma_wait3A_130 = arith.constant 0 : i32
        %dma_wait3A_131 = arith.constant 0 : i32
        %dma_wait3A_132 = tpu.memref_slice %arg7[%dma_wait3A_130, %dma_wait3A_131] : memref<10112x128xf32, #tpu.memory_space<vmem_shared>> -> memref<10112x128xf32, #tpu.memory_space<vmem_shared>>
        tpu.wait_indirect_dma semaphore(%run_scoped3A : memref<!tpu.dma_semaphore, #tpu.memory_space<semaphore_mem>>) src(%arg13 : memref<128x128xf32, #tpu.memory_space<vmem>>) dst(%dma_wait3A_132 : memref<10112x128xf32, #tpu.memory_space<vmem_shared>>)
        tpu.yield
      }) : () -> ()
      %add3A_120 = arith.constant 2 : i32
      %add3A_121 = arith.addi %add3A_87, %add3A_120 : i32
      %lt3A_122 = arith.constant 78 : i32
      %lt3A_123 = arith.cmpi slt, %add3A_121, %lt3A_122 : i32
      %convert_element_type3A_124 = arith.extui %lt3A_123 : i1 to i32
      %cond3A_125 = arith.constant 0 : i32
      %cond3A_126 = arith.cmpi ne, %convert_element_type3A_124, %cond3A_125 : i32
      scf.if %cond3A_126 {
        %add3A_127 = arith.constant 2 : i32
        %add3A_128 = arith.addi %add3A_87, %add3A_127 : i32
        %mul3A_129 = arith.constant 128 : i32
        %mul3A_130 = arith.muli %add3A_128, %mul3A_129 : i32
        %add3A_131 = arith.addi %mul3A_2, %mul3A_130 : i32
        %dma_start3A_132 = tpu.memref_slice %arg4[%add3A_131] : memref<320000xi32, #tpu.memory_space<hbm>> -> memref<128xi32, #tpu.memory_space<hbm>>
        %dma_start3A_133 = tpu.memref_slice %arg4[%add3A_131] : memref<320000xi32, #tpu.memory_space<hbm>> -> memref<128xi32, #tpu.memory_space<hbm>>
        tpu.enqueue_dma source(%dma_start3A_133 : memref<128xi32, #tpu.memory_space<hbm>>) target(%arg11 : memref<128xi32, #tpu.memory_space<vmem>>) target_semaphore(%arg20 : memref<!tpu.dma_semaphore, #tpu.memory_space<semaphore_mem>>)
        %dma_wait3A_134 = arith.constant 0 : i32
        %dma_wait3A_135 = tpu.memref_slice %arg3[%dma_wait3A_134] : memref<320000xi32, #tpu.memory_space<hbm>> -> memref<128xi32, #tpu.memory_space<hbm>>
        %dma_wait3A_136 = arith.constant 0 : i32
        %dma_wait3A_137 = tpu.memref_slice %arg3[%dma_wait3A_136] : memref<320000xi32, #tpu.memory_space<hbm>> -> memref<128xi32, #tpu.memory_space<hbm>>
        tpu.wait_dma2 semaphore(%arg18 : memref<!tpu.dma_semaphore, #tpu.memory_space<semaphore_mem>>) src(%dma_wait3A_137 : memref<128xi32, #tpu.memory_space<hbm>>) dst(%arg9 : memref<128xi32, #tpu.memory_space<vmem>>)
        %dma_start3A_138 = arith.constant 0 : i32
        %dma_start3A_139 = arith.constant 0 : i32
        %dma_start3A_140 = tpu.memref_slice %arg2[%dma_start3A_138, %dma_start3A_139] : memref<10000x128xf32, #tpu.memory_space<hbm>> -> memref<10000x128xf32, #tpu.memory_space<hbm>>
        tpu.enqueue_indirect_dma source(%dma_start3A_140 : memref<10000x128xf32, #tpu.memory_space<hbm>>) target(%arg13 : memref<128x128xf32, #tpu.memory_space<vmem>>) offsets(%arg9 : memref<128xi32, #tpu.memory_space<vmem>>) semaphore(%arg22 : memref<!tpu.dma_semaphore, #tpu.memory_space<semaphore_mem>>)
      } else {
      }
    }
    %scan3A_63 = arith.constant 39 : i32
    %dma_wait3A_64 = arith.constant 0 : i32
    %dma_wait3A_65 = tpu.memref_slice %arg3[%dma_wait3A_64] : memref<320000xi32, #tpu.memory_space<hbm>> -> memref<16xi32, #tpu.memory_space<hbm>>
    %dma_wait3A_66 = arith.constant 0 : i32
    %dma_wait3A_67 = tpu.memref_slice %arg3[%dma_wait3A_66] : memref<320000xi32, #tpu.memory_space<hbm>> -> memref<16xi32, #tpu.memory_space<hbm>>
    tpu.wait_dma2 semaphore(%arg23 : memref<!tpu.dma_semaphore, #tpu.memory_space<semaphore_mem>>) src(%dma_wait3A_67 : memref<16xi32, #tpu.memory_space<hbm>>) dst(%arg14 : memref<16xi32, #tpu.memory_space<vmem>>)
    %dma_wait3A_68 = arith.constant 0 : i32
    %dma_wait3A_69 = tpu.memref_slice %arg4[%dma_wait3A_68] : memref<320000xi32, #tpu.memory_space<hbm>> -> memref<16xi32, #tpu.memory_space<hbm>>
    %dma_wait3A_70 = arith.constant 0 : i32
    %dma_wait3A_71 = tpu.memref_slice %arg4[%dma_wait3A_70] : memref<320000xi32, #tpu.memory_space<hbm>> -> memref<16xi32, #tpu.memory_space<hbm>>
    tpu.wait_dma2 semaphore(%arg23 : memref<!tpu.dma_semaphore, #tpu.memory_space<semaphore_mem>>) src(%dma_wait3A_71 : memref<16xi32, #tpu.memory_space<hbm>>) dst(%arg15 : memref<16xi32, #tpu.memory_space<vmem>>)
    %dma_start3A_72 = arith.constant 0 : i32
    %dma_start3A_73 = arith.constant 0 : i32
    %dma_start3A_74 = tpu.memref_slice %arg2[%dma_start3A_72, %dma_start3A_73] : memref<10000x128xf32, #tpu.memory_space<hbm>> -> memref<10000x128xf32, #tpu.memory_space<hbm>>
    tpu.enqueue_indirect_dma source(%dma_start3A_74 : memref<10000x128xf32, #tpu.memory_space<hbm>>) target(%arg16 : memref<16x128xf32, #tpu.memory_space<vmem>>) offsets(%arg14 : memref<16xi32, #tpu.memory_space<vmem>>) semaphore(%arg21 : memref<!tpu.dma_semaphore, #tpu.memory_space<semaphore_mem>>)
    %dma_wait3A_75 = arith.constant 0 : i32
    %dma_wait3A_76 = arith.constant 0 : i32
    %dma_wait3A_77 = tpu.memref_slice %arg2[%dma_wait3A_75, %dma_wait3A_76] : memref<10000x128xf32, #tpu.memory_space<hbm>> -> memref<10000x128xf32, #tpu.memory_space<hbm>>
    tpu.wait_indirect_dma semaphore(%arg21 : memref<!tpu.dma_semaphore, #tpu.memory_space<semaphore_mem>>) src(%dma_wait3A_77 : memref<10000x128xf32, #tpu.memory_space<hbm>>) dst(%arg16 : memref<16x128xf32, #tpu.memory_space<vmem>>)
    "tpu.region"() ({
      %run_scoped3A = tpu.sem_alloc : memref<!tpu.dma_semaphore, #tpu.memory_space<semaphore_mem>>
      %dma_start3A_83 = arith.constant 0 : i32
      %dma_start3A_84 = arith.constant 0 : i32
      %dma_start3A_85 = tpu.memref_slice %arg7[%dma_start3A_83, %dma_start3A_84] : memref<10112x128xf32, #tpu.memory_space<vmem_shared>> -> memref<10112x128xf32, #tpu.memory_space<vmem_shared>>
      tpu.enqueue_indirect_dma source(%arg16 : memref<16x128xf32, #tpu.memory_space<vmem>>) target(%dma_start3A_85 : memref<10112x128xf32, #tpu.memory_space<vmem_shared>>) offsets(%arg15 : memref<16xi32, #tpu.memory_space<vmem>>) semaphore(%run_scoped3A : memref<!tpu.dma_semaphore, #tpu.memory_space<semaphore_mem>>) {add = true}
      %dma_wait3A_86 = arith.constant 0 : i32
      %dma_wait3A_87 = arith.constant 0 : i32
      %dma_wait3A_88 = tpu.memref_slice %arg7[%dma_wait3A_86, %dma_wait3A_87] : memref<10112x128xf32, #tpu.memory_space<vmem_shared>> -> memref<10112x128xf32, #tpu.memory_space<vmem_shared>>
      tpu.wait_indirect_dma semaphore(%run_scoped3A : memref<!tpu.dma_semaphore, #tpu.memory_space<semaphore_mem>>) src(%arg16 : memref<16x128xf32, #tpu.memory_space<vmem>>) dst(%dma_wait3A_88 : memref<10112x128xf32, #tpu.memory_space<vmem_shared>>)
      tpu.yield
    }) : () -> ()
    %barrier3A_78 = arith.constant 0 : index
    tpu.barrier barrier_id(%barrier3A_78)
    %mul3A_79 = arith.constant 632 : i32
    %mul3A_80 = arith.muli %arg1, %mul3A_79 : i32
    %mul3A_81 = arith.constant 632 : i32
    %mul3A_82 = arith.muli %arg1, %mul3A_81 : i32
    "tpu.region"() ({
      %run_scoped3A = tpu.sem_alloc : memref<!tpu.dma_semaphore, #tpu.memory_space<semaphore_mem>>
      %dma_start3A_83 = arith.constant 0 : i32
      %dma_start3A_84 = tpu.memref_slice %arg6[%arg0, %mul3A_82, %dma_start3A_83] : memref<2x10112x128xf32, #tpu.memory_space<hbm>> -> memref<1x632x128xf32, #tpu.memory_space<hbm>>
      %dma_start3A_85 = tpu.memref_squeeze %dma_start3A_84 : memref<1x632x128xf32, #tpu.memory_space<hbm>> -> memref<632x128xf32, #tpu.memory_space<hbm>>
      %dma_start3A_86 = arith.constant 0 : i32
      %dma_start3A_87 = tpu.memref_slice %arg7[%mul3A_80, %dma_start3A_86] : memref<10112x128xf32, #tpu.memory_space<vmem_shared>> -> memref<632x128xf32, #tpu.memory_space<vmem_shared>>
      tpu.enqueue_dma source(%dma_start3A_87 : memref<632x128xf32, #tpu.memory_space<vmem_shared>>) target(%dma_start3A_85 : memref<632x128xf32, #tpu.memory_space<hbm>>) target_semaphore(%run_scoped3A : memref<!tpu.dma_semaphore, #tpu.memory_space<semaphore_mem>>)
      %dma_wait3A_88 = arith.constant 0 : i32
      %dma_wait3A_89 = tpu.memref_slice %arg6[%arg0, %mul3A_82, %dma_wait3A_88] : memref<2x10112x128xf32, #tpu.memory_space<hbm>> -> memref<1x632x128xf32, #tpu.memory_space<hbm>>
      %dma_wait3A_90 = tpu.memref_squeeze %dma_wait3A_89 : memref<1x632x128xf32, #tpu.memory_space<hbm>> -> memref<632x128xf32, #tpu.memory_space<hbm>>
      %dma_wait3A_91 = arith.constant 0 : i32
      %dma_wait3A_92 = tpu.memref_slice %arg7[%mul3A_80, %dma_wait3A_91] : memref<10112x128xf32, #tpu.memory_space<vmem_shared>> -> memref<632x128xf32, #tpu.memory_space<vmem_shared>>
      tpu.wait_dma2 semaphore(%run_scoped3A : memref<!tpu.dma_semaphore, #tpu.memory_space<semaphore_mem>>) src(%dma_wait3A_92 : memref<632x128xf32, #tpu.memory_space<vmem_shared>>) dst(%dma_wait3A_90 : memref<632x128xf32, #tpu.memory_space<hbm>>)
      tpu.yield
    }) : () -> ()
    return
  }
}

module attributes {stable_mosaic.version = 14 : i64} {
  func.func @_tc_a_body(%arg0: memref<2x10112x144xf32, #tpu.memory_space<vmem>>, %arg1: memref<10000x128xf32, #tpu.memory_space<vmem>>, %arg2: memref<256x128xf32, #tpu.memory_space<vmem>>, %arg3: memref<1x256xf32, #tpu.memory_space<vmem>>, %arg4: memref<256x128xf32, #tpu.memory_space<vmem>>, %arg5: memref<1x256xf32, #tpu.memory_space<vmem>>, %arg6: memref<1x256xf32, #tpu.memory_space<vmem>>, %arg7: memref<20000x128xf32, #tpu.memory_space<vmem>>, %arg8: memref<10000x1xf32, #tpu.memory_space<vmem>>) attributes {dimension_semantics = [], scalar_prefetch = 0 : i64, scratch_operands = 0 : i64, tpu.core_type = #tpu.core_type<tc>} {
    %get3A = arith.constant 0 : index
    %get3A_0 = arith.constant 0 : index
    %get3A_1 = arith.constant 0 : index
    %get3A_2 = vector.load %arg0[%get3A, %get3A_0, %get3A_1] : memref<2x10112x144xf32, #tpu.memory_space<vmem>>, vector<2x10112x144xf32>
    %slice3A = vector.extract_strided_slice %get3A_2 {offsets = [0, 0, 0], sizes = [1, 10000, 144], strides = [1, 1, 1]} : vector<2x10112x144xf32> to vector<1x10000x144xf32>
    %squeeze3A = vector.shape_cast %slice3A : vector<1x10000x144xf32> to vector<10000x144xf32>
    %slice3A_3 = vector.extract_strided_slice %get3A_2 {offsets = [1, 0, 0], sizes = [1, 10000, 144], strides = [1, 1, 1]} : vector<2x10112x144xf32> to vector<1x10000x144xf32>
    %squeeze3A_4 = vector.shape_cast %slice3A_3 : vector<1x10000x144xf32> to vector<10000x144xf32>
    %add3A = arith.addf %squeeze3A, %squeeze3A_4 : vector<10000x144xf32>
    %slice3A_5 = vector.extract_strided_slice %add3A {offsets = [0, 128], sizes = [10000, 1], strides = [1, 1]} : vector<10000x144xf32> to vector<10000x1xf32>
    %max3A = arith.constant 1.000000e+00 : f32
    %max3A_6 = vector.broadcast %max3A : f32 to vector<10000x1xf32>
    %max3A_7 = arith.maximumf %slice3A_5, %max3A_6 : vector<10000x1xf32>
    %div3A = arith.constant 1.000000e+00 : f32
    %div3A_8 = vector.broadcast %div3A : f32 to vector<10000x1xf32>
    %div3A_9 = arith.divf %div3A_8, %max3A_7 : vector<10000x1xf32>
    %slice3A_10 = vector.extract_strided_slice %add3A {offsets = [0, 0], sizes = [10000, 128], strides = [1, 1]} : vector<10000x144xf32> to vector<10000x128xf32>
    %mul3A = vector.broadcast %div3A_9 : vector<10000x1xf32> to vector<10000x128xf32>
    %mul3A_11 = arith.mulf %slice3A_10, %mul3A : vector<10000x128xf32>
    %get3A_12 = arith.constant 0 : index
    %get3A_13 = arith.constant 0 : index
    %get3A_14 = vector.load %arg2[%get3A_12, %get3A_13] : memref<256x128xf32, #tpu.memory_space<vmem>>, vector<256x128xf32>
    %dot_general3A = arith.constant dense<0.000000e+00> : vector<10000x256xf32>
    %dot_general3A_15 = tpu.matmul %mul3A_11, %get3A_14, %dot_general3A {dimension_numbers = #tpu.dot_dimension_numbers<[1], [1], [0], [0], [0, 0, 1, 0], [], []>, transpose_lhs_hint = false} : vector<10000x128xf32>, vector<256x128xf32>, vector<10000x256xf32> -> vector<10000x256xf32>
    %get3A_16 = arith.constant 0 : index
    %get3A_17 = arith.constant 0 : index
    %get3A_18 = vector.load %arg3[%get3A_16, %get3A_17] : memref<1x256xf32, #tpu.memory_space<vmem>>, vector<1x256xf32>
    %add3A_19 = vector.broadcast %get3A_18 : vector<1x256xf32> to vector<10000x256xf32>
    %add3A_20 = arith.addf %dot_general3A_15, %add3A_19 : vector<10000x256xf32>
    %get3A_21 = arith.constant 0 : index
    %get3A_22 = arith.constant 0 : index
    %get3A_23 = vector.load %arg1[%get3A_21, %get3A_22] : memref<10000x128xf32, #tpu.memory_space<vmem>>, vector<10000x128xf32>
    %get3A_24 = arith.constant 0 : index
    %get3A_25 = arith.constant 0 : index
    %get3A_26 = vector.load %arg4[%get3A_24, %get3A_25] : memref<256x128xf32, #tpu.memory_space<vmem>>, vector<256x128xf32>
    %dot_general3A_27 = arith.constant dense<0.000000e+00> : vector<10000x256xf32>
    %dot_general3A_28 = tpu.matmul %get3A_23, %get3A_26, %dot_general3A_27 {dimension_numbers = #tpu.dot_dimension_numbers<[1], [1], [0], [0], [0, 0, 1, 0], [], []>, transpose_lhs_hint = false} : vector<10000x128xf32>, vector<256x128xf32>, vector<10000x256xf32> -> vector<10000x256xf32>
    %add3A_29 = arith.addf %add3A_20, %dot_general3A_28 : vector<10000x256xf32>
    %get3A_30 = arith.constant 0 : index
    %get3A_31 = arith.constant 0 : index
    %get3A_32 = vector.load %arg5[%get3A_30, %get3A_31] : memref<1x256xf32, #tpu.memory_space<vmem>>, vector<1x256xf32>
    %get3A_33 = arith.constant 0 : index
    %get3A_34 = arith.constant 0 : index
    %get3A_35 = vector.load %arg6[%get3A_33, %get3A_34] : memref<1x256xf32, #tpu.memory_space<vmem>>, vector<1x256xf32>
    %reduce_sum3A = arith.constant dense<0.000000e+00> : vector<256xf32>
    %reduce_sum3A_36 = vector.multi_reduction <add>, %add3A_29, %reduce_sum3A [0] : vector<10000x256xf32> to vector<256xf32>
    %broadcast_in_dim3A = vector.shape_cast %reduce_sum3A_36 : vector<256xf32> to vector<1x256xf32>
    %div3A_37 = arith.constant 1.000000e+04 : f32
    %div3A_38 = vector.broadcast %div3A_37 : f32 to vector<1x256xf32>
    %div3A_39 = arith.divf %broadcast_in_dim3A, %div3A_38 : vector<1x256xf32>
    %sub3A = vector.broadcast %div3A_39 : vector<1x256xf32> to vector<10000x256xf32>
    %sub3A_40 = arith.subf %add3A_29, %sub3A : vector<10000x256xf32>
    %integer_pow3A = arith.mulf %sub3A_40, %sub3A_40 : vector<10000x256xf32>
    %reduce_sum3A_41 = arith.constant dense<0.000000e+00> : vector<256xf32>
    %reduce_sum3A_42 = vector.multi_reduction <add>, %integer_pow3A, %reduce_sum3A_41 [0] : vector<10000x256xf32> to vector<256xf32>
    %broadcast_in_dim3A_43 = vector.shape_cast %reduce_sum3A_42 : vector<256xf32> to vector<1x256xf32>
    %div3A_44 = arith.constant 1.000000e+04 : f32
    %div3A_45 = vector.broadcast %div3A_44 : f32 to vector<1x256xf32>
    %div3A_46 = arith.divf %broadcast_in_dim3A_43, %div3A_45 : vector<1x256xf32>
    %sub3A_47 = vector.broadcast %div3A_39 : vector<1x256xf32> to vector<10000x256xf32>
    %sub3A_48 = arith.subf %add3A_29, %sub3A_47 : vector<10000x256xf32>
    %add3A_49 = arith.constant 9.99999974E-6 : f32
    %add3A_50 = vector.broadcast %add3A_49 : f32 to vector<1x256xf32>
    %add3A_51 = arith.addf %div3A_46, %add3A_50 : vector<1x256xf32>
    %rsqrt3A = math.rsqrt %add3A_51 : vector<1x256xf32>
    %mul3A_52 = vector.broadcast %rsqrt3A : vector<1x256xf32> to vector<10000x256xf32>
    %mul3A_53 = arith.mulf %sub3A_48, %mul3A_52 : vector<10000x256xf32>
    %mul3A_54 = vector.broadcast %get3A_32 : vector<1x256xf32> to vector<10000x256xf32>
    %mul3A_55 = arith.mulf %mul3A_53, %mul3A_54 : vector<10000x256xf32>
    %add3A_56 = vector.broadcast %get3A_35 : vector<1x256xf32> to vector<10000x256xf32>
    %add3A_57 = arith.addf %mul3A_55, %add3A_56 : vector<10000x256xf32>
    %max3A_58 = arith.constant 0.000000e+00 : f32
    %max3A_59 = vector.broadcast %max3A_58 : f32 to vector<10000x256xf32>
    %max3A_60 = arith.maximumf %add3A_57, %max3A_59 : vector<10000x256xf32>
    %slice3A_61 = vector.extract_strided_slice %max3A_60 {offsets = [0, 0], sizes = [10000, 128], strides = [1, 1]} : vector<10000x256xf32> to vector<10000x128xf32>
    %slice3A_62 = vector.extract_strided_slice %max3A_60 {offsets = [0, 128], sizes = [10000, 128], strides = [1, 1]} : vector<10000x256xf32> to vector<10000x128xf32>
    %concatenate3A = tpu.concatenate %slice3A_61, %slice3A_62 in 0 : vector<10000x128xf32>, vector<10000x128xf32> -> vector<20000x128xf32>
    %swap3A = arith.constant 0 : index
    %swap3A_63 = arith.constant 0 : index
    %swap3A_64 = vector.load %arg7[%swap3A, %swap3A_63] : memref<20000x128xf32, #tpu.memory_space<vmem>>, vector<20000x128xf32>
    tpu.vector_store %arg7[%swap3A, %swap3A_63], %concatenate3A {strides = array<i32>} : memref<20000x128xf32, #tpu.memory_space<vmem>>, vector<20000x128xf32>,
    %swap3A_65 = arith.constant 0 : index
    %swap3A_66 = arith.constant 0 : index
    %swap3A_67 = vector.load %arg8[%swap3A_65, %swap3A_66] : memref<10000x1xf32, #tpu.memory_space<vmem>>, vector<10000x1xf32>
    tpu.vector_store %arg8[%swap3A_65, %swap3A_66], %div3A_9 {strides = array<i32>} : memref<10000x1xf32, #tpu.memory_space<vmem>>, vector<10000x1xf32>,
    return
  }
}

module attributes {stable_mosaic.version = 14 : i64} {
  func.func @_tc_b_body(%arg0: memref<2x10112x128xf32, #tpu.memory_space<vmem>>, %arg1: memref<20000x128xf32, #tpu.memory_space<vmem>>, %arg2: memref<10000x1xf32, #tpu.memory_space<vmem>>, %arg3: memref<256x256xf32, #tpu.memory_space<vmem>>, %arg4: memref<1x256xf32, #tpu.memory_space<vmem>>, %arg5: memref<256x256xf32, #tpu.memory_space<vmem>>, %arg6: memref<1x256xf32, #tpu.memory_space<vmem>>, %arg7: memref<1x256xf32, #tpu.memory_space<vmem>>, %arg8: memref<128x256xf32, #tpu.memory_space<vmem>>, %arg9: memref<1x128xf32, #tpu.memory_space<vmem>>, %arg10: memref<128x256xf32, #tpu.memory_space<vmem>>, %arg11: memref<10000x128xf32, #tpu.memory_space<vmem>>, %arg12: memref<10000x128xf32, #tpu.memory_space<vmem>>) attributes {dimension_semantics = [], scalar_prefetch = 0 : i64, scratch_operands = 0 : i64, tpu.core_type = #tpu.core_type<tc>} {
    %get3A = arith.constant 0 : index
    %get3A_0 = arith.constant 0 : index
    %get3A_1 = arith.constant 0 : index
    %get3A_2 = vector.load %arg0[%get3A, %get3A_0, %get3A_1] : memref<2x10112x128xf32, #tpu.memory_space<vmem>>, vector<2x10112x128xf32>
    %get3A_3 = arith.constant 0 : index
    %get3A_4 = arith.constant 0 : index
    %get3A_5 = vector.load %arg1[%get3A_3, %get3A_4] : memref<20000x128xf32, #tpu.memory_space<vmem>>, vector<20000x128xf32>
    %get3A_6 = arith.constant 0 : index
    %get3A_7 = arith.constant 0 : index
    %get3A_8 = vector.load %arg2[%get3A_6, %get3A_7] : memref<10000x1xf32, #tpu.memory_space<vmem>>, vector<10000x1xf32>
    %slice3A = vector.extract_strided_slice %get3A_2 {offsets = [0, 0, 0], sizes = [1, 10000, 128], strides = [1, 1, 1]} : vector<2x10112x128xf32> to vector<1x10000x128xf32>
    %squeeze3A = vector.shape_cast %slice3A : vector<1x10000x128xf32> to vector<10000x128xf32>
    %slice3A_9 = vector.extract_strided_slice %get3A_2 {offsets = [1, 0, 0], sizes = [1, 10000, 128], strides = [1, 1, 1]} : vector<2x10112x128xf32> to vector<1x10000x128xf32>
    %squeeze3A_10 = vector.shape_cast %slice3A_9 : vector<1x10000x128xf32> to vector<10000x128xf32>
    %concatenate3A = tpu.concatenate %squeeze3A, %squeeze3A_10 in 1 : vector<10000x128xf32>, vector<10000x128xf32> -> vector<10000x256xf32>
    %mul3A = vector.broadcast %get3A_8 : vector<10000x1xf32> to vector<10000x256xf32>
    %mul3A_11 = arith.mulf %concatenate3A, %mul3A : vector<10000x256xf32>
    %slice3A_12 = vector.extract_strided_slice %get3A_5 {offsets = [0, 0], sizes = [10000, 128], strides = [1, 1]} : vector<20000x128xf32> to vector<10000x128xf32>
    %slice3A_13 = vector.extract_strided_slice %get3A_5 {offsets = [10000, 0], sizes = [10000, 128], strides = [1, 1]} : vector<20000x128xf32> to vector<10000x128xf32>
    %concatenate3A_14 = tpu.concatenate %slice3A_12, %slice3A_13 in 1 : vector<10000x128xf32>, vector<10000x128xf32> -> vector<10000x256xf32>
    %get3A_15 = arith.constant 0 : index
    %get3A_16 = arith.constant 0 : index
    %get3A_17 = vector.load %arg3[%get3A_15, %get3A_16] : memref<256x256xf32, #tpu.memory_space<vmem>>, vector<256x256xf32>
    %dot_general3A = arith.constant dense<0.000000e+00> : vector<10000x256xf32>
    %dot_general3A_18 = tpu.matmul %mul3A_11, %get3A_17, %dot_general3A {dimension_numbers = #tpu.dot_dimension_numbers<[1], [1], [0], [0], [0, 0, 1, 0], [], []>, transpose_lhs_hint = false} : vector<10000x256xf32>, vector<256x256xf32>, vector<10000x256xf32> -> vector<10000x256xf32>
    %get3A_19 = arith.constant 0 : index
    %get3A_20 = arith.constant 0 : index
    %get3A_21 = vector.load %arg4[%get3A_19, %get3A_20] : memref<1x256xf32, #tpu.memory_space<vmem>>, vector<1x256xf32>
    %add3A = vector.broadcast %get3A_21 : vector<1x256xf32> to vector<10000x256xf32>
    %add3A_22 = arith.addf %dot_general3A_18, %add3A : vector<10000x256xf32>
    %get3A_23 = arith.constant 0 : index
    %get3A_24 = arith.constant 0 : index
    %get3A_25 = vector.load %arg5[%get3A_23, %get3A_24] : memref<256x256xf32, #tpu.memory_space<vmem>>, vector<256x256xf32>
    %dot_general3A_26 = arith.constant dense<0.000000e+00> : vector<10000x256xf32>
    %dot_general3A_27 = tpu.matmul %concatenate3A_14, %get3A_25, %dot_general3A_26 {dimension_numbers = #tpu.dot_dimension_numbers<[1], [1], [0], [0], [0, 0, 1, 0], [], []>, transpose_lhs_hint = false} : vector<10000x256xf32>, vector<256x256xf32>, vector<10000x256xf32> -> vector<10000x256xf32>
    %add3A_28 = arith.addf %add3A_22, %dot_general3A_27 : vector<10000x256xf32>
    %get3A_29 = arith.constant 0 : index
    %get3A_30 = arith.constant 0 : index
    %get3A_31 = vector.load %arg6[%get3A_29, %get3A_30] : memref<1x256xf32, #tpu.memory_space<vmem>>, vector<1x256xf32>
    %get3A_32 = arith.constant 0 : index
    %get3A_33 = arith.constant 0 : index
    %get3A_34 = vector.load %arg7[%get3A_32, %get3A_33] : memref<1x256xf32, #tpu.memory_space<vmem>>, vector<1x256xf32>
    %reduce_sum3A = arith.constant dense<0.000000e+00> : vector<256xf32>
    %reduce_sum3A_35 = vector.multi_reduction <add>, %add3A_28, %reduce_sum3A [0] : vector<10000x256xf32> to vector<256xf32>
    %broadcast_in_dim3A = vector.shape_cast %reduce_sum3A_35 : vector<256xf32> to vector<1x256xf32>
    %div3A = arith.constant 1.000000e+04 : f32
    %div3A_36 = vector.broadcast %div3A : f32 to vector<1x256xf32>
    %div3A_37 = arith.divf %broadcast_in_dim3A, %div3A_36 : vector<1x256xf32>
    %sub3A = vector.broadcast %div3A_37 : vector<1x256xf32> to vector<10000x256xf32>
    %sub3A_38 = arith.subf %add3A_28, %sub3A : vector<10000x256xf32>
    %integer_pow3A = arith.mulf %sub3A_38, %sub3A_38 : vector<10000x256xf32>
    %reduce_sum3A_39 = arith.constant dense<0.000000e+00> : vector<256xf32>
    %reduce_sum3A_40 = vector.multi_reduction <add>, %integer_pow3A, %reduce_sum3A_39 [0] : vector<10000x256xf32> to vector<256xf32>
    %broadcast_in_dim3A_41 = vector.shape_cast %reduce_sum3A_40 : vector<256xf32> to vector<1x256xf32>
    %div3A_42 = arith.constant 1.000000e+04 : f32
    %div3A_43 = vector.broadcast %div3A_42 : f32 to vector<1x256xf32>
    %div3A_44 = arith.divf %broadcast_in_dim3A_41, %div3A_43 : vector<1x256xf32>
    %sub3A_45 = vector.broadcast %div3A_37 : vector<1x256xf32> to vector<10000x256xf32>
    %sub3A_46 = arith.subf %add3A_28, %sub3A_45 : vector<10000x256xf32>
    %add3A_47 = arith.constant 9.99999974E-6 : f32
    %add3A_48 = vector.broadcast %add3A_47 : f32 to vector<1x256xf32>
    %add3A_49 = arith.addf %div3A_44, %add3A_48 : vector<1x256xf32>
    %rsqrt3A = math.rsqrt %add3A_49 : vector<1x256xf32>
    %mul3A_50 = vector.broadcast %rsqrt3A : vector<1x256xf32> to vector<10000x256xf32>
    %mul3A_51 = arith.mulf %sub3A_46, %mul3A_50 : vector<10000x256xf32>
    %mul3A_52 = vector.broadcast %get3A_31 : vector<1x256xf32> to vector<10000x256xf32>
    %mul3A_53 = arith.mulf %mul3A_51, %mul3A_52 : vector<10000x256xf32>
    %add3A_54 = vector.broadcast %get3A_34 : vector<1x256xf32> to vector<10000x256xf32>
    %add3A_55 = arith.addf %mul3A_53, %add3A_54 : vector<10000x256xf32>
    %max3A = arith.constant 0.000000e+00 : f32
    %max3A_56 = vector.broadcast %max3A : f32 to vector<10000x256xf32>
    %max3A_57 = arith.maximumf %add3A_55, %max3A_56 : vector<10000x256xf32>
    %get3A_58 = arith.constant 0 : index
    %get3A_59 = arith.constant 0 : index
    %get3A_60 = vector.load %arg8[%get3A_58, %get3A_59] : memref<128x256xf32, #tpu.memory_space<vmem>>, vector<128x256xf32>
    %dot_general3A_61 = arith.constant dense<0.000000e+00> : vector<10000x128xf32>
    %dot_general3A_62 = tpu.matmul %max3A_57, %get3A_60, %dot_general3A_61 {dimension_numbers = #tpu.dot_dimension_numbers<[1], [1], [0], [0], [0, 0, 1, 0], [], []>, transpose_lhs_hint = false} : vector<10000x256xf32>, vector<128x256xf32>, vector<10000x128xf32> -> vector<10000x128xf32>
    %swap3A = arith.constant 0 : index
    %swap3A_63 = arith.constant 0 : index
    %swap3A_64 = vector.load %arg11[%swap3A, %swap3A_63] : memref<10000x128xf32, #tpu.memory_space<vmem>>, vector<10000x128xf32>
    tpu.vector_store %arg11[%swap3A, %swap3A_63], %dot_general3A_62 {strides = array<i32>} : memref<10000x128xf32, #tpu.memory_space<vmem>>, vector<10000x128xf32>,
    %get3A_65 = arith.constant 0 : index
    %get3A_66 = arith.constant 0 : index
    %get3A_67 = vector.load %arg10[%get3A_65, %get3A_66] : memref<128x256xf32, #tpu.memory_space<vmem>>, vector<128x256xf32>
    %dot_general3A_68 = arith.constant dense<0.000000e+00> : vector<10000x128xf32>
    %dot_general3A_69 = tpu.matmul %max3A_57, %get3A_67, %dot_general3A_68 {dimension_numbers = #tpu.dot_dimension_numbers<[1], [1], [0], [0], [0, 0, 1, 0], [], []>, transpose_lhs_hint = false} : vector<10000x256xf32>, vector<128x256xf32>, vector<10000x128xf32> -> vector<10000x128xf32>
    %get3A_70 = arith.constant 0 : index
    %get3A_71 = arith.constant 0 : index
    %get3A_72 = vector.load %arg9[%get3A_70, %get3A_71] : memref<1x128xf32, #tpu.memory_space<vmem>>, vector<1x128xf32>
    %add3A_73 = vector.broadcast %get3A_72 : vector<1x128xf32> to vector<10000x128xf32>
    %add3A_74 = arith.addf %dot_general3A_69, %add3A_73 : vector<10000x128xf32>
    %swap3A_75 = arith.constant 0 : index
    %swap3A_76 = arith.constant 0 : index
    %swap3A_77 = vector.load %arg12[%swap3A_75, %swap3A_76] : memref<10000x128xf32, #tpu.memory_space<vmem>>, vector<10000x128xf32>
    tpu.vector_store %arg12[%swap3A_75, %swap3A_76], %add3A_74 {strides = array<i32>} : memref<10000x128xf32, #tpu.memory_space<vmem>>, vector<10000x128xf32>,
    return
  }
}

module attributes {stable_mosaic.version = 14 : i64} {
  func.func @_tc_c_body(%arg0: memref<2x10112x128xf32, #tpu.memory_space<vmem>>, %arg1: memref<10000x1xf32, #tpu.memory_space<vmem>>, %arg2: memref<10000x128xf32, #tpu.memory_space<vmem>>, %arg3: memref<10000x128xf32, #tpu.memory_space<vmem>>) attributes {dimension_semantics = [], scalar_prefetch = 0 : i64, scratch_operands = 0 : i64, tpu.core_type = #tpu.core_type<tc>} {
    %get3A = arith.constant 0 : index
    %get3A_0 = arith.constant 0 : index
    %get3A_1 = arith.constant 0 : index
    %get3A_2 = vector.load %arg0[%get3A, %get3A_0, %get3A_1] : memref<2x10112x128xf32, #tpu.memory_space<vmem>>, vector<2x10112x128xf32>
    %slice3A = vector.extract_strided_slice %get3A_2 {offsets = [0, 0, 0], sizes = [1, 10000, 128], strides = [1, 1, 1]} : vector<2x10112x128xf32> to vector<1x10000x128xf32>
    %squeeze3A = vector.shape_cast %slice3A : vector<1x10000x128xf32> to vector<10000x128xf32>
    %slice3A_3 = vector.extract_strided_slice %get3A_2 {offsets = [1, 0, 0], sizes = [1, 10000, 128], strides = [1, 1, 1]} : vector<2x10112x128xf32> to vector<1x10000x128xf32>
    %squeeze3A_4 = vector.shape_cast %slice3A_3 : vector<1x10000x128xf32> to vector<10000x128xf32>
    %add3A = arith.addf %squeeze3A, %squeeze3A_4 : vector<10000x128xf32>
    %get3A_5 = arith.constant 0 : index
    %get3A_6 = arith.constant 0 : index
    %get3A_7 = vector.load %arg1[%get3A_5, %get3A_6] : memref<10000x1xf32, #tpu.memory_space<vmem>>, vector<10000x1xf32>
    %mul3A = vector.broadcast %get3A_7 : vector<10000x1xf32> to vector<10000x128xf32>
    %mul3A_8 = arith.mulf %add3A, %mul3A : vector<10000x128xf32>
    %get3A_9 = arith.constant 0 : index
    %get3A_10 = arith.constant 0 : index
    %get3A_11 = vector.load %arg2[%get3A_9, %get3A_10] : memref<10000x128xf32, #tpu.memory_space<vmem>>, vector<10000x128xf32>
    %add3A_12 = arith.addf %mul3A_8, %get3A_11 : vector<10000x128xf32>
    %reduce_max3A = arith.constant dense<0xFF800000> : vector<10000xf32>
    %reduce_max3A_13 = vector.multi_reduction <maximumf>, %add3A_12, %reduce_max3A [1] : vector<10000x128xf32> to vector<10000xf32>
    %broadcast_in_dim3A = vector.shape_cast %reduce_max3A_13 : vector<10000xf32> to vector<10000x1xf32>
    %sub3A = vector.broadcast %broadcast_in_dim3A : vector<10000x1xf32> to vector<10000x128xf32>
    %sub3A_14 = arith.subf %add3A_12, %sub3A : vector<10000x128xf32>
    %exp3A = math.exp %sub3A_14 : vector<10000x128xf32>
    %reduce_sum3A = arith.constant dense<0.000000e+00> : vector<10000xf32>
    %reduce_sum3A_15 = vector.multi_reduction <add>, %exp3A, %reduce_sum3A [1] : vector<10000x128xf32> to vector<10000xf32>
    %broadcast_in_dim3A_16 = vector.shape_cast %reduce_sum3A_15 : vector<10000xf32> to vector<10000x1xf32>
    %log3A = math.log %broadcast_in_dim3A_16 : vector<10000x1xf32>
    %add3A_17 = arith.addf %log3A, %broadcast_in_dim3A : vector<10000x1xf32>
    %sub3A_18 = vector.broadcast %add3A_17 : vector<10000x1xf32> to vector<10000x128xf32>
    %sub3A_19 = arith.subf %add3A_12, %sub3A_18 : vector<10000x128xf32>
    %swap3A = arith.constant 0 : index
    %swap3A_20 = arith.constant 0 : index
    %swap3A_21 = vector.load %arg3[%swap3A, %swap3A_20] : memref<10000x128xf32, #tpu.memory_space<vmem>>, vector<10000x128xf32>
    tpu.vector_store %arg3[%swap3A, %swap3A_20], %sub3A_19 {strides = array<i32>} : memref<10000x128xf32, #tpu.memory_space<vmem>>, vector<10000x128xf32>,
    return
  }
}

</mosaic_0001>

<sc_bundles>
// kernel: kernel.11.cloned.1.call-start
scs
__scs_entry_jumppad:
0x0: {  	(pc) =	sbr.rel $0x88, $3  }
0x1: {  	(tag) =	ssettag $0x0;
	lr =	simm.s32 $0x1  }
0x2: {  	[smem:$0x3F92] =	sst lr;
	_ =	strace $0xD0000000  }
0x3: {  	_ = 	snop  }
0x4: {  	_ = 	snop  }
0x5: {  	_ = 	snop  }
0x6: {  	_ = 	snop  }
0x7: {  	_ = 	snop  }
__scs_overlays_trampoline_lowered:
0x8: {  	[smem:$0x3FA1] =	sst s0  }
0x9: {  	[smem:$0x3FA2] =	sst s1  }
0xa: {  	[smem:$0x3FA3] =	sst s2  }
0xb: {  	[smem:$0x3FA4] =	sst s3  }
0xc: {  	[smem:$0x3FA5] =	sst s4  }
0xd: {  	[smem:$0x3FA6] =	sst s5  }
0xe: {  	[smem:$0x3FA7] =	sst s6  }
0xf: {  	[smem:$0x3FA8] =	sst s7  }
0x10: {  	[smem:$0x3FA9] =	sst s8  }
0x11: {  	[smem:$0x3FAA] =	sst s9;
	s0 =	simm.s32 @!p0 $0x0  }
0x12: {  	s1 =	sld [smem:$0x3F90];
	s0 =	simm.s32 @p0 $0x1  }
0x13: {  	[smem:$0x3FAB] =	sst s0;
	s0 =	simm.s32 @!p1 $0x0  }
0x14: {  	s2 =	sld [smem:$0x3F8F];
	s0 =	simm.s32 @p1 $0x1  }
0x15: {  	[smem:$0x3FAC] =	sst s0;
	s0 =	simm.s32 @!p2 $0x0  }
0x16: {  	s3 =	sld [smem:$0x3FDB];
	s0 =	simm.s32 @p2 $0x1  }
0x17: {  	s4 =	simm.s32 $0x1BF5;
	[smem:$0x3FAE] =	sst s0  }
0x18: {  	s0 =	sld [smem:$0x3F91];
	_ =	swait.ge [sflag:s4], $0x0  }
0x19: {  	s7 =	sld [smem:$0x3F92]  }
0x1a: {  	s8 =	sadd.s32 $0xFFFFE003, lr  }
0x1b: {  	s9 =	sadd.s32 $0xFFFFFEF7, lr;
	s5 =	simm.s32 $0xFFFFFFFF;
	p2 =	slt.u32 s8, $0xFFFFF086  }
0x1c: {  	p1 =	slt.u32 s9, $0xF7A;
	s5 =	simm.s32 @!p2 $0x0  }
0x1d: {  	s5 =	simm.s32 @p1 $0x1;
	p0 =	seq.s32 s7, s2  }
0x1e: {  	s7 =	smul.u32 @!p0 $0xF7A, s2;
	p2 =	seq.s32 @!p0 s5, $0x0  }
0x1f: {  	s9 =	smul.u32 $0xF7A, s1;
	s8 =	simm.s32 @!p0 $0x1BF5;
	p2 =	por !p2, p0  }
0x20: {  	[sflag:s8] =	ssyncset.s32 @!p0 $0xFFFFF086;
	s6 =	sadd.s32 @!p0 s3, s7;
	s7 =	simm.s32 @!p0 $0x108  }
0x21: {  	s3 =	sadd.s32 s3, s9;
	s6 =	sadd.s32 @!p0 $0x88, s6;
	s7 =	simm.s32 @p2 $0x1082  }
0x22: {  	[simem:s7], [sflag:s8] =	dma.local @!p0 [hbm:s6], $0xF7A  }
0x23: {  	s9 =	sor.u32 $0xD0000000, s2;
	s6 =	simm.s32 $0x108;
	_ =	swait.ge @!p0 [sflag:s8], $0x0  }
0x24: {  	s3 =	sadd.s32 $0x88, s3;
	s6 =	simm.s32 @!p1 $0x1082;
	[sflag:s4] =	ssyncset.s32 $0xFFFFF086  }
0x25: {  	[simem:s6], [sflag:s4] =	dma.local [hbm:s3], $0xF7A  }
0x26: {  	[smem:$0x3F92] =	sst s1;
	(tag) =	ssettag s2;
	_ =	strace s9  }
0x27: {  	s1 =	sld [smem:$0x3FA2]  }
0x28: {  	s2 =	sld [smem:$0x3FA3]  }
0x29: {  	s4 =	sld [smem:$0x3FA5]  }
0x2a: {  	p0 =	seq.s32 s5, $0x0;
	s5 =	sld [smem:$0x3FA6]  }
0x2b: {  	s6 =	sld [smem:$0x3FA7]  }
0x2c: {  	s7 =	sld [smem:$0x3FA8]  }
0x2d: {  	s3 =	simm.s32 $0x108;
	s8 =	sld [smem:$0x3FA9]  }
0x2e: {  	s3 =	simm.s32 @!p0 $0x1082;
	s9 =	sld [smem:$0x3FAA]  }
0x2f: {  	lr =	sadd.s32 s0, s3;
	s0 =	sld [smem:$0x3FA1]  }
0x30: {  	s3 =	sld [smem:$0x3FA4]  }
0x31: {  	[smem:$0x3FAD] =	sst s10  }
0x32: {  	s10 =	sld [smem:$0x3FAB];
	_ =	sdelay $0x3  }
0x33: {  	p0 =	seq.s32 s10, $0x1;
	s10 =	sld [smem:$0x3FAD];
	_ =	sdelay $0x3  }
0x34: {  	[smem:$0x3FAD] =	sst s10  }
0x35: {  	s10 =	sld [smem:$0x3FAC];
	_ =	sdelay $0x3  }
0x36: {  	p1 =	seq.s32 s10, $0x1;
	s10 =	sld [smem:$0x3FAD];
	_ =	sdelay $0x3  }
0x37: {  	[smem:$0x3FAD] =	sst s10  }
0x38: {  	s10 =	sld [smem:$0x3FAE]  }
0x39: {  	_ = 	snop;
	(pc) =	sbr.ind lr, $3  }
0x3a: {  	_ = 	snop  }
0x3b: {  	_ = 	snop  }
0x3c: {  	p2 =	seq.s32 s10, $0x1;
	s10 =	sld [smem:$0x3FAD]  }
0x3d: {  	_ =	shalt  }
0x3e: {  	_ =	shalt  }
0x3f: {  	_ =	shalt  }
0x40: {  	_ =	shalt  }
0x41: {  	_ =	shalt  }
0x42: {  	_ =	shalt  }
0x43: {  	_ =	shalt  }
0x44: {  	_ =	shalt  }
0x45: {  	_ =	shalt  }
0x46: {  	_ =	shalt  }
0x47: {  	_ =	shalt  }
0x48: {  	_ =	shalt  }
0x49: {  	_ =	shalt  }
0x4a: {  	_ =	shalt  }
0x4b: {  	_ =	shalt  }
0x4c: {  	_ =	shalt  }
0x4d: {  	_ =	shalt  }
0x4e: {  	_ =	shalt  }
0x4f: {  	_ =	shalt  }
0x50: {  	_ =	shalt  }
0x51: {  	_ =	shalt  }
0x52: {  	_ =	shalt  }
0x53: {  	_ =	shalt  }
0x54: {  	_ =	shalt  }
0x55: {  	_ =	shalt  }
0x56: {  	_ =	shalt  }
0x57: {  	_ =	shalt  }
0x58: {  	_ =	shalt  }
0x59: {  	_ =	shalt  }
0x5a: {  	_ =	shalt  }
0x5b: {  	_ =	shalt  }
0x5c: {  	_ =	shalt  }
0x5d: {  	_ =	shalt  }
0x5e: {  	_ =	shalt  }
0x5f: {  	_ =	shalt  }
0x60: {  	_ =	shalt  }
0x61: {  	_ =	shalt  }
0x62: {  	_ =	shalt  }
0x63: {  	_ =	shalt  }
0x64: {  	_ =	shalt  }
0x65: {  	_ =	shalt  }
0x66: {  	_ =	shalt  }
0x67: {  	_ =	shalt  }
0x68: {  	_ =	shalt  }
0x69: {  	_ =	shalt  }
0x6a: {  	_ =	shalt  }
0x6b: {  	_ =	shalt  }
0x6c: {  	_ =	shalt  }
0x6d: {  	_ =	shalt  }
0x6e: {  	_ =	shalt  }
0x6f: {  	_ =	shalt  }
0x70: {  	_ =	shalt  }
0x71: {  	_ =	shalt  }
0x72: {  	_ =	shalt  }
0x73: {  	_ =	shalt  }
0x74: {  	_ =	shalt  }
0x75: {  	_ =	shalt  }
0x76: {  	_ =	shalt  }
0x77: {  	_ =	shalt  }
0x78: {  	_ =	shalt  }
0x79: {  	_ =	shalt  }
0x7a: {  	_ =	shalt  }
0x7b: {  	_ =	shalt  }
0x7c: {  	_ =	shalt  }
0x7d: {  	_ =	shalt  }
0x7e: {  	_ =	shalt  }
0x7f: {  	_ =	shalt  }
0x80: {  	_ =	shalt  }
0x81: {  	_ =	shalt  }
0x82: {  	_ =	shalt  }
0x83: {  	_ =	shalt  }
0x84: {  	_ =	shalt  }
0x85: {  	_ =	shalt  }
0x86: {  	_ =	shalt  }
0x87: {  	_ =	shalt  }
.Lfunc_end0:
.L_simem_size_0:
called_computation.1_lowered:
.L_overlay_start_0:
0x88: {  	s2 =	sld [smem:$0x3FD9]  }
0x89: {  	s3 =	sld [smem:$0x3FFE];
	_ =	sdelay $0x1  }
0x8a: {  	s1 =	srdreg.scid  }
0x8b: {  	s0 =	sand.u32 $0x1, s1  }
0x8c: {  	s17 =	sshll.u32 s0, $0xA;
	s2 =	sadd.s32 s3, s2  }
0x8d: {  	s2 =	sadd.s32 s2, s17  }
0x8e: {  	[smem:$0x3FB9] =	sst s2  }
0x8f: {  	_ = 	snop  }
0x90: {  	s2 =	sld [smem:$0x3FD0];
	(tm) =	ssettm $0x1  }
0x91: {  	s18 =	sld [smem:$0x3FFB];
	_ =	sdelay $0x3  }
0x92: {  	_ =	strace s18  }
0x93: {  	s3 =	sld [smem:$0x3FFC];
	_ =	sdelay $0x3  }
0x94: {  	_ =	strace s3  }
0x95: {  	s3 =	sld [smem:$0x3FFD];
	_ =	sdelay $0x3  }
0x96: {  	_ =	strace s3  }
0x97: {  	_ =	strace $0x8FFFFFFF  }
0x98: {  	s19 =	sld [smem:$0x3FDB];
	_ =	sdelay $0x1  }
0x99: {  	s4 =	simm.s32 $_scs_section_size  }
0x9a: {  	s5 =	simm.s32 $_size__tile_overlayer_lowered;
	s6 =	simm.s32 $_tile_overlayer_lowered  }
0x9b: {  	s22 =	simm.s32 $0x1BFF;
	s21 =	sshll.u32 s6, $0x1;
	s3 =	sadd.s32 s4, s19  }
0x9c: {  	s7 =	simm.s32 $0x0;
	s20 =	sshll.u32 s5, $0x1;
	s5 =	sadd.s32 s21, s3  }
0x9d: {  	[timem:s7], [sflag:s22] =	dma.local [hbm:s5], s20  }
0x9e: {  	_ =	swait.ge [sflag:s22], s20  }
0x9f: {  	s4 =	ssub.s32 $0x0, s20;
	[sflag:s22] =	ssyncset.done $0x0  }
0xa0: {  	[sflag:s22] =	ssyncadd.s32 s4;
	_ =	sdelay $0x1  }
0xa1: {  	s23 =	simm.s32 $0x1B8B  }
0xa2: {  	_ =	swait.ge [sflag:s23], $0x1  }
0xa3: {  	[sflag:s23] =	ssyncset.done $0x0  }
0xa4: {  	s25 =	simm.s32 $0x1B8E;
	s24 =	sld [smem:$0x3FFE];
	[sflag:s23] =	ssyncadd.s32 $0xFFFFFFFF  }
0xa5: {  	s26 =	simm.s32 $execute0_lowered;
	[smem:$0x3FD2] =	sst s25  }
0xa6: {  	s5 =	sshll.u32 s26, $0x1;
	_ =	strace $0x80000049;
	[dreg:$0x1] =	wrdreg $0xFFFFFFFF  }
0xa7: {  	s28 =	simm.s32 $_size_execute0_lowered;
	s3 =	sadd.s32 s3, s5;
	[dreg:$0x0] =	wrdreg $0x0  }
0xa8: {  	s5 =	sshll.u32 s28, $0x1;
	[dreg:$0x2] =	wrdreg s3  }
0xa9: {  	[dreg:$0x3] =	wrdreg s5  }
0xaa: {  	[dreg:$0x4] =	wrdreg $0xC0  }
0xab: {  	_ =	task [dreg:s7], $0x5FFFF  }
0xac: {  	[dreg:$0x1] =	wrdreg $0xFFFFFFFF  }
0xad: {  	[dreg:$0x0] =	wrdreg $0x60  }
0xae: {  	[dreg:$0x2] =	wrdreg s24  }
0xaf: {  	[dreg:$0x3] =	wrdreg s2  }
0xb0: {  	[dreg:$0x4] =	wrdreg $0x0  }
0xb1: {  	[dreg:$0x5] =	wrdreg $0x9  }
0xb2: {  	_ =	task.clear_ibuf [dreg:s7], $0x6FFFF;
	_ =	strace $0x90000049  }
0xb3: {  	s29 =	simm.s32 $0x9;
	_ =	strace $0x8000004B  }
0xb4: {  	_ =	swait.ge [sflag:s29], $0x1  }
0xb5: {  	[sflag:s29] =	ssyncadd.s32 $0xFFFFFFFF  }
0xb6: {  	_ =	strace $0x9000004B  }
0xb7: {  	_ =	sfence  }
0xb8: {  	s30 =	sld [smem:$0x0];
	_ =	sdelay $0x2  }
0xb9: {  	s31 =	sshll.u32 s1, $0xD;
	s1 =	sshrl.u32 s1, $0x2  }
0xba: {  	s3 =	sand.u32 $0x4000, s31;
	s1 =	sadd.s32 s1, s30  }
0xbb: {  	s0 =	sor.u32 s3, s0;
	s1 =	sshll.u32 s1, $0x11  }
0xbc: {  	s0 =	sor.u32 s1, s0  }
0xbd: {  	s0 =	sadd.s32 $0x8F2B, s0  }
0xbe: {  	[sflag:s0] =	ssyncadd.remote.s32 $0x1  }
0xbf: {  	_ =	sfence.sel $0xFFFF  }
0xc0: {  	[dreg:$0x0] =	wrdreg $0xFFFFFFFF;
	(pc) =	sbr.abs _section_cstart, $3  }
0xc1: {  	[dreg:$0x1] =	wrdreg $0xFFFFFFFF  }
0xc2: {  	_ =	task.clear_ibuf [dreg:s7], $0x2FFFF;
	_ =	strace $0x9FFFFFFF  }
0xc3: {  	(tm) =	ssettm $0x7FFFFFFF  }
tec
execute0_lowered:
.L_overlay_start_1:
0x0: {  	(tag) =	ssettag $0x1  }
0x1: {  	s0 =	rddreg [dreg:$0x0]  }
0x2: {  	s2 =	rddreg [dreg:$0x1]  }
0x3: {  	s3 =	rddreg [dreg:$0x2];
	s1 =	srdreg.scid  }
0x4: {  	s13 =	stileid.u32;
	s4 =	simm.s32 $0x0;
	s20 =	simm.s32 $0x13C00  }
0x5: {  	s21 =	simm.s32 $0x13D00;
	s28 =	simm.s32 $0x13D80;
	s7 =	smul.u32 $0x13C00, s13  }
0x6: {  	s31 =	simm.s32 $0x8;
	s1 =	sand.u32 $0x1, s1;
	s8 =	smul.u32 $0x4E20, s13  }
0x7: {  	[smem:$0x7FF] =	sst s4;
	s5 =	sadd.s32 $0x16800, s0;
	s6 =	smul.u32 $0x13C000, s1  }
0x8: {  	s9 =	sadd.s32 $0x2C00, s0;
	s11 =	smul.u32 $0x4E200, s1;
	s1 =	ssub.s32 $0x2, s1  }
0x9: {  	s29 =	smul.u32 $0x4F000, s13;
	_ =	strace $0x8000004A;
	s25 =	sshrl.u32 s1, $0x1  }
0xa: {  	s10 =	sadd.s32 s7, s6;
	s6 =	sadd.s32 $0x64A00, s0;
	s11 =	sadd.s32 s8, s11  }
0xb: {  	s1 =	ssub.s32 s1, s25;
	s8 =	sshrl.u32 s8, $0x3;
	s7 =	sadd.s32 s7, s3  }
0xc: {  	s10 =	sshrl.u32 s10, $0x3;
	s26 =	sshrl.u32 s11, $0x3;
	s12 =	sadd.s32 s9, s8  }
0xd: {  	s8 =	sshrl.u32 s29, $0x2;
	[dreg:$0xa] =	wrdreg s7;
	s22 =	smax.u32 s1, $0x1  }
0xe: {  	s24 =	sadd.s32 $0x100, s11;
	s1 =	simm.s32 $0x80;
	[dreg:$0x5] =	wrdreg s12  }
0xf: {  	s0 =	sadd.s32 s10, s0;
	s10 =	sadd.s32 s2, s26;
	[dreg:$0xc] =	wrdreg s22  }
0x10: {  	s30 =	sadd.s32 $0x10, s12;
	s12 =	sadd.s32 $0x9C0, s12;
	[dreg:$0xd] =	wrdreg s24  }
0x11: {  	s15 =	sadd.s32 s8, s3;
	s22 =	simm.s32 $0x1BE20;
	[dreg:$0x7] =	wrdreg s30  }
0x12: {  	s14 =	sadd.s32 $0x10, s10;
	[dreg:$0x4] =	wrdreg s10;
	s10 =	sadd.s32 $0x9C0, s10  }
0x13: {  	[dreg:$0x9] =	wrdreg s12;
	s8 =	sadd.s32 $0x4000, s15;
	s16 =	sadd.s32 $0x8000, s15  }
0x14: {  	s17 =	sadd.s32 $0xC000, s15;
	s7 =	sadd.s32 $0x10000, s15;
	s15 =	sadd.s32 $0x180, s11  }
0x15: {  	s0 =	sadd.s32 $0x65200, s0;
	s11 =	simm.s32 $0x17E00;
	[dreg:$0x6] =	wrdreg s14  }
0x16: {  	s12 =	simm.s32 $0x5;
	[dreg:$0x8] =	wrdreg s10;
	s14 =	sshll.u32 s13, $0x6  }
0x17: {  	s13 =	smul.u32 $0x9C4, s13;
	[dreg:$0xb] =	wrdreg s0;
	s23 =	sshrl.u32 s15, $0x3  }
0x18: {  	s25 =	sshrl.u32 s8, $0x3;
	s26 =	sshrl.u32 s16, $0x3;
	s29 =	sshrl.u32 s17, $0x3  }
0x19: {  	s30 =	sshrl.u32 s7, $0x3;
	s17 =	simm.s32 $0x1BE00;
	s0 =	simm.s32 $0x1  }
0x1a: {  	s10 =	simm.s32 $0x2;
	s7 =	simm.s32 $0x6;
	[dreg:$0xe] =	wrdreg s25  }
0x1b: {  	s15 =	simm.s32 $0x4;
	s8 =	simm.s32 $0x7;
	[dreg:$0xf] =	wrdreg s26  }
0x1c: {  	s14 =	sor.u32 $0x1C08, s14;
	s19 =	sadd.s32 s23, s2;
	[dreg:$0x10] =	wrdreg s29  }
0x1d: {  	[dreg:$0x11] =	wrdreg s30;
	s26 =	simm.s32 $0x13C80;
	s23 =	simm.s32 $0x0  }
0x1e: {  	s18 =	sadd.s32 s13, s9;
	s9 =	simm.s32 $0x13E00;
	s13 =	simm.s32 $0x3  }
.LBB2_1:
0x1f: {  	s16 =	rddreg [dreg:$0x4]  }
0x20: {  	s24 =	rddreg [dreg:$0x5]  }
0x21: {  	[tilespmem:s20], [sflag:$0x1] =	stream.linear.gather [hbm4b:s16+s4], $0x80, $0x38;
	[tilespmem:$0x1CE40] =	vst v63  }
0x22: {  	s25 =	rddreg [dreg:$0x6]  }
0x23: {  	[tilespmem:s21], [sflag:$0x3] =	stream.linear.gather [hbm4b:s24+s4], $0x80, $0x38;
	[tilespmem:$0x1CE40] =	vst v63  }
0x24: {  	s24 =	rddreg [dreg:$0x7]  }
0x25: {  	[tilespmem:s26], [sflag:$0x2] =	stream.linear.gather [hbm4b:s25+s4], $0x80, $0x38;
	[tilespmem:$0x1CE40] =	vst v63  }
0x26: {  	s25 =	rddreg [dreg:$0x8]  }
0x27: {  	[tilespmem:s28], [sflag:$0x4] =	stream.linear.gather [hbm4b:s24+s4], $0x80, $0x38;
	[tilespmem:$0x1CE40] =	vst v63  }
0x28: {  	s24 =	rddreg [dreg:$0xa]  }
0x29: {  	[tilespmem:s17], [sflag:$0x7] =	stream.linear.gather [hbm4b:s25+s4], $0x20, $0x38;
	[tilespmem:$0x1CE40] =	vst v63  }
0x2a: {  	s29 =	sshrl.u32 s24, $0x3;
	s17 =	rddreg [dreg:$0x9]  }
0x2b: {  	[tilespmem:s22], [sflag:$0x7] =	stream.linear.gather [hbm4b:s17+s4], $0x20, $0x38;
	[tilespmem:$0x1CE40] =	vst v63  }
0x2c: {  	[spmem:s29], [sflag:s14] =	dma.local [hbm:s6], $0x800  }
0x2d: {  	_ =	swait.ge [sflag:s31], $0x800  }
0x2e: {  	[sflag:s31] =	ssyncset.done $0x0  }
0x2f: {  	s25 =	rddreg [dreg:$0xe];
	[sflag:s31] =	ssyncadd.s32 $0xFFFFF800  }
0x30: {  	[spmem:s25], [sflag:s14] =	dma.local [hbm:s6], $0x800  }
0x31: {  	_ =	swait.ge [sflag:s31], $0x800  }
0x32: {  	[sflag:s31] =	ssyncset.done $0x0  }
0x33: {  	s17 =	rddreg [dreg:$0xf];
	[sflag:s31] =	ssyncadd.s32 $0xFFFFF800  }
0x34: {  	[spmem:s17], [sflag:s14] =	dma.local [hbm:s6], $0x800  }
0x35: {  	_ =	swait.ge [sflag:s31], $0x800  }
0x36: {  	[sflag:s31] =	ssyncset.done $0x0  }
0x37: {  	s22 =	rddreg [dreg:$0x10];
	[sflag:s31] =	ssyncadd.s32 $0xFFFFF800  }
0x38: {  	[spmem:s22], [sflag:s14] =	dma.local [hbm:s6], $0x800  }
0x39: {  	_ =	swait.ge [sflag:s31], $0x800  }
0x3a: {  	[sflag:s31] =	ssyncset.done $0x0  }
0x3b: {  	s24 =	rddreg [dreg:$0x11];
	[sflag:s31] =	ssyncadd.s32 $0xFFFFF800  }
0x3c: {  	[spmem:s24], [sflag:s14] =	dma.local [hbm:s6], $0x780  }
0x3d: {  	_ =	swait.ge [sflag:s31], $0x780  }
0x3e: {  	[sflag:s31] =	ssyncset.done $0x0  }
0x3f: {  	[sflag:s31] =	ssyncadd.s32 $0xFFFFF880  }
0x40: {  	_ =	swait.ge [sflag:s0], $0x80  }
0x41: {  	[sflag:s0] =	ssyncset.done $0x0  }
0x42: {  	[sflag:s0] =	ssyncadd.s32 $0xFFFFFF80  }
0x43: {  	[tilespmem:s9], [sflag:$0x5] =	stream.indirect.gather [hbm4b:s5+s1], $0x80, s20, s1, $0xb8;
	[tilespmem:$0x1CE40] =	vst v63  }
0x44: {  	_ =	swait.ge [sflag:s10], $0x80  }
0x45: {  	[sflag:s10] =	ssyncset.done $0x0  }
0x46: {  	[sflag:s10] =	ssyncadd.s32 $0xFFFFFF80  }
0x47: {  	[tilespmem:s11], [sflag:$0x6] =	stream.indirect.gather [hbm4b:s5+s1], $0x80, s26, s1, $0xb8;
	[tilespmem:$0x1CE40] =	vst v63  }
0x48: {  	[bflag:$0x0] =	sbarrier.arrive $0xFFFF  }
0x49: {  	_ =	swait.ge [sflag:s12], $0x4000  }
0x4a: {  	s17 =	rddreg [dreg:$0xd]  }
0x4b: {  	[sflag:s12] =	ssyncset.done $0x0;
	s25 =	sshrl.u32 s17, $0x3  }
0x4c: {  	[sflag:s12] =	ssyncadd.s32 $0xFFFFC000;
	s16 =	sadd.s32 s2, s25  }
0x4d: {  	[tilespmem:s20], [sflag:$0x1] =	stream.linear.gather [hbm4b:s16+s4], $0x80, $0x38;
	[tilespmem:$0x1CE40] =	vst v63  }
0x4e: {  	_ =	swait.ge [sflag:s13], $0x80  }
0x4f: {  	[sflag:s13] =	ssyncset.done $0x0  }
0x50: {  	[sflag:s13] =	ssyncadd.s32 $0xFFFFFF80  }
0x51: {  	[spmem:s3] =	stream.indirect.scatter.add.f32 [tilespmem:s9], [sflag:$0x8], $0x80, s21, s1, $0xb8;
	[tilespmem:$0x1CE40] =	vst v63  }
0x52: {  	_ =	swait.ge [sflag:s31], $0x4000  }
0x53: {  	s22 =	sadd.s32 $0x0, s18;
	[sflag:s31] =	ssyncset.done $0x0  }
0x54: {  	s24 =	sadd.s32 $0x20, s22;
	[sflag:s31] =	ssyncadd.s32 $0xFFFFC000  }
0x55: {  	[tilespmem:s21], [sflag:$0x3] =	stream.linear.gather [hbm4b:s24+s4], $0x80, $0x38;
	[tilespmem:$0x1CE40] =	vst v63  }
0x56: {  	_ =	swait.ge [sflag:s0], $0x80  }
0x57: {  	[sflag:s0] =	ssyncset.done $0x0  }
0x58: {  	[sflag:s0] =	ssyncadd.s32 $0xFFFFFF80  }
0x59: {  	[tilespmem:s9], [sflag:$0x5] =	stream.indirect.gather [hbm4b:s5+s1], $0x80, s20, s1, $0xb8;
	[tilespmem:$0x1CE40] =	vst v63  }
0x5a: {  	_ =	swait.ge [sflag:s7], $0x4000  }
0x5b: {  	[sflag:s7] =	ssyncset.done $0x0  }
0x5c: {  	s25 =	sadd.s32 $0x0, s19;
	[sflag:s7] =	ssyncadd.s32 $0xFFFFC000  }
0x5d: {  	[tilespmem:s26], [sflag:$0x2] =	stream.linear.gather [hbm4b:s25+s4], $0x80, $0x38;
	[tilespmem:$0x1CE40] =	vst v63  }
0x5e: {  	_ =	swait.ge [sflag:s15], $0x80  }
0x5f: {  	[sflag:s15] =	ssyncset.done $0x0  }
0x60: {  	[sflag:s15] =	ssyncadd.s32 $0xFFFFFF80  }
0x61: {  	[spmem:s3] =	stream.indirect.scatter.add.f32 [tilespmem:s11], [sflag:$0x8], $0x80, s28, s1, $0xb8;
	[tilespmem:$0x1CE40] =	vst v63  }
0x62: {  	_ =	swait.ge [sflag:s31], $0x4000  }
0x63: {  	[sflag:s31] =	ssyncset.done $0x0  }
0x64: {  	s16 =	sadd.s32 $0x30, s22;
	[sflag:s31] =	ssyncadd.s32 $0xFFFFC000  }
0x65: {  	[tilespmem:s28], [sflag:$0x4] =	stream.linear.gather [hbm4b:s16+s4], $0x80, $0x38;
	[tilespmem:$0x1CE40] =	vst v63  }
0x66: {  	_ =	swait.ge [sflag:s10], $0x80  }
0x67: {  	[sflag:s10] =	ssyncset.done $0x0  }
0x68: {  	[sflag:s10] =	ssyncadd.s32 $0xFFFFFF80  }
0x69: {  	[tilespmem:s11], [sflag:$0x6] =	stream.indirect.gather [hbm4b:s5+s1], $0x80, s26, s1, $0xb8;
	[tilespmem:$0x1CE40] =	vst v63  }
0x6a: {  	s30 =	sadd.s32 $0x100, s17;
	s24 =	simm.s32 $0x20;
	_ =	swait.ge [sflag:s12], $0x4000  }
0x6b: {  	s25 =	simm.s32 $0x40;
	s16 =	sshrl.u32 s30, $0x3;
	[sflag:s12] =	ssyncset.done $0x0  }
.LBB2_2:
0x6c: {  	p0 =	sne.s32 s25, $0x980;
	s16 =	sadd.s32 s2, s16;
	[sflag:s12] =	ssyncadd.s32 $0xFFFFC000  }
0x6d: {  	[tilespmem:s20], [sflag:$0x1] =	stream.linear.gather [hbm4b:s16+s4], $0x80, $0x38;
	[tilespmem:$0x1CE40] =	vst v63  }
0x6e: {  	s16 =	smov.u32 s25;
	s25 =	sadd.s32 $0x20, s25;
	_ =	swait.ge [sflag:s13], $0x80  }
0x6f: {  	[sflag:s13] =	ssyncset.done $0x0  }
0x70: {  	[sflag:s13] =	ssyncadd.s32 $0xFFFFFF80  }
0x71: {  	[spmem:s3] =	stream.indirect.scatter.add.f32 [tilespmem:s9], [sflag:$0x8], $0x80, s21, s1, $0xb8;
	[tilespmem:$0x1CE40] =	vst v63  }
0x72: {  	_ =	swait.ge [sflag:s31], $0x4000  }
0x73: {  	s22 =	sadd.s32 s24, s18;
	[sflag:s31] =	ssyncset.done $0x0  }
0x74: {  	s17 =	sadd.s32 $0x20, s22;
	[sflag:s31] =	ssyncadd.s32 $0xFFFFC000  }
0x75: {  	[tilespmem:s21], [sflag:$0x3] =	stream.linear.gather [hbm4b:s17+s4], $0x80, $0x38;
	[tilespmem:$0x1CE40] =	vst v63  }
0x76: {  	_ =	swait.ge [sflag:s0], $0x80  }
0x77: {  	[sflag:s0] =	ssyncset.done $0x0  }
0x78: {  	[sflag:s0] =	ssyncadd.s32 $0xFFFFFF80  }
0x79: {  	[tilespmem:s9], [sflag:$0x5] =	stream.indirect.gather [hbm4b:s5+s1], $0x80, s20, s1, $0xb8;
	[tilespmem:$0x1CE40] =	vst v63  }
0x7a: {  	_ =	swait.ge [sflag:s7], $0x4000  }
0x7b: {  	[sflag:s7] =	ssyncset.done $0x0  }
0x7c: {  	s17 =	sadd.s32 s24, s19;
	s24 =	smov.u32 s16;
	[sflag:s7] =	ssyncadd.s32 $0xFFFFC000  }
0x7d: {  	[tilespmem:s26], [sflag:$0x2] =	stream.linear.gather [hbm4b:s17+s4], $0x80, $0x38;
	[tilespmem:$0x1CE40] =	vst v63  }
0x7e: {  	_ =	swait.ge [sflag:s15], $0x80  }
0x7f: {  	[sflag:s15] =	ssyncset.done $0x0  }
0x80: {  	[sflag:s15] =	ssyncadd.s32 $0xFFFFFF80  }
0x81: {  	[spmem:s3] =	stream.indirect.scatter.add.f32 [tilespmem:s11], [sflag:$0x8], $0x80, s28, s1, $0xb8;
	[tilespmem:$0x1CE40] =	vst v63  }
0x82: {  	_ =	swait.ge [sflag:s31], $0x4000  }
0x83: {  	[sflag:s31] =	ssyncset.done $0x0  }
0x84: {  	s16 =	sadd.s32 $0x30, s22;
	[sflag:s31] =	ssyncadd.s32 $0xFFFFC000  }
0x85: {  	[tilespmem:s28], [sflag:$0x4] =	stream.linear.gather [hbm4b:s16+s4], $0x80, $0x38;
	[tilespmem:$0x1CE40] =	vst v63  }
0x86: {  	_ =	swait.ge [sflag:s10], $0x80  }
.Ltmp0:
0x87: {  	[sflag:s10] =	ssyncset.done $0x0;
	(pc) =	sbr.rel @p0 .LBB2_2-.Ltmp0, $4  }
0x88: {  	[sflag:s10] =	ssyncadd.s32 $0xFFFFFF80  }
0x89: {  	[tilespmem:s11], [sflag:$0x6] =	stream.indirect.gather [hbm4b:s5+s1], $0x80, s26, s1, $0xb8;
	[tilespmem:$0x1CE40] =	vst v63  }
0x8a: {  	s30 =	sadd.s32 $0x100, s30;
	_ =	swait.ge [sflag:s12], $0x4000  }
0x8b: {  	s16 =	sshrl.u32 s30, $0x3;
	[sflag:s12] =	ssyncset.done $0x0  }
0x8c: {  	s16 =	sadd.s32 s2, s16;
	[sflag:s12] =	ssyncadd.s32 $0xFFFFC000  }
0x8d: {  	[tilespmem:s20], [sflag:$0x1] =	stream.linear.gather [hbm4b:s16+s4], $0x80, $0x38;
	[tilespmem:$0x1CE40] =	vst v63  }
0x8e: {  	_ =	swait.ge [sflag:s13], $0x80  }
0x8f: {  	[sflag:s13] =	ssyncset.done $0x0  }
0x90: {  	[sflag:s13] =	ssyncadd.s32 $0xFFFFFF80  }
0x91: {  	[spmem:s3] =	stream.indirect.scatter.add.f32 [tilespmem:s9], [sflag:$0x8], $0x80, s21, s1, $0xb8;
	[tilespmem:$0x1CE40] =	vst v63  }
0x92: {  	_ =	swait.ge [sflag:s31], $0x4000  }
0x93: {  	s22 =	sadd.s32 s24, s18;
	[sflag:s31] =	ssyncset.done $0x0  }
0x94: {  	s17 =	sadd.s32 $0x20, s22;
	[sflag:s31] =	ssyncadd.s32 $0xFFFFC000  }
0x95: {  	[tilespmem:s21], [sflag:$0x3] =	stream.linear.gather [hbm4b:s17+s4], $0x80, $0x38;
	[tilespmem:$0x1CE40] =	vst v63  }
0x96: {  	_ =	swait.ge [sflag:s0], $0x80  }
0x97: {  	[sflag:s0] =	ssyncset.done $0x0  }
0x98: {  	[sflag:s0] =	ssyncadd.s32 $0xFFFFFF80  }
0x99: {  	[tilespmem:s9], [sflag:$0x5] =	stream.indirect.gather [hbm4b:s5+s1], $0x80, s20, s1, $0xb8;
	[tilespmem:$0x1CE40] =	vst v63  }
0x9a: {  	_ =	swait.ge [sflag:s7], $0x4000  }
0x9b: {  	[sflag:s7] =	ssyncset.done $0x0  }
0x9c: {  	s24 =	sadd.s32 s24, s19;
	[sflag:s7] =	ssyncadd.s32 $0xFFFFC000  }
0x9d: {  	[tilespmem:s26], [sflag:$0x2] =	stream.linear.gather [hbm4b:s24+s4], $0x80, $0x38;
	[tilespmem:$0x1CE40] =	vst v63  }
0x9e: {  	_ =	swait.ge [sflag:s15], $0x80  }
0x9f: {  	[sflag:s15] =	ssyncset.done $0x0  }
0xa0: {  	[sflag:s15] =	ssyncadd.s32 $0xFFFFFF80  }
0xa1: {  	[spmem:s3] =	stream.indirect.scatter.add.f32 [tilespmem:s11], [sflag:$0x8], $0x80, s28, s1, $0xb8;
	[tilespmem:$0x1CE40] =	vst v63  }
0xa2: {  	_ =	swait.ge [sflag:s31], $0x4000  }
0xa3: {  	[sflag:s31] =	ssyncset.done $0x0  }
0xa4: {  	s16 =	sadd.s32 $0x30, s22;
	[sflag:s31] =	ssyncadd.s32 $0xFFFFC000  }
0xa5: {  	[tilespmem:s28], [sflag:$0x4] =	stream.linear.gather [hbm4b:s16+s4], $0x80, $0x38;
	[tilespmem:$0x1CE40] =	vst v63  }
0xa6: {  	_ =	swait.ge [sflag:s10], $0x80  }
0xa7: {  	[sflag:s10] =	ssyncset.done $0x0  }
0xa8: {  	[sflag:s10] =	ssyncadd.s32 $0xFFFFFF80  }
0xa9: {  	[tilespmem:s11], [sflag:$0x6] =	stream.indirect.gather [hbm4b:s5+s1], $0x80, s26, s1, $0xb8;
	[tilespmem:$0x1CE40] =	vst v63  }
0xaa: {  	_ =	swait.ge [sflag:s12], $0x4000  }
0xab: {  	[sflag:s12] =	ssyncset.done $0x0  }
0xac: {  	[sflag:s12] =	ssyncadd.s32 $0xFFFFC000  }
0xad: {  	_ =	swait.ge [sflag:s13], $0x80  }
0xae: {  	[sflag:s13] =	ssyncset.done $0x0  }
0xaf: {  	[sflag:s13] =	ssyncadd.s32 $0xFFFFFF80  }
0xb0: {  	[spmem:s3] =	stream.indirect.scatter.add.f32 [tilespmem:s9], [sflag:$0x8], $0x80, s21, s1, $0xb8;
	[tilespmem:$0x1CE40] =	vst v63  }
0xb1: {  	_ =	swait.ge [sflag:s31], $0x4000  }
0xb2: {  	[sflag:s31] =	ssyncset.done $0x0  }
0xb3: {  	[sflag:s31] =	ssyncadd.s32 $0xFFFFC000  }
0xb4: {  	_ =	swait.ge [sflag:s7], $0x4000  }
0xb5: {  	[sflag:s7] =	ssyncset.done $0x0  }
0xb6: {  	[sflag:s7] =	ssyncadd.s32 $0xFFFFC000  }
0xb7: {  	_ =	swait.ge [sflag:s15], $0x80  }
0xb8: {  	[sflag:s15] =	ssyncset.done $0x0  }
0xb9: {  	[sflag:s15] =	ssyncadd.s32 $0xFFFFFF80  }
0xba: {  	[spmem:s3] =	stream.indirect.scatter.add.f32 [tilespmem:s11], [sflag:$0x8], $0x80, s28, s1, $0xb8;
	[tilespmem:$0x1CE40] =	vst v63  }
0xbb: {  	_ =	swait.ge [sflag:s31], $0x4000  }
0xbc: {  	[sflag:s31] =	ssyncset.done $0x0  }
0xbd: {  	[sflag:s31] =	ssyncadd.s32 $0xFFFFC000  }
0xbe: {  	_ =	swait.ge [sflag:s8], $0x20  }
0xbf: {  	[sflag:s8] =	ssyncset.done $0x0  }
0xc0: {  	[sflag:s8] =	ssyncadd.s32 $0xFFFFFFE0  }
0xc1: {  	_ =	swait.ge [sflag:s8], $0x20  }
0xc2: {  	s25 =	simm.s32 $0x20;
	[sflag:s8] =	ssyncset.done $0x0  }
0xc3: {  	s30 =	simm.s32 $0x1BE40;
	s17 =	simm.s32 $0x1BE00;
	[sflag:s8] =	ssyncadd.s32 $0xFFFFFFE0  }
0xc4: {  	[tilespmem:s30], [sflag:$0x5] =	stream.indirect.gather [hbm4b:s5+s25], $0x80, s17, s25, $0xb8;
	[tilespmem:$0x1CE40] =	vst v63  }
0xc5: {  	_ =	swait.ge [sflag:s12], $0x1000  }
0xc6: {  	[sflag:s12] =	ssyncset.done $0x0  }
0xc7: {  	s22 =	simm.s32 $0x1BE20;
	[sflag:s12] =	ssyncadd.s32 $0xFFFFF000  }
0xc8: {  	[spmem:s3] =	stream.indirect.scatter.add.f32 [tilespmem:s30], [sflag:$0x8], $0x80, s22, s25, $0xb8;
	[tilespmem:$0x1CE40] =	vst v63  }
0xc9: {  	_ =	swait.ge [sflag:s31], $0x1000  }
0xca: {  	[sflag:s31] =	ssyncset.done $0x0  }
0xcb: {  	[sflag:s31] =	ssyncadd.s32 $0xFFFFF000  }
0xcc: {  	[bflag:$0x0] =	sbarrier.arrive $0xFFFF  }
0xcd: {  	s25 =	rddreg [dreg:$0xb]  }
0xce: {  	[hbm:s25], [sflag:s14] =	dma.local [spmem:s29], $0x2780  }
0xcf: {  	_ =	swait.ge [sflag:s31], $0x2780  }
0xd0: {  	s23 =	sadd.s32 $0x1, s23;
	s30 =	rddreg [dreg:$0xc]  }
0xd1: {  	p0 =	sne.s32 s23, s30  }
.Ltmp1:
0xd2: {  	_ = 	snop;
	(pc) =	sbr.rel @p0 .LBB2_1-.Ltmp1, $3  }
0xd3: {  	_ =	sdelay $0x1  }
0xd4: {  	[sflag:s31] =	ssyncset.done $0x0  }
0xd5: {  	[sflag:s31] =	ssyncadd.s32 $0xFFFFD880  }
0xd6: {  	_ =	sfence.sel $0x180000  }
0xd7: {  	[bflag:$0x0] =	sbarrier.arrive $0xFFFF  }
0xd8: {  	_ =	strace $0x9000004A  }
0xd9: {  	s0 =	stileid.u32;
	[bflag:$0x2] =	sbarrier.arrive $0xFFFF  }
0xda: {  	p0 =	sne.s32 s0, $0x0;
	s0 =	rddreg [dreg:$0x3]  }
0xdb: {  	s0 =	sadd.s32 @!p0 $0x100000, s0  }
0xdc: {  	[sflag:s0] =	ssyncadd.tile.s32 @!p0 $0x1;
	_ =	shalt  }
.Lfunc_end2:
_tile_overlayer_lowered:
.L_overlay_start_2:
0xdd: {  	(tag) =	ssettag $0x2  }
0xde: {  	s0 =	rddreg [dreg:$0x0];
	s2 =	stileid.u32  }
0xdf: {  	s1 =	rddreg [dreg:$0x1];
	p0 =	sne.s32 s2, $0x0  }
0xe0: {  	s3 =	rddreg [dreg:$0x2];
	[bflag:$0x3] =	sbarrier.arrive $0xFFFF;
	s2 =	simm.s32 @!p0 $0x1C08  }
0xe1: {  	[timem:s3], [sflag:s2] =	dma.local @!p0 [hbm:s0], s1  }
0xe2: {  	s0 =	simm.s32 @!p0 $0x8  }
0xe3: {  	_ =	swait.ge @!p0 [sflag:s0], s1  }
0xe4: {  	s1 =	ssub.s32 @!p0 $0x0, s1;
	[sflag:s0] =	ssyncset.done @!p0 $0x0  }
0xe5: {  	[sflag:s0] =	ssyncadd.s32 @!p0 s1  }
0xe6: {  	[bflag:$0x3] =	sbarrier.arrive $0xFFFF  }
0xe7: {  	_ =	shalt  }

// kernel: kernel.14.cloned.1.call-start
scs
__scs_entry_jumppad:
0x0: {  	(pc) =	sbr.rel $0x88, $3  }
0x1: {  	(tag) =	ssettag $0x0;
	lr =	simm.s32 $0x1  }
0x2: {  	[smem:$0x3F92] =	sst lr;
	_ =	strace $0xD0000000  }
0x3: {  	_ = 	snop  }
0x4: {  	_ = 	snop  }
0x5: {  	_ = 	snop  }
0x6: {  	_ = 	snop  }
0x7: {  	_ = 	snop  }
__scs_overlays_trampoline_lowered:
0x8: {  	[smem:$0x3FA1] =	sst s0  }
0x9: {  	[smem:$0x3FA2] =	sst s1  }
0xa: {  	[smem:$0x3FA3] =	sst s2  }
0xb: {  	[smem:$0x3FA4] =	sst s3  }
0xc: {  	[smem:$0x3FA5] =	sst s4  }
0xd: {  	[smem:$0x3FA6] =	sst s5  }
0xe: {  	[smem:$0x3FA7] =	sst s6  }
0xf: {  	[smem:$0x3FA8] =	sst s7  }
0x10: {  	[smem:$0x3FA9] =	sst s8  }
0x11: {  	[smem:$0x3FAA] =	sst s9;
	s0 =	simm.s32 @!p0 $0x0  }
0x12: {  	s1 =	sld [smem:$0x3F90];
	s0 =	simm.s32 @p0 $0x1  }
0x13: {  	[smem:$0x3FAB] =	sst s0;
	s0 =	simm.s32 @!p1 $0x0  }
0x14: {  	s2 =	sld [smem:$0x3F8F];
	s0 =	simm.s32 @p1 $0x1  }
0x15: {  	[smem:$0x3FAC] =	sst s0;
	s0 =	simm.s32 @!p2 $0x0  }
0x16: {  	s3 =	sld [smem:$0x3FDB];
	s0 =	simm.s32 @p2 $0x1  }
0x17: {  	s4 =	simm.s32 $0x1BF5;
	[smem:$0x3FAE] =	sst s0  }
0x18: {  	s0 =	sld [smem:$0x3F91];
	_ =	swait.ge [sflag:s4], $0x0  }
0x19: {  	s7 =	sld [smem:$0x3F92]  }
0x1a: {  	s8 =	sadd.s32 $0xFFFFE003, lr  }
0x1b: {  	s9 =	sadd.s32 $0xFFFFFEF7, lr;
	s5 =	simm.s32 $0xFFFFFFFF;
	p2 =	slt.u32 s8, $0xFFFFF086  }
0x1c: {  	p1 =	slt.u32 s9, $0xF7A;
	s5 =	simm.s32 @!p2 $0x0  }
0x1d: {  	s5 =	simm.s32 @p1 $0x1;
	p0 =	seq.s32 s7, s2  }
0x1e: {  	s7 =	smul.u32 @!p0 $0xF7A, s2;
	p2 =	seq.s32 @!p0 s5, $0x0  }
0x1f: {  	s9 =	smul.u32 $0xF7A, s1;
	s8 =	simm.s32 @!p0 $0x1BF5;
	p2 =	por !p2, p0  }
0x20: {  	[sflag:s8] =	ssyncset.s32 @!p0 $0xFFFFF086;
	s6 =	sadd.s32 @!p0 s3, s7;
	s7 =	simm.s32 @!p0 $0x108  }
0x21: {  	s3 =	sadd.s32 s3, s9;
	s6 =	sadd.s32 @!p0 $0x88, s6;
	s7 =	simm.s32 @p2 $0x1082  }
0x22: {  	[simem:s7], [sflag:s8] =	dma.local @!p0 [hbm:s6], $0xF7A  }
0x23: {  	s9 =	sor.u32 $0xD0000000, s2;
	s6 =	simm.s32 $0x108;
	_ =	swait.ge @!p0 [sflag:s8], $0x0  }
0x24: {  	s3 =	sadd.s32 $0x88, s3;
	s6 =	simm.s32 @!p1 $0x1082;
	[sflag:s4] =	ssyncset.s32 $0xFFFFF086  }
0x25: {  	[simem:s6], [sflag:s4] =	dma.local [hbm:s3], $0xF7A  }
0x26: {  	[smem:$0x3F92] =	sst s1;
	(tag) =	ssettag s2;
	_ =	strace s9  }
0x27: {  	s1 =	sld [smem:$0x3FA2]  }
0x28: {  	s2 =	sld [smem:$0x3FA3]  }
0x29: {  	s4 =	sld [smem:$0x3FA5]  }
0x2a: {  	p0 =	seq.s32 s5, $0x0;
	s5 =	sld [smem:$0x3FA6]  }
0x2b: {  	s6 =	sld [smem:$0x3FA7]  }
0x2c: {  	s7 =	sld [smem:$0x3FA8]  }
0x2d: {  	s3 =	simm.s32 $0x108;
	s8 =	sld [smem:$0x3FA9]  }
0x2e: {  	s3 =	simm.s32 @!p0 $0x1082;
	s9 =	sld [smem:$0x3FAA]  }
0x2f: {  	lr =	sadd.s32 s0, s3;
	s0 =	sld [smem:$0x3FA1]  }
0x30: {  	s3 =	sld [smem:$0x3FA4]  }
0x31: {  	[smem:$0x3FAD] =	sst s10  }
0x32: {  	s10 =	sld [smem:$0x3FAB];
	_ =	sdelay $0x3  }
0x33: {  	p0 =	seq.s32 s10, $0x1;
	s10 =	sld [smem:$0x3FAD];
	_ =	sdelay $0x3  }
0x34: {  	[smem:$0x3FAD] =	sst s10  }
0x35: {  	s10 =	sld [smem:$0x3FAC];
	_ =	sdelay $0x3  }
0x36: {  	p1 =	seq.s32 s10, $0x1;
	s10 =	sld [smem:$0x3FAD];
	_ =	sdelay $0x3  }
0x37: {  	[smem:$0x3FAD] =	sst s10  }
0x38: {  	s10 =	sld [smem:$0x3FAE]  }
0x39: {  	_ = 	snop;
	(pc) =	sbr.ind lr, $3  }
0x3a: {  	_ = 	snop  }
0x3b: {  	_ = 	snop  }
0x3c: {  	p2 =	seq.s32 s10, $0x1;
	s10 =	sld [smem:$0x3FAD]  }
0x3d: {  	_ =	shalt  }
0x3e: {  	_ =	shalt  }
0x3f: {  	_ =	shalt  }
0x40: {  	_ =	shalt  }
0x41: {  	_ =	shalt  }
0x42: {  	_ =	shalt  }
0x43: {  	_ =	shalt  }
0x44: {  	_ =	shalt  }
0x45: {  	_ =	shalt  }
0x46: {  	_ =	shalt  }
0x47: {  	_ =	shalt  }
0x48: {  	_ =	shalt  }
0x49: {  	_ =	shalt  }
0x4a: {  	_ =	shalt  }
0x4b: {  	_ =	shalt  }
0x4c: {  	_ =	shalt  }
0x4d: {  	_ =	shalt  }
0x4e: {  	_ =	shalt  }
0x4f: {  	_ =	shalt  }
0x50: {  	_ =	shalt  }
0x51: {  	_ =	shalt  }
0x52: {  	_ =	shalt  }
0x53: {  	_ =	shalt  }
0x54: {  	_ =	shalt  }
0x55: {  	_ =	shalt  }
0x56: {  	_ =	shalt  }
0x57: {  	_ =	shalt  }
0x58: {  	_ =	shalt  }
0x59: {  	_ =	shalt  }
0x5a: {  	_ =	shalt  }
0x5b: {  	_ =	shalt  }
0x5c: {  	_ =	shalt  }
0x5d: {  	_ =	shalt  }
0x5e: {  	_ =	shalt  }
0x5f: {  	_ =	shalt  }
0x60: {  	_ =	shalt  }
0x61: {  	_ =	shalt  }
0x62: {  	_ =	shalt  }
0x63: {  	_ =	shalt  }
0x64: {  	_ =	shalt  }
0x65: {  	_ =	shalt  }
0x66: {  	_ =	shalt  }
0x67: {  	_ =	shalt  }
0x68: {  	_ =	shalt  }
0x69: {  	_ =	shalt  }
0x6a: {  	_ =	shalt  }
0x6b: {  	_ =	shalt  }
0x6c: {  	_ =	shalt  }
0x6d: {  	_ =	shalt  }
0x6e: {  	_ =	shalt  }
0x6f: {  	_ =	shalt  }
0x70: {  	_ =	shalt  }
0x71: {  	_ =	shalt  }
0x72: {  	_ =	shalt  }
0x73: {  	_ =	shalt  }
0x74: {  	_ =	shalt  }
0x75: {  	_ =	shalt  }
0x76: {  	_ =	shalt  }
0x77: {  	_ =	shalt  }
0x78: {  	_ =	shalt  }
0x79: {  	_ =	shalt  }
0x7a: {  	_ =	shalt  }
0x7b: {  	_ =	shalt  }
0x7c: {  	_ =	shalt  }
0x7d: {  	_ =	shalt  }
0x7e: {  	_ =	shalt  }
0x7f: {  	_ =	shalt  }
0x80: {  	_ =	shalt  }
0x81: {  	_ =	shalt  }
0x82: {  	_ =	shalt  }
0x83: {  	_ =	shalt  }
0x84: {  	_ =	shalt  }
0x85: {  	_ =	shalt  }
0x86: {  	_ =	shalt  }
0x87: {  	_ =	shalt  }
.Lfunc_end0:
.L_simem_size_0:
called_computation.2_lowered:
.L_overlay_start_0:
0x88: {  	s2 =	sld [smem:$0x3FD9]  }
0x89: {  	s3 =	sld [smem:$0x3FFE];
	_ =	sdelay $0x1  }
0x8a: {  	s1 =	srdreg.scid  }
0x8b: {  	s0 =	sand.u32 $0x1, s1  }
0x8c: {  	s17 =	sshll.u32 s0, $0xA;
	s2 =	sadd.s32 s3, s2  }
0x8d: {  	s2 =	sadd.s32 s2, s17  }
0x8e: {  	[smem:$0x3FB9] =	sst s2  }
0x8f: {  	_ = 	snop  }
0x90: {  	s2 =	sld [smem:$0x3FD0];
	(tm) =	ssettm $0x1  }
0x91: {  	s18 =	sld [smem:$0x3FFB];
	_ =	sdelay $0x3  }
0x92: {  	_ =	strace s18  }
0x93: {  	s3 =	sld [smem:$0x3FFC];
	_ =	sdelay $0x3  }
0x94: {  	_ =	strace s3  }
0x95: {  	s3 =	sld [smem:$0x3FFD];
	_ =	sdelay $0x3  }
0x96: {  	_ =	strace s3  }
0x97: {  	_ =	strace $0x8FFFFFFF  }
0x98: {  	s19 =	sld [smem:$0x3FDB];
	_ =	sdelay $0x1  }
0x99: {  	s4 =	simm.s32 $_scs_section_size  }
0x9a: {  	s5 =	simm.s32 $_size__tile_overlayer_lowered;
	s6 =	simm.s32 $_tile_overlayer_lowered  }
0x9b: {  	s22 =	simm.s32 $0x1BFF;
	s21 =	sshll.u32 s6, $0x1;
	s3 =	sadd.s32 s4, s19  }
0x9c: {  	s7 =	simm.s32 $0x0;
	s20 =	sshll.u32 s5, $0x1;
	s5 =	sadd.s32 s21, s3  }
0x9d: {  	[timem:s7], [sflag:s22] =	dma.local [hbm:s5], s20  }
0x9e: {  	_ =	swait.ge [sflag:s22], s20  }
0x9f: {  	s4 =	ssub.s32 $0x0, s20;
	[sflag:s22] =	ssyncset.done $0x0  }
0xa0: {  	[sflag:s22] =	ssyncadd.s32 s4;
	_ =	sdelay $0x1  }
0xa1: {  	s23 =	simm.s32 $0x1B8B  }
0xa2: {  	_ =	swait.ge [sflag:s23], $0x1  }
0xa3: {  	[sflag:s23] =	ssyncset.done $0x0  }
0xa4: {  	s25 =	simm.s32 $0x1B8E;
	s24 =	sld [smem:$0x3FFE];
	[sflag:s23] =	ssyncadd.s32 $0xFFFFFFFF  }
0xa5: {  	s26 =	simm.s32 $execute0_lowered;
	[smem:$0x3FD2] =	sst s25  }
0xa6: {  	s5 =	sshll.u32 s26, $0x1;
	_ =	strace $0x8000004C;
	[dreg:$0x1] =	wrdreg $0xFFFFFFFF  }
0xa7: {  	s28 =	simm.s32 $_size_execute0_lowered;
	s3 =	sadd.s32 s3, s5;
	[dreg:$0x0] =	wrdreg $0x0  }
0xa8: {  	s5 =	sshll.u32 s28, $0x1;
	[dreg:$0x2] =	wrdreg s3  }
0xa9: {  	[dreg:$0x3] =	wrdreg s5  }
0xaa: {  	[dreg:$0x4] =	wrdreg $0xC0  }
0xab: {  	_ =	task [dreg:s7], $0x5FFFF  }
0xac: {  	[dreg:$0x1] =	wrdreg $0xFFFFFFFF  }
0xad: {  	[dreg:$0x0] =	wrdreg $0x60  }
0xae: {  	[dreg:$0x2] =	wrdreg s2  }
0xaf: {  	[dreg:$0x3] =	wrdreg s24  }
0xb0: {  	[dreg:$0x4] =	wrdreg $0x0  }
0xb1: {  	[dreg:$0x5] =	wrdreg $0x9  }
0xb2: {  	_ =	task.clear_ibuf [dreg:s7], $0x6FFFF;
	_ =	strace $0x9000004C  }
0xb3: {  	s29 =	simm.s32 $0x9;
	_ =	strace $0x8000004E  }
0xb4: {  	_ =	swait.ge [sflag:s29], $0x1  }
0xb5: {  	[sflag:s29] =	ssyncadd.s32 $0xFFFFFFFF  }
0xb6: {  	_ =	strace $0x9000004E  }
0xb7: {  	_ =	sfence  }
0xb8: {  	s30 =	sld [smem:$0x0];
	_ =	sdelay $0x2  }
0xb9: {  	s31 =	sshll.u32 s1, $0xD;
	s1 =	sshrl.u32 s1, $0x2  }
0xba: {  	s3 =	sand.u32 $0x4000, s31;
	s1 =	sadd.s32 s1, s30  }
0xbb: {  	s0 =	sor.u32 s3, s0;
	s1 =	sshll.u32 s1, $0x11  }
0xbc: {  	s0 =	sor.u32 s1, s0  }
0xbd: {  	s0 =	sadd.s32 $0x8F2B, s0  }
0xbe: {  	[sflag:s0] =	ssyncadd.remote.s32 $0x1  }
0xbf: {  	_ =	sfence.sel $0xFFFF  }
0xc0: {  	[dreg:$0x0] =	wrdreg $0xFFFFFFFF;
	(pc) =	sbr.abs _section_cstart, $3  }
0xc1: {  	[dreg:$0x1] =	wrdreg $0xFFFFFFFF  }
0xc2: {  	_ =	task.clear_ibuf [dreg:s7], $0x2FFFF;
	_ =	strace $0x9FFFFFFF  }
0xc3: {  	(tm) =	ssettm $0x7FFFFFFF  }
tec
execute0_lowered:
.L_overlay_start_1:
0x0: {  	(tag) =	ssettag $0x1  }
0x1: {  	s1 =	rddreg [dreg:$0x0]  }
0x2: {  	s0 =	rddreg [dreg:$0x1]  }
0x3: {  	s3 =	rddreg [dreg:$0x2];
	s13 =	stileid.u32  }
0x4: {  	s2 =	srdreg.scid;
	s4 =	simm.s32 $0x0;
	s8 =	smul.u32 $0x13C00, s13  }
0x5: {  	s28 =	simm.s32 $0x13C80;
	s29 =	simm.s32 $0x13D80;
	s30 =	smul.u32 $0x4F000, s13  }
0x6: {  	s2 =	sand.u32 $0x1, s2;
	[smem:$0x7FF] =	sst s4;
	s14 =	smul.u32 $0x2710, s13  }
0x7: {  	s6 =	sadd.s32 $0x2C00, s0;
	s5 =	sshll.u32 s2, $0x4;
	s9 =	smul.u32 $0x13C000, s2  }
0x8: {  	_ =	strace $0x8000004D;
	s11 =	ssub.s32 $0x2, s2;
	s2 =	smul.u32 $0x27100, s2  }
0x9: {  	s7 =	sor.u32 s13, s5;
	s5 =	sadd.s32 $0xCA00, s0;
	s12 =	sshrl.u32 s11, $0x1  }
0xa: {  	s10 =	smul.u32 $0x2710, s7;
	s7 =	sadd.s32 $0x64A00, s0;
	s9 =	sadd.s32 s8, s9  }
0xb: {  	s21 =	ssub.s32 s11, s12;
	s12 =	sshll.u32 s13, $0x6;
	s8 =	sadd.s32 s8, s3  }
0xc: {  	s2 =	sadd.s32 s14, s2;
	s13 =	simm.s32 $0x3;
	s14 =	simm.s32 $0x6  }
0xd: {  	s9 =	sshrl.u32 s9, $0x3;
	[dreg:$0xa] =	wrdreg s8;
	s15 =	sor.u32 $0x1C08, s12  }
0xe: {  	s22 =	sadd.s32 $0x180, s2;
	s2 =	sadd.s32 $0x100, s2;
	s12 =	simm.s32 $0x5  }
0xf: {  	s10 =	sshrl.u32 s10, $0x3;
	s0 =	sadd.s32 s9, s0;
	[dreg:$0xd] =	wrdreg s2  }
0x10: {  	s2 =	simm.s32 $0x1;
	s9 =	simm.s32 $0x13E00;
	s24 =	sadd.s32 s5, s10  }
0x11: {  	s23 =	sadd.s32 $0x10, s10;
	s25 =	sadd.s32 s6, s10;
	[dreg:$0x4] =	wrdreg s24  }
0x12: {  	s10 =	sadd.s32 $0x4E0, s10;
	s0 =	sadd.s32 $0x65200, s0;
	[dreg:$0x5] =	wrdreg s25  }
0x13: {  	s26 =	sadd.s32 s5, s23;
	s11 =	sadd.s32 s6, s23;
	[dreg:$0xb] =	wrdreg s0  }
0x14: {  	s31 =	sadd.s32 s5, s10;
	s10 =	sadd.s32 s6, s10;
	[dreg:$0x6] =	wrdreg s26  }
0x15: {  	s23 =	smax.u32 s21, $0x1;
	s24 =	sshrl.u32 s22, $0x3;
	[dreg:$0x7] =	wrdreg s11  }
0x16: {  	s21 =	simm.s32 $0x13C00;
	s22 =	simm.s32 $0x1BE00;
	[dreg:$0x8] =	wrdreg s31  }
0x17: {  	s0 =	simm.s32 $0x8;
	[dreg:$0x9] =	wrdreg s10;
	s11 =	sshrl.u32 s30, $0x2  }
0x18: {  	[dreg:$0xc] =	wrdreg s23;
	s19 =	sadd.s32 s24, s6;
	s20 =	sadd.s32 s24, s5  }
0x19: {  	s23 =	simm.s32 $0x1BE10;
	s10 =	simm.s32 $0x2;
	s16 =	sadd.s32 s11, s3  }
0x1a: {  	s24 =	simm.s32 $0x0;
	s17 =	sadd.s32 $0x4000, s16;
	s11 =	sadd.s32 $0x8000, s16  }
0x1b: {  	s18 =	sadd.s32 $0xC000, s16;
	s8 =	sadd.s32 $0x10000, s16;
	s25 =	sshrl.u32 s17, $0x3  }
0x1c: {  	s16 =	simm.s32 $0x4;
	s26 =	sshrl.u32 s11, $0x3;
	[dreg:$0xe] =	wrdreg s25  }
0x1d: {  	s30 =	sshrl.u32 s18, $0x3;
	s31 =	sshrl.u32 s8, $0x3;
	[dreg:$0xf] =	wrdreg s26  }
0x1e: {  	s8 =	simm.s32 $0x80;
	s11 =	simm.s32 $0x17E00;
	[dreg:$0x10] =	wrdreg s30  }
0x1f: {  	s17 =	simm.s32 $0x7;
	[dreg:$0x11] =	wrdreg s31;
	s26 =	simm.s32 $0x13D00  }
.LBB2_1:
0x20: {  	s18 =	rddreg [dreg:$0x4]  }
0x21: {  	[tilespmem:s21], [sflag:$0x1] =	stream.linear.gather [hbm4b:s18+s4], $0x80, $0x38;
	[tilespmem:$0x1C620] =	vst v63  }
0x22: {  	s25 =	rddreg [dreg:$0x5]  }
0x23: {  	[tilespmem:s26], [sflag:$0x3] =	stream.linear.gather [hbm4b:s25+s4], $0x80, $0x38;
	[tilespmem:$0x1C620] =	vst v63  }
0x24: {  	s25 =	rddreg [dreg:$0x6]  }
0x25: {  	[tilespmem:s28], [sflag:$0x2] =	stream.linear.gather [hbm4b:s25+s4], $0x80, $0x38;
	[tilespmem:$0x1C620] =	vst v63  }
0x26: {  	s25 =	rddreg [dreg:$0x7]  }
0x27: {  	[tilespmem:s29], [sflag:$0x4] =	stream.linear.gather [hbm4b:s25+s4], $0x80, $0x38;
	[tilespmem:$0x1C620] =	vst v63  }
0x28: {  	s25 =	rddreg [dreg:$0x8]  }
0x29: {  	[tilespmem:s22], [sflag:$0x7] =	stream.linear.gather [hbm4b:s25+s4], $0x10, $0x38;
	[tilespmem:$0x1C620] =	vst v63  }
0x2a: {  	s22 =	rddreg [dreg:$0xa]  }
0x2b: {  	s25 =	rddreg [dreg:$0x9];
	s30 =	sshrl.u32 s22, $0x3  }
0x2c: {  	[tilespmem:s23], [sflag:$0x7] =	stream.linear.gather [hbm4b:s25+s4], $0x10, $0x38;
	[tilespmem:$0x1C620] =	vst v63  }
0x2d: {  	[spmem:s30], [sflag:s15] =	dma.local [hbm:s7], $0x800  }
0x2e: {  	_ =	swait.ge [sflag:s0], $0x800  }
0x2f: {  	[sflag:s0] =	ssyncset.done $0x0  }
0x30: {  	s23 =	rddreg [dreg:$0xe];
	[sflag:s0] =	ssyncadd.s32 $0xFFFFF800  }
0x31: {  	[spmem:s23], [sflag:s15] =	dma.local [hbm:s7], $0x800  }
0x32: {  	_ =	swait.ge [sflag:s0], $0x800  }
0x33: {  	[sflag:s0] =	ssyncset.done $0x0  }
0x34: {  	s25 =	rddreg [dreg:$0xf];
	[sflag:s0] =	ssyncadd.s32 $0xFFFFF800  }
0x35: {  	[spmem:s25], [sflag:s15] =	dma.local [hbm:s7], $0x800  }
0x36: {  	_ =	swait.ge [sflag:s0], $0x800  }
0x37: {  	[sflag:s0] =	ssyncset.done $0x0  }
0x38: {  	s22 =	rddreg [dreg:$0x10];
	[sflag:s0] =	ssyncadd.s32 $0xFFFFF800  }
0x39: {  	[spmem:s22], [sflag:s15] =	dma.local [hbm:s7], $0x800  }
0x3a: {  	_ =	swait.ge [sflag:s0], $0x800  }
0x3b: {  	[sflag:s0] =	ssyncset.done $0x0  }
0x3c: {  	s23 =	rddreg [dreg:$0x11];
	[sflag:s0] =	ssyncadd.s32 $0xFFFFF800  }
0x3d: {  	[spmem:s23], [sflag:s15] =	dma.local [hbm:s7], $0x780  }
0x3e: {  	_ =	swait.ge [sflag:s0], $0x780  }
0x3f: {  	[sflag:s0] =	ssyncset.done $0x0  }
0x40: {  	[sflag:s0] =	ssyncadd.s32 $0xFFFFF880  }
0x41: {  	_ =	swait.ge [sflag:s2], $0x80  }
0x42: {  	[sflag:s2] =	ssyncset.done $0x0  }
0x43: {  	[sflag:s2] =	ssyncadd.s32 $0xFFFFFF80  }
0x44: {  	[tilespmem:s9], [sflag:$0x5] =	stream.indirect.gather [hbm4b:s1+s8], $0x80, s21, s8, $0xb8;
	[tilespmem:$0x1C620] =	vst v63  }
0x45: {  	_ =	swait.ge [sflag:s10], $0x80  }
0x46: {  	[sflag:s10] =	ssyncset.done $0x0  }
0x47: {  	[sflag:s10] =	ssyncadd.s32 $0xFFFFFF80  }
0x48: {  	[tilespmem:s11], [sflag:$0x6] =	stream.indirect.gather [hbm4b:s1+s8], $0x80, s28, s8, $0xb8;
	[tilespmem:$0x1C620] =	vst v63  }
0x49: {  	[bflag:$0x0] =	sbarrier.arrive $0xFFFF  }
0x4a: {  	_ =	swait.ge [sflag:s12], $0x4000  }
0x4b: {  	s18 =	rddreg [dreg:$0xd]  }
0x4c: {  	[sflag:s12] =	ssyncset.done $0x0;
	s22 =	sshrl.u32 s18, $0x3  }
0x4d: {  	[sflag:s12] =	ssyncadd.s32 $0xFFFFC000;
	s25 =	sadd.s32 s5, s22  }
0x4e: {  	[tilespmem:s21], [sflag:$0x1] =	stream.linear.gather [hbm4b:s25+s4], $0x80, $0x38;
	[tilespmem:$0x1C620] =	vst v63  }
0x4f: {  	_ =	swait.ge [sflag:s13], $0x80  }
0x50: {  	[sflag:s13] =	ssyncset.done $0x0  }
0x51: {  	[sflag:s13] =	ssyncadd.s32 $0xFFFFFF80  }
0x52: {  	[spmem:s3] =	stream.indirect.scatter.add.f32 [tilespmem:s9], [sflag:$0x8], $0x80, s26, s8, $0xb8;
	[tilespmem:$0x1C620] =	vst v63  }
0x53: {  	_ =	swait.ge [sflag:s0], $0x4000  }
0x54: {  	[sflag:s0] =	ssyncset.done $0x0  }
0x55: {  	s22 =	sadd.s32 s6, s22;
	[sflag:s0] =	ssyncadd.s32 $0xFFFFC000  }
0x56: {  	[tilespmem:s26], [sflag:$0x3] =	stream.linear.gather [hbm4b:s22+s4], $0x80, $0x38;
	[tilespmem:$0x1C620] =	vst v63  }
0x57: {  	_ =	swait.ge [sflag:s2], $0x80  }
0x58: {  	[sflag:s2] =	ssyncset.done $0x0  }
0x59: {  	[sflag:s2] =	ssyncadd.s32 $0xFFFFFF80  }
0x5a: {  	[tilespmem:s9], [sflag:$0x5] =	stream.indirect.gather [hbm4b:s1+s8], $0x80, s21, s8, $0xb8;
	[tilespmem:$0x1C620] =	vst v63  }
0x5b: {  	_ =	swait.ge [sflag:s14], $0x4000  }
0x5c: {  	[sflag:s14] =	ssyncset.done $0x0  }
0x5d: {  	s23 =	sadd.s32 $0x0, s20;
	[sflag:s14] =	ssyncadd.s32 $0xFFFFC000  }
0x5e: {  	[tilespmem:s28], [sflag:$0x2] =	stream.linear.gather [hbm4b:s23+s4], $0x80, $0x38;
	[tilespmem:$0x1C620] =	vst v63  }
0x5f: {  	_ =	swait.ge [sflag:s16], $0x80  }
0x60: {  	[sflag:s16] =	ssyncset.done $0x0  }
0x61: {  	[sflag:s16] =	ssyncadd.s32 $0xFFFFFF80  }
0x62: {  	[spmem:s3] =	stream.indirect.scatter.add.f32 [tilespmem:s11], [sflag:$0x8], $0x80, s29, s8, $0xb8;
	[tilespmem:$0x1C620] =	vst v63  }
0x63: {  	_ =	swait.ge [sflag:s0], $0x4000  }
0x64: {  	[sflag:s0] =	ssyncset.done $0x0  }
0x65: {  	s25 =	sadd.s32 $0x0, s19;
	[sflag:s0] =	ssyncadd.s32 $0xFFFFC000  }
0x66: {  	[tilespmem:s29], [sflag:$0x4] =	stream.linear.gather [hbm4b:s25+s4], $0x80, $0x38;
	[tilespmem:$0x1C620] =	vst v63  }
0x67: {  	_ =	swait.ge [sflag:s10], $0x80  }
0x68: {  	[sflag:s10] =	ssyncset.done $0x0  }
0x69: {  	[sflag:s10] =	ssyncadd.s32 $0xFFFFFF80  }
0x6a: {  	[tilespmem:s11], [sflag:$0x6] =	stream.indirect.gather [hbm4b:s1+s8], $0x80, s28, s8, $0xb8;
	[tilespmem:$0x1C620] =	vst v63  }
0x6b: {  	s31 =	sadd.s32 $0x100, s18;
	s22 =	simm.s32 $0x40;
	_ =	swait.ge [sflag:s12], $0x4000  }
0x6c: {  	s23 =	sshrl.u32 s31, $0x3;
	s25 =	simm.s32 $0x20;
	[sflag:s12] =	ssyncset.done $0x0  }
.LBB2_2:
0x6d: {  	p0 =	sne.s32 s22, $0x4A0;
	s18 =	sadd.s32 s5, s23;
	[sflag:s12] =	ssyncadd.s32 $0xFFFFC000  }
0x6e: {  	[tilespmem:s21], [sflag:$0x1] =	stream.linear.gather [hbm4b:s18+s4], $0x80, $0x38;
	[tilespmem:$0x1C620] =	vst v63  }
0x6f: {  	s18 =	smov.u32 s22;
	s22 =	sadd.s32 $0x20, s22;
	_ =	swait.ge [sflag:s13], $0x80  }
0x70: {  	[sflag:s13] =	ssyncset.done $0x0  }
0x71: {  	[sflag:s13] =	ssyncadd.s32 $0xFFFFFF80  }
0x72: {  	[spmem:s3] =	stream.indirect.scatter.add.f32 [tilespmem:s9], [sflag:$0x8], $0x80, s26, s8, $0xb8;
	[tilespmem:$0x1C620] =	vst v63  }
0x73: {  	_ =	swait.ge [sflag:s0], $0x4000  }
0x74: {  	[sflag:s0] =	ssyncset.done $0x0  }
0x75: {  	s23 =	sadd.s32 s6, s23;
	[sflag:s0] =	ssyncadd.s32 $0xFFFFC000  }
0x76: {  	[tilespmem:s26], [sflag:$0x3] =	stream.linear.gather [hbm4b:s23+s4], $0x80, $0x38;
	[tilespmem:$0x1C620] =	vst v63  }
0x77: {  	_ =	swait.ge [sflag:s2], $0x80  }
0x78: {  	[sflag:s2] =	ssyncset.done $0x0  }
0x79: {  	[sflag:s2] =	ssyncadd.s32 $0xFFFFFF80  }
0x7a: {  	[tilespmem:s9], [sflag:$0x5] =	stream.indirect.gather [hbm4b:s1+s8], $0x80, s21, s8, $0xb8;
	[tilespmem:$0x1C620] =	vst v63  }
0x7b: {  	_ =	swait.ge [sflag:s14], $0x4000  }
0x7c: {  	[sflag:s14] =	ssyncset.done $0x0  }
0x7d: {  	s23 =	sadd.s32 s25, s20;
	[sflag:s14] =	ssyncadd.s32 $0xFFFFC000  }
0x7e: {  	[tilespmem:s28], [sflag:$0x2] =	stream.linear.gather [hbm4b:s23+s4], $0x80, $0x38;
	[tilespmem:$0x1C620] =	vst v63  }
0x7f: {  	_ =	swait.ge [sflag:s16], $0x80  }
0x80: {  	[sflag:s16] =	ssyncset.done $0x0  }
0x81: {  	[sflag:s16] =	ssyncadd.s32 $0xFFFFFF80  }
0x82: {  	[spmem:s3] =	stream.indirect.scatter.add.f32 [tilespmem:s11], [sflag:$0x8], $0x80, s29, s8, $0xb8;
	[tilespmem:$0x1C620] =	vst v63  }
0x83: {  	_ =	swait.ge [sflag:s0], $0x4000  }
0x84: {  	[sflag:s0] =	ssyncset.done $0x0  }
0x85: {  	s23 =	sadd.s32 s25, s19;
	s25 =	smov.u32 s18;
	[sflag:s0] =	ssyncadd.s32 $0xFFFFC000  }
0x86: {  	[tilespmem:s29], [sflag:$0x4] =	stream.linear.gather [hbm4b:s23+s4], $0x80, $0x38;
	[tilespmem:$0x1C620] =	vst v63  }
0x87: {  	_ =	swait.ge [sflag:s10], $0x80  }
.Ltmp0:
0x88: {  	[sflag:s10] =	ssyncset.done $0x0;
	(pc) =	sbr.rel @p0 .LBB2_2-.Ltmp0, $4  }
0x89: {  	[sflag:s10] =	ssyncadd.s32 $0xFFFFFF80  }
0x8a: {  	[tilespmem:s11], [sflag:$0x6] =	stream.indirect.gather [hbm4b:s1+s8], $0x80, s28, s8, $0xb8;
	[tilespmem:$0x1C620] =	vst v63  }
0x8b: {  	s31 =	sadd.s32 $0x100, s31;
	_ =	swait.ge [sflag:s12], $0x4000  }
0x8c: {  	s23 =	sshrl.u32 s31, $0x3;
	[sflag:s12] =	ssyncset.done $0x0  }
0x8d: {  	s18 =	sadd.s32 s5, s23;
	[sflag:s12] =	ssyncadd.s32 $0xFFFFC000  }
0x8e: {  	[tilespmem:s21], [sflag:$0x1] =	stream.linear.gather [hbm4b:s18+s4], $0x80, $0x38;
	[tilespmem:$0x1C620] =	vst v63  }
0x8f: {  	_ =	swait.ge [sflag:s13], $0x80  }
0x90: {  	[sflag:s13] =	ssyncset.done $0x0  }
0x91: {  	[sflag:s13] =	ssyncadd.s32 $0xFFFFFF80  }
0x92: {  	[spmem:s3] =	stream.indirect.scatter.add.f32 [tilespmem:s9], [sflag:$0x8], $0x80, s26, s8, $0xb8;
	[tilespmem:$0x1C620] =	vst v63  }
0x93: {  	_ =	swait.ge [sflag:s0], $0x4000  }
0x94: {  	[sflag:s0] =	ssyncset.done $0x0  }
0x95: {  	s31 =	sadd.s32 s6, s23;
	[sflag:s0] =	ssyncadd.s32 $0xFFFFC000  }
0x96: {  	[tilespmem:s26], [sflag:$0x3] =	stream.linear.gather [hbm4b:s31+s4], $0x80, $0x38;
	[tilespmem:$0x1C620] =	vst v63  }
0x97: {  	_ =	swait.ge [sflag:s2], $0x80  }
0x98: {  	[sflag:s2] =	ssyncset.done $0x0  }
0x99: {  	[sflag:s2] =	ssyncadd.s32 $0xFFFFFF80  }
0x9a: {  	[tilespmem:s9], [sflag:$0x5] =	stream.indirect.gather [hbm4b:s1+s8], $0x80, s21, s8, $0xb8;
	[tilespmem:$0x1C620] =	vst v63  }
0x9b: {  	_ =	swait.ge [sflag:s14], $0x4000  }
0x9c: {  	[sflag:s14] =	ssyncset.done $0x0  }
0x9d: {  	s22 =	sadd.s32 s25, s20;
	[sflag:s14] =	ssyncadd.s32 $0xFFFFC000  }
0x9e: {  	[tilespmem:s28], [sflag:$0x2] =	stream.linear.gather [hbm4b:s22+s4], $0x80, $0x38;
	[tilespmem:$0x1C620] =	vst v63  }
0x9f: {  	_ =	swait.ge [sflag:s16], $0x80  }
0xa0: {  	[sflag:s16] =	ssyncset.done $0x0  }
0xa1: {  	[sflag:s16] =	ssyncadd.s32 $0xFFFFFF80  }
0xa2: {  	[spmem:s3] =	stream.indirect.scatter.add.f32 [tilespmem:s11], [sflag:$0x8], $0x80, s29, s8, $0xb8;
	[tilespmem:$0x1C620] =	vst v63  }
0xa3: {  	_ =	swait.ge [sflag:s0], $0x4000  }
0xa4: {  	[sflag:s0] =	ssyncset.done $0x0  }
0xa5: {  	s23 =	sadd.s32 s25, s19;
	[sflag:s0] =	ssyncadd.s32 $0xFFFFC000  }
0xa6: {  	[tilespmem:s29], [sflag:$0x4] =	stream.linear.gather [hbm4b:s23+s4], $0x80, $0x38;
	[tilespmem:$0x1C620] =	vst v63  }
0xa7: {  	_ =	swait.ge [sflag:s10], $0x80  }
0xa8: {  	[sflag:s10] =	ssyncset.done $0x0  }
0xa9: {  	[sflag:s10] =	ssyncadd.s32 $0xFFFFFF80  }
0xaa: {  	[tilespmem:s11], [sflag:$0x6] =	stream.indirect.gather [hbm4b:s1+s8], $0x80, s28, s8, $0xb8;
	[tilespmem:$0x1C620] =	vst v63  }
0xab: {  	_ =	swait.ge [sflag:s12], $0x4000  }
0xac: {  	[sflag:s12] =	ssyncset.done $0x0  }
0xad: {  	[sflag:s12] =	ssyncadd.s32 $0xFFFFC000  }
0xae: {  	_ =	swait.ge [sflag:s13], $0x80  }
0xaf: {  	[sflag:s13] =	ssyncset.done $0x0  }
0xb0: {  	[sflag:s13] =	ssyncadd.s32 $0xFFFFFF80  }
0xb1: {  	[spmem:s3] =	stream.indirect.scatter.add.f32 [tilespmem:s9], [sflag:$0x8], $0x80, s26, s8, $0xb8;
	[tilespmem:$0x1C620] =	vst v63  }
0xb2: {  	_ =	swait.ge [sflag:s0], $0x4000  }
0xb3: {  	[sflag:s0] =	ssyncset.done $0x0  }
0xb4: {  	[sflag:s0] =	ssyncadd.s32 $0xFFFFC000  }
0xb5: {  	_ =	swait.ge [sflag:s14], $0x4000  }
0xb6: {  	[sflag:s14] =	ssyncset.done $0x0  }
0xb7: {  	[sflag:s14] =	ssyncadd.s32 $0xFFFFC000  }
0xb8: {  	_ =	swait.ge [sflag:s16], $0x80  }
0xb9: {  	[sflag:s16] =	ssyncset.done $0x0  }
0xba: {  	[sflag:s16] =	ssyncadd.s32 $0xFFFFFF80  }
0xbb: {  	[spmem:s3] =	stream.indirect.scatter.add.f32 [tilespmem:s11], [sflag:$0x8], $0x80, s29, s8, $0xb8;
	[tilespmem:$0x1C620] =	vst v63  }
0xbc: {  	_ =	swait.ge [sflag:s0], $0x4000  }
0xbd: {  	[sflag:s0] =	ssyncset.done $0x0  }
0xbe: {  	[sflag:s0] =	ssyncadd.s32 $0xFFFFC000  }
0xbf: {  	_ =	swait.ge [sflag:s17], $0x10  }
0xc0: {  	[sflag:s17] =	ssyncset.done $0x0  }
0xc1: {  	[sflag:s17] =	ssyncadd.s32 $0xFFFFFFF0  }
0xc2: {  	_ =	swait.ge [sflag:s17], $0x10  }
0xc3: {  	s25 =	simm.s32 $0x10;
	[sflag:s17] =	ssyncset.done $0x0  }
0xc4: {  	s31 =	simm.s32 $0x1BE20;
	s22 =	simm.s32 $0x1BE00;
	[sflag:s17] =	ssyncadd.s32 $0xFFFFFFF0  }
0xc5: {  	[tilespmem:s31], [sflag:$0x5] =	stream.indirect.gather [hbm4b:s1+s25], $0x80, s22, s25, $0xb8;
	[tilespmem:$0x1C620] =	vst v63  }
0xc6: {  	_ =	swait.ge [sflag:s12], $0x800  }
0xc7: {  	[sflag:s12] =	ssyncset.done $0x0  }
0xc8: {  	s23 =	simm.s32 $0x1BE10;
	[sflag:s12] =	ssyncadd.s32 $0xFFFFF800  }
0xc9: {  	[spmem:s3] =	stream.indirect.scatter.add.f32 [tilespmem:s31], [sflag:$0x8], $0x80, s23, s25, $0xb8;
	[tilespmem:$0x1C620] =	vst v63  }
0xca: {  	_ =	swait.ge [sflag:s0], $0x800  }
0xcb: {  	[sflag:s0] =	ssyncset.done $0x0  }
0xcc: {  	[sflag:s0] =	ssyncadd.s32 $0xFFFFF800  }
0xcd: {  	[bflag:$0x0] =	sbarrier.arrive $0xFFFF  }
0xce: {  	s25 =	rddreg [dreg:$0xb]  }
0xcf: {  	[hbm:s25], [sflag:s15] =	dma.local [spmem:s30], $0x2780  }
0xd0: {  	_ =	swait.ge [sflag:s0], $0x2780  }
0xd1: {  	s24 =	sadd.s32 $0x1, s24;
	s31 =	rddreg [dreg:$0xc]  }
0xd2: {  	p0 =	sne.s32 s24, s31  }
.Ltmp1:
0xd3: {  	_ = 	snop;
	(pc) =	sbr.rel @p0 .LBB2_1-.Ltmp1, $3  }
0xd4: {  	_ =	sdelay $0x1  }
0xd5: {  	[sflag:s0] =	ssyncset.done $0x0  }
0xd6: {  	[sflag:s0] =	ssyncadd.s32 $0xFFFFD880  }
0xd7: {  	_ =	sfence.sel $0x180000  }
0xd8: {  	[bflag:$0x0] =	sbarrier.arrive $0xFFFF  }
0xd9: {  	_ =	strace $0x9000004D  }
0xda: {  	s0 =	stileid.u32;
	[bflag:$0x2] =	sbarrier.arrive $0xFFFF  }
0xdb: {  	p0 =	sne.s32 s0, $0x0;
	s0 =	rddreg [dreg:$0x3]  }
0xdc: {  	s0 =	sadd.s32 @!p0 $0x100000, s0  }
0xdd: {  	[sflag:s0] =	ssyncadd.tile.s32 @!p0 $0x1;
	_ =	shalt  }
.Lfunc_end2:
_tile_overlayer_lowered:
.L_overlay_start_2:
0xde: {  	(tag) =	ssettag $0x2  }
0xdf: {  	s0 =	rddreg [dreg:$0x0];
	s2 =	stileid.u32  }
0xe0: {  	s1 =	rddreg [dreg:$0x1];
	p0 =	sne.s32 s2, $0x0  }
0xe1: {  	s3 =	rddreg [dreg:$0x2];
	[bflag:$0x3] =	sbarrier.arrive $0xFFFF;
	s2 =	simm.s32 @!p0 $0x1C08  }
0xe2: {  	[timem:s3], [sflag:s2] =	dma.local @!p0 [hbm:s0], s1  }
0xe3: {  	s0 =	simm.s32 @!p0 $0x8  }
0xe4: {  	_ =	swait.ge @!p0 [sflag:s0], s1  }
0xe5: {  	s1 =	ssub.s32 @!p0 $0x0, s1;
	[sflag:s0] =	ssyncset.done @!p0 $0x0  }
0xe6: {  	[sflag:s0] =	ssyncadd.s32 @!p0 s1  }
0xe7: {  	[bflag:$0x3] =	sbarrier.arrive $0xFFFF  }
0xe8: {  	_ =	shalt  }

// kernel: kernel.8.cloned.1.call-start
scs
__scs_entry_jumppad:
0x0: {  	(pc) =	sbr.rel $0x88, $3  }
0x1: {  	(tag) =	ssettag $0x0;
	lr =	simm.s32 $0x1  }
0x2: {  	[smem:$0x3F92] =	sst lr;
	_ =	strace $0xD0000000  }
0x3: {  	_ = 	snop  }
0x4: {  	_ = 	snop  }
0x5: {  	_ = 	snop  }
0x6: {  	_ = 	snop  }
0x7: {  	_ = 	snop  }
__scs_overlays_trampoline_lowered:
0x8: {  	[smem:$0x3FA1] =	sst s0  }
0x9: {  	[smem:$0x3FA2] =	sst s1  }
0xa: {  	[smem:$0x3FA3] =	sst s2  }
0xb: {  	[smem:$0x3FA4] =	sst s3  }
0xc: {  	[smem:$0x3FA5] =	sst s4  }
0xd: {  	[smem:$0x3FA6] =	sst s5  }
0xe: {  	[smem:$0x3FA7] =	sst s6  }
0xf: {  	[smem:$0x3FA8] =	sst s7  }
0x10: {  	[smem:$0x3FA9] =	sst s8  }
0x11: {  	[smem:$0x3FAA] =	sst s9;
	s0 =	simm.s32 @!p0 $0x0  }
0x12: {  	s1 =	sld [smem:$0x3F90];
	s0 =	simm.s32 @p0 $0x1  }
0x13: {  	[smem:$0x3FAB] =	sst s0;
	s0 =	simm.s32 @!p1 $0x0  }
0x14: {  	s2 =	sld [smem:$0x3F8F];
	s0 =	simm.s32 @p1 $0x1  }
0x15: {  	[smem:$0x3FAC] =	sst s0;
	s0 =	simm.s32 @!p2 $0x0  }
0x16: {  	s3 =	sld [smem:$0x3FDB];
	s0 =	simm.s32 @p2 $0x1  }
0x17: {  	s4 =	simm.s32 $0x1BF5;
	[smem:$0x3FAE] =	sst s0  }
0x18: {  	s0 =	sld [smem:$0x3F91];
	_ =	swait.ge [sflag:s4], $0x0  }
0x19: {  	s7 =	sld [smem:$0x3F92]  }
0x1a: {  	s8 =	sadd.s32 $0xFFFFE003, lr  }
0x1b: {  	s9 =	sadd.s32 $0xFFFFFEF7, lr;
	s5 =	simm.s32 $0xFFFFFFFF;
	p2 =	slt.u32 s8, $0xFFFFF086  }
0x1c: {  	p1 =	slt.u32 s9, $0xF7A;
	s5 =	simm.s32 @!p2 $0x0  }
0x1d: {  	s5 =	simm.s32 @p1 $0x1;
	p0 =	seq.s32 s7, s2  }
0x1e: {  	s7 =	smul.u32 @!p0 $0xF7A, s2;
	p2 =	seq.s32 @!p0 s5, $0x0  }
0x1f: {  	s9 =	smul.u32 $0xF7A, s1;
	s8 =	simm.s32 @!p0 $0x1BF5;
	p2 =	por !p2, p0  }
0x20: {  	[sflag:s8] =	ssyncset.s32 @!p0 $0xFFFFF086;
	s6 =	sadd.s32 @!p0 s3, s7;
	s7 =	simm.s32 @!p0 $0x108  }
0x21: {  	s3 =	sadd.s32 s3, s9;
	s6 =	sadd.s32 @!p0 $0x88, s6;
	s7 =	simm.s32 @p2 $0x1082  }
0x22: {  	[simem:s7], [sflag:s8] =	dma.local @!p0 [hbm:s6], $0xF7A  }
0x23: {  	s9 =	sor.u32 $0xD0000000, s2;
	s6 =	simm.s32 $0x108;
	_ =	swait.ge @!p0 [sflag:s8], $0x0  }
0x24: {  	s3 =	sadd.s32 $0x88, s3;
	s6 =	simm.s32 @!p1 $0x1082;
	[sflag:s4] =	ssyncset.s32 $0xFFFFF086  }
0x25: {  	[simem:s6], [sflag:s4] =	dma.local [hbm:s3], $0xF7A  }
0x26: {  	[smem:$0x3F92] =	sst s1;
	(tag) =	ssettag s2;
	_ =	strace s9  }
0x27: {  	s1 =	sld [smem:$0x3FA2]  }
0x28: {  	s2 =	sld [smem:$0x3FA3]  }
0x29: {  	s4 =	sld [smem:$0x3FA5]  }
0x2a: {  	p0 =	seq.s32 s5, $0x0;
	s5 =	sld [smem:$0x3FA6]  }
0x2b: {  	s6 =	sld [smem:$0x3FA7]  }
0x2c: {  	s7 =	sld [smem:$0x3FA8]  }
0x2d: {  	s3 =	simm.s32 $0x108;
	s8 =	sld [smem:$0x3FA9]  }
0x2e: {  	s3 =	simm.s32 @!p0 $0x1082;
	s9 =	sld [smem:$0x3FAA]  }
0x2f: {  	lr =	sadd.s32 s0, s3;
	s0 =	sld [smem:$0x3FA1]  }
0x30: {  	s3 =	sld [smem:$0x3FA4]  }
0x31: {  	[smem:$0x3FAD] =	sst s10  }
0x32: {  	s10 =	sld [smem:$0x3FAB];
	_ =	sdelay $0x3  }
0x33: {  	p0 =	seq.s32 s10, $0x1;
	s10 =	sld [smem:$0x3FAD];
	_ =	sdelay $0x3  }
0x34: {  	[smem:$0x3FAD] =	sst s10  }
0x35: {  	s10 =	sld [smem:$0x3FAC];
	_ =	sdelay $0x3  }
0x36: {  	p1 =	seq.s32 s10, $0x1;
	s10 =	sld [smem:$0x3FAD];
	_ =	sdelay $0x3  }
0x37: {  	[smem:$0x3FAD] =	sst s10  }
0x38: {  	s10 =	sld [smem:$0x3FAE]  }
0x39: {  	_ = 	snop;
	(pc) =	sbr.ind lr, $3  }
0x3a: {  	_ = 	snop  }
0x3b: {  	_ = 	snop  }
0x3c: {  	p2 =	seq.s32 s10, $0x1;
	s10 =	sld [smem:$0x3FAD]  }
0x3d: {  	_ =	shalt  }
0x3e: {  	_ =	shalt  }
0x3f: {  	_ =	shalt  }
0x40: {  	_ =	shalt  }
0x41: {  	_ =	shalt  }
0x42: {  	_ =	shalt  }
0x43: {  	_ =	shalt  }
0x44: {  	_ =	shalt  }
0x45: {  	_ =	shalt  }
0x46: {  	_ =	shalt  }
0x47: {  	_ =	shalt  }
0x48: {  	_ =	shalt  }
0x49: {  	_ =	shalt  }
0x4a: {  	_ =	shalt  }
0x4b: {  	_ =	shalt  }
0x4c: {  	_ =	shalt  }
0x4d: {  	_ =	shalt  }
0x4e: {  	_ =	shalt  }
0x4f: {  	_ =	shalt  }
0x50: {  	_ =	shalt  }
0x51: {  	_ =	shalt  }
0x52: {  	_ =	shalt  }
0x53: {  	_ =	shalt  }
0x54: {  	_ =	shalt  }
0x55: {  	_ =	shalt  }
0x56: {  	_ =	shalt  }
0x57: {  	_ =	shalt  }
0x58: {  	_ =	shalt  }
0x59: {  	_ =	shalt  }
0x5a: {  	_ =	shalt  }
0x5b: {  	_ =	shalt  }
0x5c: {  	_ =	shalt  }
0x5d: {  	_ =	shalt  }
0x5e: {  	_ =	shalt  }
0x5f: {  	_ =	shalt  }
0x60: {  	_ =	shalt  }
0x61: {  	_ =	shalt  }
0x62: {  	_ =	shalt  }
0x63: {  	_ =	shalt  }
0x64: {  	_ =	shalt  }
0x65: {  	_ =	shalt  }
0x66: {  	_ =	shalt  }
0x67: {  	_ =	shalt  }
0x68: {  	_ =	shalt  }
0x69: {  	_ =	shalt  }
0x6a: {  	_ =	shalt  }
0x6b: {  	_ =	shalt  }
0x6c: {  	_ =	shalt  }
0x6d: {  	_ =	shalt  }
0x6e: {  	_ =	shalt  }
0x6f: {  	_ =	shalt  }
0x70: {  	_ =	shalt  }
0x71: {  	_ =	shalt  }
0x72: {  	_ =	shalt  }
0x73: {  	_ =	shalt  }
0x74: {  	_ =	shalt  }
0x75: {  	_ =	shalt  }
0x76: {  	_ =	shalt  }
0x77: {  	_ =	shalt  }
0x78: {  	_ =	shalt  }
0x79: {  	_ =	shalt  }
0x7a: {  	_ =	shalt  }
0x7b: {  	_ =	shalt  }
0x7c: {  	_ =	shalt  }
0x7d: {  	_ =	shalt  }
0x7e: {  	_ =	shalt  }
0x7f: {  	_ =	shalt  }
0x80: {  	_ =	shalt  }
0x81: {  	_ =	shalt  }
0x82: {  	_ =	shalt  }
0x83: {  	_ =	shalt  }
0x84: {  	_ =	shalt  }
0x85: {  	_ =	shalt  }
0x86: {  	_ =	shalt  }
0x87: {  	_ =	shalt  }
.Lfunc_end0:
.L_simem_size_0:
called_computation_lowered:
.L_overlay_start_0:
0x88: {  	s2 =	sld [smem:$0x3FD9]  }
0x89: {  	s3 =	sld [smem:$0x3FFE];
	_ =	sdelay $0x1  }
0x8a: {  	s1 =	srdreg.scid  }
0x8b: {  	s0 =	sand.u32 $0x1, s1  }
0x8c: {  	s16 =	sshll.u32 s0, $0xA;
	s2 =	sadd.s32 s3, s2  }
0x8d: {  	s2 =	sadd.s32 s2, s16  }
0x8e: {  	[smem:$0x3FB9] =	sst s2  }
0x8f: {  	_ = 	snop  }
0x90: {  	(tm) =	ssettm $0x1  }
0x91: {  	s17 =	sld [smem:$0x3FFB];
	_ =	sdelay $0x3  }
0x92: {  	_ =	strace s17  }
0x93: {  	s2 =	sld [smem:$0x3FFC];
	_ =	sdelay $0x3  }
0x94: {  	_ =	strace s2  }
0x95: {  	s2 =	sld [smem:$0x3FFD];
	_ =	sdelay $0x3  }
0x96: {  	_ =	strace s2  }
0x97: {  	_ =	strace $0x8FFFFFFF  }
0x98: {  	s18 =	sld [smem:$0x3FDB];
	_ =	sdelay $0x1  }
0x99: {  	s19 =	simm.s32 $_scs_section_size  }
0x9a: {  	s4 =	simm.s32 $_size__tile_overlayer_lowered;
	s5 =	simm.s32 $_tile_overlayer_lowered  }
0x9b: {  	s22 =	simm.s32 $0x1BFF;
	s21 =	sshll.u32 s5, $0x1;
	s2 =	sadd.s32 s19, s18  }
0x9c: {  	s6 =	simm.s32 $0x0;
	s20 =	sshll.u32 s4, $0x1;
	s4 =	sadd.s32 s21, s2  }
0x9d: {  	[timem:s6], [sflag:s22] =	dma.local [hbm:s4], s20  }
0x9e: {  	_ =	swait.ge [sflag:s22], s20  }
0x9f: {  	s3 =	ssub.s32 $0x0, s20;
	[sflag:s22] =	ssyncset.done $0x0  }
0xa0: {  	[sflag:s22] =	ssyncadd.s32 s3;
	_ =	sdelay $0x1  }
0xa1: {  	s23 =	simm.s32 $0x1B8B  }
0xa2: {  	_ =	swait.ge [sflag:s23], $0x1  }
0xa3: {  	[sflag:s23] =	ssyncset.done $0x0  }
0xa4: {  	s25 =	simm.s32 $0x1B8E;
	s24 =	sld [smem:$0x3FFE];
	[sflag:s23] =	ssyncadd.s32 $0xFFFFFFFF  }
0xa5: {  	s26 =	simm.s32 $execute0_lowered;
	[smem:$0x3FD2] =	sst s25  }
0xa6: {  	s4 =	sshll.u32 s26, $0x1;
	_ =	strace $0x80000046;
	[dreg:$0x1] =	wrdreg $0xFFFFFFFF  }
0xa7: {  	s28 =	simm.s32 $_size_execute0_lowered;
	s2 =	sadd.s32 s2, s4;
	[dreg:$0x0] =	wrdreg $0x0  }
0xa8: {  	s4 =	sshll.u32 s28, $0x1;
	[dreg:$0x2] =	wrdreg s2  }
0xa9: {  	[dreg:$0x3] =	wrdreg s4  }
0xaa: {  	[dreg:$0x4] =	wrdreg $0xC0  }
0xab: {  	_ =	task [dreg:s6], $0x5FFFF  }
0xac: {  	[dreg:$0x1] =	wrdreg $0xFFFFFFFF  }
0xad: {  	[dreg:$0x0] =	wrdreg $0x60  }
0xae: {  	[dreg:$0x2] =	wrdreg s24  }
0xaf: {  	[dreg:$0x3] =	wrdreg $0x0  }
0xb0: {  	[dreg:$0x4] =	wrdreg $0x9  }
0xb1: {  	_ =	task.clear_ibuf [dreg:s6], $0x5FFFF;
	_ =	strace $0x90000046  }
0xb2: {  	s29 =	simm.s32 $0x9;
	_ =	strace $0x80000048  }
0xb3: {  	_ =	swait.ge [sflag:s29], $0x1  }
0xb4: {  	[sflag:s29] =	ssyncadd.s32 $0xFFFFFFFF  }
0xb5: {  	_ =	strace $0x90000048  }
0xb6: {  	_ =	sfence  }
0xb7: {  	s30 =	sld [smem:$0x0];
	_ =	sdelay $0x2  }
0xb8: {  	s31 =	sshll.u32 s1, $0xD;
	s1 =	sshrl.u32 s1, $0x2  }
0xb9: {  	s3 =	sand.u32 $0x4000, s31;
	s1 =	sadd.s32 s1, s30  }
0xba: {  	s0 =	sor.u32 s3, s0;
	s1 =	sshll.u32 s1, $0x11  }
0xbb: {  	s0 =	sor.u32 s1, s0  }
0xbc: {  	s0 =	sadd.s32 $0x8F2B, s0  }
0xbd: {  	[sflag:s0] =	ssyncadd.remote.s32 $0x1  }
0xbe: {  	_ =	sfence.sel $0xFFFF  }
0xbf: {  	[dreg:$0x0] =	wrdreg $0xFFFFFFFF;
	(pc) =	sbr.abs _section_cstart, $3  }
0xc0: {  	[dreg:$0x1] =	wrdreg $0xFFFFFFFF  }
0xc1: {  	_ =	task.clear_ibuf [dreg:s6], $0x2FFFF;
	_ =	strace $0x9FFFFFFF  }
0xc2: {  	(tm) =	ssettm $0x7FFFFFFF  }
0xc3: {  	_ =	shalt  }
tec
execute0_lowered:
.L_overlay_start_1:
0x0: {  	(tag) =	ssettag $0x1  }
0x1: {  	s0 =	rddreg [dreg:$0x0]  }
0x2: {  	s3 =	simm.s32 $0x0;
	s2 =	srdreg.scid;
	s13 =	stileid.u32  }
0x3: {  	s28 =	simm.s32 $0x16400;
	s29 =	simm.s32 $0x16500;
	s8 =	smul.u32 $0x16380, s13  }
0x4: {  	[smem:$0x7FF] =	sst s3;
	s2 =	sand.u32 $0x1, s2;
	s30 =	smul.u32 $0x58E00, s13  }
0x5: {  	s4 =	sadd.s32 $0x16800, s0;
	s6 =	sadd.s32 $0x2C00, s0;
	s14 =	smul.u32 $0x2710, s13  }
0x6: {  	s1 =	rddreg [dreg:$0x1];
	_ =	strace $0x80000047;
	s9 =	smul.u32 $0x163800, s2  }
0x7: {  	s5 =	sshll.u32 s2, $0x4;
	s11 =	ssub.s32 $0x2, s2;
	s2 =	smul.u32 $0x27100, s2  }
0x8: {  	s7 =	sor.u32 s13, s5;
	s5 =	sadd.s32 $0xCA00, s0;
	s12 =	sshrl.u32 s11, $0x1  }
0x9: {  	s10 =	smul.u32 $0x2710, s7;
	s7 =	sadd.s32 $0x42800, s0;
	s9 =	sadd.s32 s8, s9  }
0xa: {  	s21 =	ssub.s32 s11, s12;
	s12 =	sshll.u32 s13, $0x6;
	s8 =	sadd.s32 s8, s1  }
0xb: {  	s2 =	sadd.s32 s14, s2;
	s13 =	simm.s32 $0x3;
	s14 =	simm.s32 $0x6  }
0xc: {  	s9 =	sshrl.u32 s9, $0x3;
	[dreg:$0x9] =	wrdreg s8;
	s15 =	sor.u32 $0x1C08, s12  }
0xd: {  	s22 =	sadd.s32 $0x180, s2;
	s2 =	sadd.s32 $0x100, s2;
	s12 =	simm.s32 $0x5  }
0xe: {  	s10 =	sshrl.u32 s10, $0x3;
	s0 =	sadd.s32 s9, s0;
	[dreg:$0xc] =	wrdreg s2  }
0xf: {  	s2 =	simm.s32 $0x1;
	s9 =	simm.s32 $0x16580;
	s24 =	sadd.s32 s5, s10  }
0x10: {  	s23 =	sadd.s32 $0x10, s10;
	s25 =	sadd.s32 s6, s10;
	[dreg:$0x3] =	wrdreg s24  }
0x11: {  	s10 =	sadd.s32 $0x4E0, s10;
	s0 =	sadd.s32 $0x43200, s0;
	[dreg:$0x4] =	wrdreg s25  }
0x12: {  	s26 =	sadd.s32 s5, s23;
	s11 =	sadd.s32 s6, s23;
	[dreg:$0xa] =	wrdreg s0  }
0x13: {  	s31 =	sadd.s32 s5, s10;
	s10 =	sadd.s32 s6, s10;
	[dreg:$0x5] =	wrdreg s26  }
0x14: {  	s23 =	smax.u32 s21, $0x1;
	s24 =	sshrl.u32 s22, $0x3;
	[dreg:$0x6] =	wrdreg s11  }
0x15: {  	s21 =	simm.s32 $0x16380;
	s22 =	simm.s32 $0x1F580;
	[dreg:$0x7] =	wrdreg s31  }
0x16: {  	s0 =	simm.s32 $0x8;
	[dreg:$0x8] =	wrdreg s10;
	s11 =	sshrl.u32 s30, $0x2  }
0x17: {  	[dreg:$0xb] =	wrdreg s23;
	s19 =	sadd.s32 s24, s6;
	s20 =	sadd.s32 s24, s5  }
0x18: {  	s23 =	simm.s32 $0x1F590;
	s10 =	simm.s32 $0x2;
	s16 =	sadd.s32 s11, s1  }
0x19: {  	s24 =	simm.s32 $0x0;
	s17 =	sadd.s32 $0x4800, s16;
	s11 =	sadd.s32 $0x9000, s16  }
0x1a: {  	s18 =	sadd.s32 $0xD800, s16;
	s8 =	sadd.s32 $0x12000, s16;
	s25 =	sshrl.u32 s17, $0x3  }
0x1b: {  	s16 =	simm.s32 $0x4;
	s26 =	sshrl.u32 s11, $0x3;
	[dreg:$0xd] =	wrdreg s25  }
0x1c: {  	s30 =	sshrl.u32 s18, $0x3;
	s31 =	sshrl.u32 s8, $0x3;
	[dreg:$0xe] =	wrdreg s26  }
0x1d: {  	s8 =	simm.s32 $0x80;
	s11 =	simm.s32 $0x1AD80;
	[dreg:$0xf] =	wrdreg s30  }
0x1e: {  	s17 =	simm.s32 $0x7;
	[dreg:$0x10] =	wrdreg s31;
	s26 =	simm.s32 $0x16480  }
.LBB2_1:
0x1f: {  	s18 =	rddreg [dreg:$0x3]  }
0x20: {  	[tilespmem:s21], [sflag:$0x1] =	stream.linear.gather [hbm4b:s18+s3], $0x80, $0x38;
	[tilespmem:$0x1FEA0] =	vst v63  }
0x21: {  	s25 =	rddreg [dreg:$0x4]  }
0x22: {  	[tilespmem:s26], [sflag:$0x3] =	stream.linear.gather [hbm4b:s25+s3], $0x80, $0x38;
	[tilespmem:$0x1FEA0] =	vst v63  }
0x23: {  	s25 =	rddreg [dreg:$0x5]  }
0x24: {  	[tilespmem:s28], [sflag:$0x2] =	stream.linear.gather [hbm4b:s25+s3], $0x80, $0x38;
	[tilespmem:$0x1FEA0] =	vst v63  }
0x25: {  	s25 =	rddreg [dreg:$0x6]  }
0x26: {  	[tilespmem:s29], [sflag:$0x4] =	stream.linear.gather [hbm4b:s25+s3], $0x80, $0x38;
	[tilespmem:$0x1FEA0] =	vst v63  }
0x27: {  	s25 =	rddreg [dreg:$0x7]  }
0x28: {  	[tilespmem:s22], [sflag:$0x7] =	stream.linear.gather [hbm4b:s25+s3], $0x10, $0x38;
	[tilespmem:$0x1FEA0] =	vst v63  }
0x29: {  	s22 =	rddreg [dreg:$0x9]  }
0x2a: {  	s25 =	rddreg [dreg:$0x8];
	s30 =	sshrl.u32 s22, $0x3  }
0x2b: {  	[tilespmem:s23], [sflag:$0x7] =	stream.linear.gather [hbm4b:s25+s3], $0x10, $0x38;
	[tilespmem:$0x1FEA0] =	vst v63  }
0x2c: {  	[spmem:s30], [sflag:s15] =	dma.local [hbm:s7], $0x900  }
0x2d: {  	_ =	swait.ge [sflag:s0], $0x900  }
0x2e: {  	[sflag:s0] =	ssyncset.done $0x0  }
0x2f: {  	s23 =	rddreg [dreg:$0xd];
	[sflag:s0] =	ssyncadd.s32 $0xFFFFF700  }
0x30: {  	[spmem:s23], [sflag:s15] =	dma.local [hbm:s7], $0x900  }
0x31: {  	_ =	swait.ge [sflag:s0], $0x900  }
0x32: {  	[sflag:s0] =	ssyncset.done $0x0  }
0x33: {  	s25 =	rddreg [dreg:$0xe];
	[sflag:s0] =	ssyncadd.s32 $0xFFFFF700  }
0x34: {  	[spmem:s25], [sflag:s15] =	dma.local [hbm:s7], $0x900  }
0x35: {  	_ =	swait.ge [sflag:s0], $0x900  }
0x36: {  	[sflag:s0] =	ssyncset.done $0x0  }
0x37: {  	s22 =	rddreg [dreg:$0xf];
	[sflag:s0] =	ssyncadd.s32 $0xFFFFF700  }
0x38: {  	[spmem:s22], [sflag:s15] =	dma.local [hbm:s7], $0x900  }
0x39: {  	_ =	swait.ge [sflag:s0], $0x900  }
0x3a: {  	[sflag:s0] =	ssyncset.done $0x0  }
0x3b: {  	s23 =	rddreg [dreg:$0x10];
	[sflag:s0] =	ssyncadd.s32 $0xFFFFF700  }
0x3c: {  	[spmem:s23], [sflag:s15] =	dma.local [hbm:s7], $0x870  }
0x3d: {  	_ =	swait.ge [sflag:s0], $0x870  }
0x3e: {  	[sflag:s0] =	ssyncset.done $0x0  }
0x3f: {  	[sflag:s0] =	ssyncadd.s32 $0xFFFFF790  }
0x40: {  	_ =	swait.ge [sflag:s2], $0x80  }
0x41: {  	[sflag:s2] =	ssyncset.done $0x0  }
0x42: {  	[sflag:s2] =	ssyncadd.s32 $0xFFFFFF80  }
0x43: {  	[tilespmem:s9], [sflag:$0x5] =	stream.indirect.gather [hbm4b:s4+s8], $0x90, s21, s8, $0xb8;
	[tilespmem:$0x1FEA0] =	vst v63  }
0x44: {  	_ =	swait.ge [sflag:s10], $0x80  }
0x45: {  	[sflag:s10] =	ssyncset.done $0x0  }
0x46: {  	[sflag:s10] =	ssyncadd.s32 $0xFFFFFF80  }
0x47: {  	[tilespmem:s11], [sflag:$0x6] =	stream.indirect.gather [hbm4b:s4+s8], $0x90, s28, s8, $0xb8;
	[tilespmem:$0x1FEA0] =	vst v63  }
0x48: {  	[bflag:$0x0] =	sbarrier.arrive $0xFFFF  }
0x49: {  	_ =	swait.ge [sflag:s12], $0x4800  }
0x4a: {  	s18 =	rddreg [dreg:$0xc]  }
0x4b: {  	[sflag:s12] =	ssyncset.done $0x0;
	s22 =	sshrl.u32 s18, $0x3  }
0x4c: {  	[sflag:s12] =	ssyncadd.s32 $0xFFFFB800;
	s25 =	sadd.s32 s5, s22  }
0x4d: {  	[tilespmem:s21], [sflag:$0x1] =	stream.linear.gather [hbm4b:s25+s3], $0x80, $0x38;
	[tilespmem:$0x1FEA0] =	vst v63  }
0x4e: {  	_ =	swait.ge [sflag:s13], $0x80  }
0x4f: {  	[sflag:s13] =	ssyncset.done $0x0  }
0x50: {  	[sflag:s13] =	ssyncadd.s32 $0xFFFFFF80  }
0x51: {  	[spmem:s1] =	stream.indirect.scatter.add.f32 [tilespmem:s9], [sflag:$0x8], $0x90, s26, s8, $0xb8;
	[tilespmem:$0x1FEA0] =	vst v63  }
0x52: {  	_ =	swait.ge [sflag:s0], $0x4800  }
0x53: {  	[sflag:s0] =	ssyncset.done $0x0  }
0x54: {  	s22 =	sadd.s32 s6, s22;
	[sflag:s0] =	ssyncadd.s32 $0xFFFFB800  }
0x55: {  	[tilespmem:s26], [sflag:$0x3] =	stream.linear.gather [hbm4b:s22+s3], $0x80, $0x38;
	[tilespmem:$0x1FEA0] =	vst v63  }
0x56: {  	_ =	swait.ge [sflag:s2], $0x80  }
0x57: {  	[sflag:s2] =	ssyncset.done $0x0  }
0x58: {  	[sflag:s2] =	ssyncadd.s32 $0xFFFFFF80  }
0x59: {  	[tilespmem:s9], [sflag:$0x5] =	stream.indirect.gather [hbm4b:s4+s8], $0x90, s21, s8, $0xb8;
	[tilespmem:$0x1FEA0] =	vst v63  }
0x5a: {  	_ =	swait.ge [sflag:s14], $0x4800  }
0x5b: {  	[sflag:s14] =	ssyncset.done $0x0  }
0x5c: {  	s23 =	sadd.s32 $0x0, s20;
	[sflag:s14] =	ssyncadd.s32 $0xFFFFB800  }
0x5d: {  	[tilespmem:s28], [sflag:$0x2] =	stream.linear.gather [hbm4b:s23+s3], $0x80, $0x38;
	[tilespmem:$0x1FEA0] =	vst v63  }
0x5e: {  	_ =	swait.ge [sflag:s16], $0x80  }
0x5f: {  	[sflag:s16] =	ssyncset.done $0x0  }
0x60: {  	[sflag:s16] =	ssyncadd.s32 $0xFFFFFF80  }
0x61: {  	[spmem:s1] =	stream.indirect.scatter.add.f32 [tilespmem:s11], [sflag:$0x8], $0x90, s29, s8, $0xb8;
	[tilespmem:$0x1FEA0] =	vst v63  }
0x62: {  	_ =	swait.ge [sflag:s0], $0x4800  }
0x63: {  	[sflag:s0] =	ssyncset.done $0x0  }
0x64: {  	s25 =	sadd.s32 $0x0, s19;
	[sflag:s0] =	ssyncadd.s32 $0xFFFFB800  }
0x65: {  	[tilespmem:s29], [sflag:$0x4] =	stream.linear.gather [hbm4b:s25+s3], $0x80, $0x38;
	[tilespmem:$0x1FEA0] =	vst v63  }
0x66: {  	_ =	swait.ge [sflag:s10], $0x80  }
0x67: {  	[sflag:s10] =	ssyncset.done $0x0  }
0x68: {  	[sflag:s10] =	ssyncadd.s32 $0xFFFFFF80  }
0x69: {  	[tilespmem:s11], [sflag:$0x6] =	stream.indirect.gather [hbm4b:s4+s8], $0x90, s28, s8, $0xb8;
	[tilespmem:$0x1FEA0] =	vst v63  }
0x6a: {  	s31 =	sadd.s32 $0x100, s18;
	s22 =	simm.s32 $0x40;
	_ =	swait.ge [sflag:s12], $0x4800  }
0x6b: {  	s23 =	sshrl.u32 s31, $0x3;
	s25 =	simm.s32 $0x20;
	[sflag:s12] =	ssyncset.done $0x0  }
.LBB2_2:
0x6c: {  	p0 =	sne.s32 s22, $0x4A0;
	s18 =	sadd.s32 s5, s23;
	[sflag:s12] =	ssyncadd.s32 $0xFFFFB800  }
0x6d: {  	[tilespmem:s21], [sflag:$0x1] =	stream.linear.gather [hbm4b:s18+s3], $0x80, $0x38;
	[tilespmem:$0x1FEA0] =	vst v63  }
0x6e: {  	s18 =	smov.u32 s22;
	s22 =	sadd.s32 $0x20, s22;
	_ =	swait.ge [sflag:s13], $0x80  }
0x6f: {  	[sflag:s13] =	ssyncset.done $0x0  }
0x70: {  	[sflag:s13] =	ssyncadd.s32 $0xFFFFFF80  }
0x71: {  	[spmem:s1] =	stream.indirect.scatter.add.f32 [tilespmem:s9], [sflag:$0x8], $0x90, s26, s8, $0xb8;
	[tilespmem:$0x1FEA0] =	vst v63  }
0x72: {  	_ =	swait.ge [sflag:s0], $0x4800  }
0x73: {  	[sflag:s0] =	ssyncset.done $0x0  }
0x74: {  	s23 =	sadd.s32 s6, s23;
	[sflag:s0] =	ssyncadd.s32 $0xFFFFB800  }
0x75: {  	[tilespmem:s26], [sflag:$0x3] =	stream.linear.gather [hbm4b:s23+s3], $0x80, $0x38;
	[tilespmem:$0x1FEA0] =	vst v63  }
0x76: {  	_ =	swait.ge [sflag:s2], $0x80  }
0x77: {  	[sflag:s2] =	ssyncset.done $0x0  }
0x78: {  	[sflag:s2] =	ssyncadd.s32 $0xFFFFFF80  }
0x79: {  	[tilespmem:s9], [sflag:$0x5] =	stream.indirect.gather [hbm4b:s4+s8], $0x90, s21, s8, $0xb8;
	[tilespmem:$0x1FEA0] =	vst v63  }
0x7a: {  	_ =	swait.ge [sflag:s14], $0x4800  }
0x7b: {  	[sflag:s14] =	ssyncset.done $0x0  }
0x7c: {  	s23 =	sadd.s32 s25, s20;
	[sflag:s14] =	ssyncadd.s32 $0xFFFFB800  }
0x7d: {  	[tilespmem:s28], [sflag:$0x2] =	stream.linear.gather [hbm4b:s23+s3], $0x80, $0x38;
	[tilespmem:$0x1FEA0] =	vst v63  }
0x7e: {  	_ =	swait.ge [sflag:s16], $0x80  }
0x7f: {  	[sflag:s16] =	ssyncset.done $0x0  }
0x80: {  	[sflag:s16] =	ssyncadd.s32 $0xFFFFFF80  }
0x81: {  	[spmem:s1] =	stream.indirect.scatter.add.f32 [tilespmem:s11], [sflag:$0x8], $0x90, s29, s8, $0xb8;
	[tilespmem:$0x1FEA0] =	vst v63  }
0x82: {  	_ =	swait.ge [sflag:s0], $0x4800  }
0x83: {  	[sflag:s0] =	ssyncset.done $0x0  }
0x84: {  	s23 =	sadd.s32 s25, s19;
	s25 =	smov.u32 s18;
	[sflag:s0] =	ssyncadd.s32 $0xFFFFB800  }
0x85: {  	[tilespmem:s29], [sflag:$0x4] =	stream.linear.gather [hbm4b:s23+s3], $0x80, $0x38;
	[tilespmem:$0x1FEA0] =	vst v63  }
0x86: {  	_ =	swait.ge [sflag:s10], $0x80  }
.Ltmp0:
0x87: {  	[sflag:s10] =	ssyncset.done $0x0;
	(pc) =	sbr.rel @p0 .LBB2_2-.Ltmp0, $4  }
0x88: {  	[sflag:s10] =	ssyncadd.s32 $0xFFFFFF80  }
0x89: {  	[tilespmem:s11], [sflag:$0x6] =	stream.indirect.gather [hbm4b:s4+s8], $0x90, s28, s8, $0xb8;
	[tilespmem:$0x1FEA0] =	vst v63  }
0x8a: {  	s31 =	sadd.s32 $0x100, s31;
	_ =	swait.ge [sflag:s12], $0x4800  }
0x8b: {  	s23 =	sshrl.u32 s31, $0x3;
	[sflag:s12] =	ssyncset.done $0x0  }
0x8c: {  	s18 =	sadd.s32 s5, s23;
	[sflag:s12] =	ssyncadd.s32 $0xFFFFB800  }
0x8d: {  	[tilespmem:s21], [sflag:$0x1] =	stream.linear.gather [hbm4b:s18+s3], $0x80, $0x38;
	[tilespmem:$0x1FEA0] =	vst v63  }
0x8e: {  	_ =	swait.ge [sflag:s13], $0x80  }
0x8f: {  	[sflag:s13] =	ssyncset.done $0x0  }
0x90: {  	[sflag:s13] =	ssyncadd.s32 $0xFFFFFF80  }
0x91: {  	[spmem:s1] =	stream.indirect.scatter.add.f32 [tilespmem:s9], [sflag:$0x8], $0x90, s26, s8, $0xb8;
	[tilespmem:$0x1FEA0] =	vst v63  }
0x92: {  	_ =	swait.ge [sflag:s0], $0x4800  }
0x93: {  	[sflag:s0] =	ssyncset.done $0x0  }
0x94: {  	s31 =	sadd.s32 s6, s23;
	[sflag:s0] =	ssyncadd.s32 $0xFFFFB800  }
0x95: {  	[tilespmem:s26], [sflag:$0x3] =	stream.linear.gather [hbm4b:s31+s3], $0x80, $0x38;
	[tilespmem:$0x1FEA0] =	vst v63  }
0x96: {  	_ =	swait.ge [sflag:s2], $0x80  }
0x97: {  	[sflag:s2] =	ssyncset.done $0x0  }
0x98: {  	[sflag:s2] =	ssyncadd.s32 $0xFFFFFF80  }
0x99: {  	[tilespmem:s9], [sflag:$0x5] =	stream.indirect.gather [hbm4b:s4+s8], $0x90, s21, s8, $0xb8;
	[tilespmem:$0x1FEA0] =	vst v63  }
0x9a: {  	_ =	swait.ge [sflag:s14], $0x4800  }
0x9b: {  	[sflag:s14] =	ssyncset.done $0x0  }
0x9c: {  	s22 =	sadd.s32 s25, s20;
	[sflag:s14] =	ssyncadd.s32 $0xFFFFB800  }
0x9d: {  	[tilespmem:s28], [sflag:$0x2] =	stream.linear.gather [hbm4b:s22+s3], $0x80, $0x38;
	[tilespmem:$0x1FEA0] =	vst v63  }
0x9e: {  	_ =	swait.ge [sflag:s16], $0x80  }
0x9f: {  	[sflag:s16] =	ssyncset.done $0x0  }
0xa0: {  	[sflag:s16] =	ssyncadd.s32 $0xFFFFFF80  }
0xa1: {  	[spmem:s1] =	stream.indirect.scatter.add.f32 [tilespmem:s11], [sflag:$0x8], $0x90, s29, s8, $0xb8;
	[tilespmem:$0x1FEA0] =	vst v63  }
0xa2: {  	_ =	swait.ge [sflag:s0], $0x4800  }
0xa3: {  	[sflag:s0] =	ssyncset.done $0x0  }
0xa4: {  	s23 =	sadd.s32 s25, s19;
	[sflag:s0] =	ssyncadd.s32 $0xFFFFB800  }
0xa5: {  	[tilespmem:s29], [sflag:$0x4] =	stream.linear.gather [hbm4b:s23+s3], $0x80, $0x38;
	[tilespmem:$0x1FEA0] =	vst v63  }
0xa6: {  	_ =	swait.ge [sflag:s10], $0x80  }
0xa7: {  	[sflag:s10] =	ssyncset.done $0x0  }
0xa8: {  	[sflag:s10] =	ssyncadd.s32 $0xFFFFFF80  }
0xa9: {  	[tilespmem:s11], [sflag:$0x6] =	stream.indirect.gather [hbm4b:s4+s8], $0x90, s28, s8, $0xb8;
	[tilespmem:$0x1FEA0] =	vst v63  }
0xaa: {  	_ =	swait.ge [sflag:s12], $0x4800  }
0xab: {  	[sflag:s12] =	ssyncset.done $0x0  }
0xac: {  	[sflag:s12] =	ssyncadd.s32 $0xFFFFB800  }
0xad: {  	_ =	swait.ge [sflag:s13], $0x80  }
0xae: {  	[sflag:s13] =	ssyncset.done $0x0  }
0xaf: {  	[sflag:s13] =	ssyncadd.s32 $0xFFFFFF80  }
0xb0: {  	[spmem:s1] =	stream.indirect.scatter.add.f32 [tilespmem:s9], [sflag:$0x8], $0x90, s26, s8, $0xb8;
	[tilespmem:$0x1FEA0] =	vst v63  }
0xb1: {  	_ =	swait.ge [sflag:s0], $0x4800  }
0xb2: {  	[sflag:s0] =	ssyncset.done $0x0  }
0xb3: {  	[sflag:s0] =	ssyncadd.s32 $0xFFFFB800  }
0xb4: {  	_ =	swait.ge [sflag:s14], $0x4800  }
0xb5: {  	[sflag:s14] =	ssyncset.done $0x0  }
0xb6: {  	[sflag:s14] =	ssyncadd.s32 $0xFFFFB800  }
0xb7: {  	_ =	swait.ge [sflag:s16], $0x80  }
0xb8: {  	[sflag:s16] =	ssyncset.done $0x0  }
0xb9: {  	[sflag:s16] =	ssyncadd.s32 $0xFFFFFF80  }
0xba: {  	[spmem:s1] =	stream.indirect.scatter.add.f32 [tilespmem:s11], [sflag:$0x8], $0x90, s29, s8, $0xb8;
	[tilespmem:$0x1FEA0] =	vst v63  }
0xbb: {  	_ =	swait.ge [sflag:s0], $0x4800  }
0xbc: {  	[sflag:s0] =	ssyncset.done $0x0  }
0xbd: {  	[sflag:s0] =	ssyncadd.s32 $0xFFFFB800  }
0xbe: {  	_ =	swait.ge [sflag:s17], $0x10  }
0xbf: {  	[sflag:s17] =	ssyncset.done $0x0  }
0xc0: {  	[sflag:s17] =	ssyncadd.s32 $0xFFFFFFF0  }
0xc1: {  	_ =	swait.ge [sflag:s17], $0x10  }
0xc2: {  	s25 =	simm.s32 $0x10;
	[sflag:s17] =	ssyncset.done $0x0  }
0xc3: {  	s31 =	simm.s32 $0x1F5A0;
	s22 =	simm.s32 $0x1F580;
	[sflag:s17] =	ssyncadd.s32 $0xFFFFFFF0  }
0xc4: {  	[tilespmem:s31], [sflag:$0x5] =	stream.indirect.gather [hbm4b:s4+s25], $0x90, s22, s25, $0xb8;
	[tilespmem:$0x1FEA0] =	vst v63  }
0xc5: {  	_ =	swait.ge [sflag:s12], $0x900  }
0xc6: {  	[sflag:s12] =	ssyncset.done $0x0  }
0xc7: {  	s23 =	simm.s32 $0x1F590;
	[sflag:s12] =	ssyncadd.s32 $0xFFFFF700  }
0xc8: {  	[spmem:s1] =	stream.indirect.scatter.add.f32 [tilespmem:s31], [sflag:$0x8], $0x90, s23, s25, $0xb8;
	[tilespmem:$0x1FEA0] =	vst v63  }
0xc9: {  	_ =	swait.ge [sflag:s0], $0x900  }
0xca: {  	[sflag:s0] =	ssyncset.done $0x0  }
0xcb: {  	[sflag:s0] =	ssyncadd.s32 $0xFFFFF700  }
0xcc: {  	[bflag:$0x0] =	sbarrier.arrive $0xFFFF  }
0xcd: {  	s25 =	rddreg [dreg:$0xa]  }
0xce: {  	[hbm:s25], [sflag:s15] =	dma.local [spmem:s30], $0x2C70  }
0xcf: {  	_ =	swait.ge [sflag:s0], $0x2C70  }
0xd0: {  	s24 =	sadd.s32 $0x1, s24;
	s31 =	rddreg [dreg:$0xb]  }
0xd1: {  	p0 =	sne.s32 s24, s31  }
.Ltmp1:
0xd2: {  	_ = 	snop;
	(pc) =	sbr.rel @p0 .LBB2_1-.Ltmp1, $3  }
0xd3: {  	_ =	sdelay $0x1  }
0xd4: {  	[sflag:s0] =	ssyncset.done $0x0  }
0xd5: {  	[sflag:s0] =	ssyncadd.s32 $0xFFFFD390  }
0xd6: {  	_ =	sfence.sel $0x180000  }
0xd7: {  	[bflag:$0x0] =	sbarrier.arrive $0xFFFF  }
0xd8: {  	_ =	strace $0x90000047  }
0xd9: {  	s0 =	stileid.u32;
	[bflag:$0x2] =	sbarrier.arrive $0xFFFF  }
0xda: {  	p0 =	sne.s32 s0, $0x0;
	s0 =	rddreg [dreg:$0x2]  }
0xdb: {  	s0 =	sadd.s32 @!p0 $0x100000, s0  }
0xdc: {  	[sflag:s0] =	ssyncadd.tile.s32 @!p0 $0x1;
	_ =	shalt  }
.Lfunc_end2:
_tile_overlayer_lowered:
.L_overlay_start_2:
0xdd: {  	(tag) =	ssettag $0x2  }
0xde: {  	s0 =	rddreg [dreg:$0x0];
	s2 =	stileid.u32  }
0xdf: {  	s1 =	rddreg [dreg:$0x1];
	p0 =	sne.s32 s2, $0x0  }
0xe0: {  	s3 =	rddreg [dreg:$0x2];
	[bflag:$0x3] =	sbarrier.arrive $0xFFFF;
	s2 =	simm.s32 @!p0 $0x1C08  }
0xe1: {  	[timem:s3], [sflag:s2] =	dma.local @!p0 [hbm:s0], s1  }
0xe2: {  	s0 =	simm.s32 @!p0 $0x8  }
0xe3: {  	_ =	swait.ge @!p0 [sflag:s0], s1  }
0xe4: {  	s1 =	ssub.s32 @!p0 $0x0, s1;
	[sflag:s0] =	ssyncset.done @!p0 $0x0  }
0xe5: {  	[sflag:s0] =	ssyncadd.s32 @!p0 s1  }
0xe6: {  	[bflag:$0x3] =	sbarrier.arrive $0xFFFF  }
0xe7: {  	_ =	shalt  }

</sc_bundles>
